<compile_context>
chip_gen: v7x
topology: tpu7x:2x2x1
jax: 0.10.2.dev20260603
libtpu: 0.0.44.dev20260713+nightly
codegen_flags: <defaults>
</compile_context>

<pallas_src>
import functools

import jax
import jax.numpy as jnp
from jax import lax
from jax.experimental import pallas as pl
from jax.experimental.pallas import tpu as pltpu
from jax.experimental.pallas import tpu_sc as plsc

_L = 16
_CHUNK = 128
_SETS = 4


@functools.lru_cache(maxsize=None)
def _sc_gather_prod(total, rank, table_rows):
    info = plsc.get_sparse_core_info()
    num_workers = info.num_cores * info.num_subcores
    per_w = total // num_workers
    assert per_w % (_SETS * _CHUNK) == 0
    n_chunks = per_w // _CHUNK
    rounds = n_chunks // _SETS

    mesh = plsc.VectorSubcoreMesh(core_axis_name="c", subcore_axis_name="s")

    buf = lambda shape, dt: pltpu.VMEM(shape, dt)

    @functools.partial(
        pl.kernel,
        mesh=mesh,
        compiler_params=pltpu.CompilerParams(use_tc_tiling_on_sc=False),
        out_type=jax.ShapeDtypeStruct((total, _L), jnp.float32),
        scratch_types=[
            buf((per_w,), jnp.float32),
            buf((per_w,), jnp.float32),
            buf((per_w,), jnp.float32),
            [buf((_CHUNK,), jnp.int32) for _ in range(_SETS)],
            [buf((_CHUNK,), jnp.int32) for _ in range(_SETS)],
            [buf((_CHUNK,), jnp.int32) for _ in range(_SETS)],
            [buf((_CHUNK, rank), jnp.float32) for _ in range(_SETS)],
            [buf((_CHUNK, rank), jnp.float32) for _ in range(_SETS)],
            [buf((_CHUNK, rank), jnp.float32) for _ in range(_SETS)],
            [buf((_CHUNK, _L), jnp.float32) for _ in range(_SETS)],
            [pltpu.SemaphoreType.DMA for _ in range(_SETS)],
            [pltpu.SemaphoreType.DMA for _ in range(_SETS)],
        ],
    )
    def sc_fn(xf, yf, tf, At, Bt, Ct, p_out,
              fx, fy, ft, ix, iy, it, rA, rB, rC, pbuf, semg, semw):
        wid = lax.axis_index("s") * info.num_cores + lax.axis_index("c")
        base = wid * per_w
        pltpu.sync_copy(xf.at[pl.ds(base, per_w)], fx)
        pltpu.sync_copy(yf.at[pl.ds(base, per_w)], fy)
        pltpu.sync_copy(tf.at[pl.ds(base, per_w)], ft)

        xscale = jnp.float32(table_rows - 1)
        yscale = jnp.float32(table_rows)
        hi = table_rows - 1

        def quantize(c, b):
            coff = c * _CHUNK

            @plsc.parallel_loop(0, _CHUNK // _L, unroll=4)
            def _(gi):
                src = pl.ds(coff + gi * _L, _L)
                dst = pl.ds(gi * _L, _L)
                ix[b][dst] = jnp.clip((fx[src] * xscale).astype(jnp.int32), 0, hi)
                iy[b][dst] = jnp.clip((fy[src] * yscale - 1.0).astype(jnp.int32), 0, hi)
                it[b][dst] = jnp.clip((ft[src] * yscale - 1.0).astype(jnp.int32), 0, hi)

        def fire(b):
            pltpu.async_copy(At.at[ix[b]], rA[b], semg[b])
            pltpu.async_copy(Bt.at[iy[b]], rB[b], semg[b])
            pltpu.async_copy(Ct.at[it[b]], rC[b], semg[b])

        def waitg(b):
            pltpu.make_async_copy(At.at[ix[b]], rA[b], semg[b]).wait()
            pltpu.make_async_copy(Bt.at[iy[b]], rB[b], semg[b]).wait()
            pltpu.make_async_copy(Ct.at[it[b]], rC[b], semg[b]).wait()

        lo = pl.ds(0, _L)
        hi_sl = pl.ds(_L, _L)

        def compute(b):
            @plsc.parallel_loop(0, _CHUNK, unroll=8)
            def _(j):
                p = (rA[b][j, lo] * rB[b][j, lo] * rC[b][j, lo]
                     + rA[b][j, hi_sl] * rB[b][j, hi_sl] * rC[b][j, hi_sl])
                pbuf[b][j, lo] = p

        def fire_out(c, b):
            pltpu.async_copy(pbuf[b], p_out.at[pl.ds(base + c * _CHUNK, _CHUNK)], semw[b])

        def wait_out(c, b):
            pltpu.make_async_copy(
                pbuf[b], p_out.at[pl.ds(base + c * _CHUNK, _CHUNK)], semw[b]
            ).wait()

        for s in range(_SETS):
            quantize(s, s)
            fire(s)

        def round_body(r, carry):
            for s in range(_SETS):
                c = r * _SETS + s
                waitg(s)

                @pl.when(r >= 2)
                def _():
                    wait_out(c - 2 * _SETS, s)

                compute(s)
                fire_out(c - _SETS, s)
                quantize(c, s)
                fire(s)
            return carry

        lax.fori_loop(1, rounds, round_body, 0)

        for s in range(_SETS):
            c = n_chunks - _SETS + s
            waitg(s)
            if rounds >= 2:
                wait_out(c - _SETS, s)
            compute(s)
            fire_out(c, s)
        for s in range(_SETS):
            wait_out(n_chunks - _SETS + s, s)

    return sc_fn


@functools.lru_cache(maxsize=None)
def _tc_linear(n, k, feat):
    blk = 1024

    def mm(p_ref, w_ref, b_ref, o_ref):
        o_ref[...] = (
            jnp.dot(p_ref[...], w_ref[...], preferred_element_type=jnp.float32)
            + b_ref[...]
        )

    return pl.pallas_call(
        mm,
        grid=(n // blk,),
        in_specs=[
            pl.BlockSpec((blk, k), lambda i: (i, 0)),
            pl.BlockSpec((k, feat), lambda i: (0, 0)),
            pl.BlockSpec((1, feat), lambda i: (0, 0)),
        ],
        out_specs=pl.BlockSpec((blk, feat), lambda i: (i, 0)),
        out_shape=jax.ShapeDtypeStruct((n, feat), jnp.float32),
    )


def kernel(x_idx, y_idx, t_idx, A, B, C, W, b):
    rank, n = x_idx.shape
    table_rows = A.shape[1]
    feat = W.shape[0]
    total = rank * n

    xf = x_idx.T.reshape(total)
    yf = y_idx.T.reshape(total)
    tf = t_idx.T.reshape(total)
    At = A.T
    Bt = B.T
    Ct = C.T

    p = _sc_gather_prod(total, rank, table_rows)(xf, yf, tf, At, Bt, Ct)

    w2 = jnp.broadcast_to(W.T[:, None, :], (rank, _L, feat)).reshape(rank * _L, feat)
    return _tc_linear(n, rank * _L, feat)(p.reshape(n, rank * _L), w2, b.reshape(1, feat))

# --- scband reference (transcript-rebuilt; emitter-appended) ---
"""Pipeline reference for scband-tensor-cpfield-70884140253839 (READ-ONLY COPY).

The authoritative reference and input builder live on the scoring server;
editing this copy changes nothing except your own understanding.
"""

import jax, jax.numpy as jnp
import numpy as np

RANK = 32
X_SIZE = 65536
Y_SIZE = 65536
T_SIZE = 65536
FEAT = 256
N = 16384


def setup_inputs(seed: int = 0) -> dict:
    key = jax.random.key(seed)
    ks = jax.random.split(key, 8)
    x_idx = jax.random.uniform(ks[0], (RANK, N), dtype=jnp.float32)
    y_idx = jax.random.uniform(ks[1], (RANK, N), dtype=jnp.float32)
    t_idx = jax.random.uniform(ks[2], (RANK, N), dtype=jnp.float32)
    A = jax.random.normal(ks[3], (RANK, X_SIZE), dtype=jnp.float32)
    B = jax.random.normal(ks[4], (RANK, Y_SIZE), dtype=jnp.float32)
    C = jax.random.normal(ks[5], (RANK, T_SIZE), dtype=jnp.float32)
    bound = 1.0 / np.sqrt(RANK)
    W = jax.random.uniform(ks[6], (FEAT, RANK), dtype=jnp.float32, minval=-bound, maxval=bound)
    b = jax.random.uniform(ks[7], (FEAT,), dtype=jnp.float32, minval=-bound, maxval=bound)
    return {"x_idx": x_idx, "y_idx": y_idx, "t_idx": t_idx, "A": A, "B": B, "C": C, "W": W, "b": b}


def reference(x_idx, y_idx, t_idx, A, B, C, W, b):
    # quantize normalized coords to grid indices (faithful to torch, incl. the
    # asymmetric formulas: x uses *(size-1), y/t use *size - 1)
    xi = jnp.clip((x_idx * (A.shape[1] - 1)).astype(jnp.int32), 0, A.shape[1] - 1)
    yi = jnp.clip((y_idx * B.shape[1] - 1).astype(jnp.int32), 0, B.shape[1] - 1)
    ti = jnp.clip((t_idx * C.shape[1] - 1).astype(jnp.int32), 0, C.shape[1] - 1)
    Ax = A[:, xi]  # [rank, rank, N] gather
    By = B[:, yi]
    Ct = C[:, ti]
    feat = Ax * By * Ct          # [rank, rank, N]
    feat = feat.sum(axis=0).T    # [N, rank]
    return feat @ W.T + b        # [N, feature_dim]

if __name__ == "__main__":
    import jax
    _d = setup_inputs()
    print(jax.jit(kernel)(*tuple(_d.values())))

</pallas_src>

<mosaic_0001>
#map = affine_map<(d0, d1) -> (0)>
#map1 = affine_map<(d0, d1) -> (0, 0)>
module attributes {stable_mosaic.version = 14 : i64} {
  func.func @sc_fn(%arg0: i32, %arg1: i32, %arg2: memref<524288xf32, #tpu.memory_space<hbm>>, %arg3: memref<524288xf32, #tpu.memory_space<hbm>>, %arg4: memref<524288xf32, #tpu.memory_space<hbm>>, %arg5: memref<65536x32xf32, #tpu.memory_space<hbm>>, %arg6: memref<65536x32xf32, #tpu.memory_space<hbm>>, %arg7: memref<65536x32xf32, #tpu.memory_space<hbm>>, %arg8: memref<524288x16xf32, #tpu.memory_space<hbm>>, %arg9: memref<16384xf32, #tpu.memory_space<vmem>>, %arg10: memref<16384xf32, #tpu.memory_space<vmem>>, %arg11: memref<16384xf32, #tpu.memory_space<vmem>>, %arg12: memref<128xi32, #tpu.memory_space<vmem>>, %arg13: memref<128xi32, #tpu.memory_space<vmem>>, %arg14: memref<128xi32, #tpu.memory_space<vmem>>, %arg15: memref<128xi32, #tpu.memory_space<vmem>>, %arg16: memref<128xi32, #tpu.memory_space<vmem>>, %arg17: memref<128xi32, #tpu.memory_space<vmem>>, %arg18: memref<128xi32, #tpu.memory_space<vmem>>, %arg19: memref<128xi32, #tpu.memory_space<vmem>>, %arg20: memref<128xi32, #tpu.memory_space<vmem>>, %arg21: memref<128xi32, #tpu.memory_space<vmem>>, %arg22: memref<128xi32, #tpu.memory_space<vmem>>, %arg23: memref<128xi32, #tpu.memory_space<vmem>>, %arg24: memref<128x32xf32, #tpu.memory_space<vmem>>, %arg25: memref<128x32xf32, #tpu.memory_space<vmem>>, %arg26: memref<128x32xf32, #tpu.memory_space<vmem>>, %arg27: memref<128x32xf32, #tpu.memory_space<vmem>>, %arg28: memref<128x32xf32, #tpu.memory_space<vmem>>, %arg29: memref<128x32xf32, #tpu.memory_space<vmem>>, %arg30: memref<128x32xf32, #tpu.memory_space<vmem>>, %arg31: memref<128x32xf32, #tpu.memory_space<vmem>>, %arg32: memref<128x32xf32, #tpu.memory_space<vmem>>, %arg33: memref<128x32xf32, #tpu.memory_space<vmem>>, %arg34: memref<128x32xf32, #tpu.memory_space<vmem>>, %arg35: memref<128x32xf32, #tpu.memory_space<vmem>>, %arg36: memref<128x16xf32, #tpu.memory_space<vmem>>, %arg37: memref<128x16xf32, #tpu.memory_space<vmem>>, %arg38: memref<128x16xf32, #tpu.memory_space<vmem>>, %arg39: memref<128x16xf32, #tpu.memory_space<vmem>>, %arg40: memref<!tpu.dma_semaphore, #tpu.memory_space<semaphore_mem>>, %arg41: memref<!tpu.dma_semaphore, #tpu.memory_space<semaphore_mem>>, %arg42: memref<!tpu.dma_semaphore, #tpu.memory_space<semaphore_mem>>, %arg43: memref<!tpu.dma_semaphore, #tpu.memory_space<semaphore_mem>>, %arg44: memref<!tpu.dma_semaphore, #tpu.memory_space<semaphore_mem>>, %arg45: memref<!tpu.dma_semaphore, #tpu.memory_space<semaphore_mem>>, %arg46: memref<!tpu.dma_semaphore, #tpu.memory_space<semaphore_mem>>, %arg47: memref<!tpu.dma_semaphore, #tpu.memory_space<semaphore_mem>>) attributes {dimension_semantics = [#tpu.dimension_semantics<core_parallel>, #tpu.dimension_semantics<subcore_parallel>], iteration_bounds = array<i64: 2, 16>, scalar_prefetch = 0 : i64, scratch_operands = 39 : i64, tpu.core_type = #tpu.core_type<sc_vector_subcore>, window_params = [{transform_indices = #map}, {transform_indices = #map}, {transform_indices = #map}, {transform_indices = #map1}, {transform_indices = #map1}, {transform_indices = #map1}, {transform_indices = #map1}]} {
    %mul3A = arith.constant 2 : i32
    %mul3A_0 = arith.muli %arg1, %mul3A : i32
    %add3A = arith.addi %mul3A_0, %arg0 : i32
    %mul3A_1 = arith.constant 16384 : i32
    %mul3A_2 = arith.muli %add3A, %mul3A_1 : i32
    "tpu.region"() ({
      %run_scoped3A = tpu.sem_alloc : memref<!tpu.dma_semaphore, #tpu.memory_space<semaphore_mem>>
      %dma_start3A_183 = tpu.memref_slice %arg2[%mul3A_2] : memref<524288xf32, #tpu.memory_space<hbm>> -> memref<16384xf32, #tpu.memory_space<hbm>>
      %dma_start3A_184 = tpu.memref_slice %arg2[%mul3A_2] : memref<524288xf32, #tpu.memory_space<hbm>> -> memref<16384xf32, #tpu.memory_space<hbm>>
      tpu.enqueue_dma source(%dma_start3A_184 : memref<16384xf32, #tpu.memory_space<hbm>>) target(%arg9 : memref<16384xf32, #tpu.memory_space<vmem>>) target_semaphore(%run_scoped3A : memref<!tpu.dma_semaphore, #tpu.memory_space<semaphore_mem>>)
      %dma_wait3A_185 = tpu.memref_slice %arg2[%mul3A_2] : memref<524288xf32, #tpu.memory_space<hbm>> -> memref<16384xf32, #tpu.memory_space<hbm>>
      %dma_wait3A_186 = tpu.memref_slice %arg2[%mul3A_2] : memref<524288xf32, #tpu.memory_space<hbm>> -> memref<16384xf32, #tpu.memory_space<hbm>>
      tpu.wait_dma2 semaphore(%run_scoped3A : memref<!tpu.dma_semaphore, #tpu.memory_space<semaphore_mem>>) src(%dma_wait3A_186 : memref<16384xf32, #tpu.memory_space<hbm>>) dst(%arg9 : memref<16384xf32, #tpu.memory_space<vmem>>)
      tpu.yield
    }) : () -> ()
    "tpu.region"() ({
      %run_scoped3A = tpu.sem_alloc : memref<!tpu.dma_semaphore, #tpu.memory_space<semaphore_mem>>
      %dma_start3A_183 = tpu.memref_slice %arg3[%mul3A_2] : memref<524288xf32, #tpu.memory_space<hbm>> -> memref<16384xf32, #tpu.memory_space<hbm>>
      %dma_start3A_184 = tpu.memref_slice %arg3[%mul3A_2] : memref<524288xf32, #tpu.memory_space<hbm>> -> memref<16384xf32, #tpu.memory_space<hbm>>
      tpu.enqueue_dma source(%dma_start3A_184 : memref<16384xf32, #tpu.memory_space<hbm>>) target(%arg10 : memref<16384xf32, #tpu.memory_space<vmem>>) target_semaphore(%run_scoped3A : memref<!tpu.dma_semaphore, #tpu.memory_space<semaphore_mem>>)
      %dma_wait3A_185 = tpu.memref_slice %arg3[%mul3A_2] : memref<524288xf32, #tpu.memory_space<hbm>> -> memref<16384xf32, #tpu.memory_space<hbm>>
      %dma_wait3A_186 = tpu.memref_slice %arg3[%mul3A_2] : memref<524288xf32, #tpu.memory_space<hbm>> -> memref<16384xf32, #tpu.memory_space<hbm>>
      tpu.wait_dma2 semaphore(%run_scoped3A : memref<!tpu.dma_semaphore, #tpu.memory_space<semaphore_mem>>) src(%dma_wait3A_186 : memref<16384xf32, #tpu.memory_space<hbm>>) dst(%arg10 : memref<16384xf32, #tpu.memory_space<vmem>>)
      tpu.yield
    }) : () -> ()
    "tpu.region"() ({
      %run_scoped3A = tpu.sem_alloc : memref<!tpu.dma_semaphore, #tpu.memory_space<semaphore_mem>>
      %dma_start3A_183 = tpu.memref_slice %arg4[%mul3A_2] : memref<524288xf32, #tpu.memory_space<hbm>> -> memref<16384xf32, #tpu.memory_space<hbm>>
      %dma_start3A_184 = tpu.memref_slice %arg4[%mul3A_2] : memref<524288xf32, #tpu.memory_space<hbm>> -> memref<16384xf32, #tpu.memory_space<hbm>>
      tpu.enqueue_dma source(%dma_start3A_184 : memref<16384xf32, #tpu.memory_space<hbm>>) target(%arg11 : memref<16384xf32, #tpu.memory_space<vmem>>) target_semaphore(%run_scoped3A : memref<!tpu.dma_semaphore, #tpu.memory_space<semaphore_mem>>)
      %dma_wait3A_185 = tpu.memref_slice %arg4[%mul3A_2] : memref<524288xf32, #tpu.memory_space<hbm>> -> memref<16384xf32, #tpu.memory_space<hbm>>
      %dma_wait3A_186 = tpu.memref_slice %arg4[%mul3A_2] : memref<524288xf32, #tpu.memory_space<hbm>> -> memref<16384xf32, #tpu.memory_space<hbm>>
      tpu.wait_dma2 semaphore(%run_scoped3A : memref<!tpu.dma_semaphore, #tpu.memory_space<semaphore_mem>>) src(%dma_wait3A_186 : memref<16384xf32, #tpu.memory_space<hbm>>) dst(%arg11 : memref<16384xf32, #tpu.memory_space<vmem>>)
      tpu.yield
    }) : () -> ()
    %parallel_loop3A = arith.constant 0 : i32
    %parallel_loop3A_3 = arith.constant 8 : i32
    %parallel_loop3A_4 = arith.constant 1 : i32
    %parallel_loop3A_5 = arith.constant 6.553500e+04 : f32
    %parallel_loop3A_6 = arith.constant 6.553600e+04 : f32
    scf.for %parallel_loop3A_183 = %parallel_loop3A to %parallel_loop3A_3 step %parallel_loop3A_4  : i32 {
      %parallel_loop3A_184 = arith.constant 16 : i32
      %parallel_loop3A_185 = arith.muli %parallel_loop3A_183, %parallel_loop3A_184 : i32
      %parallel_loop3A_186 = arith.constant 0 : i32
      %parallel_loop3A_187 = arith.addi %parallel_loop3A_186, %parallel_loop3A_185 : i32
      %parallel_loop3A_188 = arith.constant 16 : i32
      %parallel_loop3A_189 = arith.muli %parallel_loop3A_183, %parallel_loop3A_188 : i32
      %parallel_loop3A_190 = arith.index_cast %parallel_loop3A_187 : i32 to index
      %parallel_loop3A_191 = tpu.vector_load %arg9[%parallel_loop3A_190] {strides = array<i32>} : memref<16384xf32, #tpu.memory_space<vmem>>, vector<16xf32>,
      %parallel_loop3A_192 = vector.shape_cast %parallel_loop3A_191 : vector<16xf32> to vector<16xf32>
      %parallel_loop3A_193 = vector.broadcast %parallel_loop3A_5 : f32 to vector<16xf32>
      %parallel_loop3A_194 = arith.mulf %parallel_loop3A_192, %parallel_loop3A_193 : vector<16xf32>
      %parallel_loop3A_195 = arith.fptosi %parallel_loop3A_194 : vector<16xf32> to vector<16xi32>
      %parallel_loop3A_196 = arith.constant 0 : i32
      %parallel_loop3A_197 = arith.constant 65535 : i32
      %parallel_loop3A_198 = vector.broadcast %parallel_loop3A_196 : i32 to vector<16xi32>
      %parallel_loop3A_199 = arith.maxsi %parallel_loop3A_198, %parallel_loop3A_195 : vector<16xi32>
      %parallel_loop3A_200 = vector.broadcast %parallel_loop3A_197 : i32 to vector<16xi32>
      %parallel_loop3A_201 = arith.minsi %parallel_loop3A_200, %parallel_loop3A_199 : vector<16xi32>
      %parallel_loop3A_202 = arith.index_cast %parallel_loop3A_189 : i32 to index
      %parallel_loop3A_203 = tpu.vector_load %arg12[%parallel_loop3A_202] {strides = array<i32>} : memref<128xi32, #tpu.memory_space<vmem>>, vector<16xi32>,
      %parallel_loop3A_204 = vector.shape_cast %parallel_loop3A_203 : vector<16xi32> to vector<16xi32>
      %parallel_loop3A_205 = vector.shape_cast %parallel_loop3A_201 : vector<16xi32> to vector<16xi32>
      tpu.vector_store %arg12[%parallel_loop3A_202], %parallel_loop3A_205 {strides = array<i32>} : memref<128xi32, #tpu.memory_space<vmem>>, vector<16xi32>,
      %parallel_loop3A_206 = arith.index_cast %parallel_loop3A_187 : i32 to index
      %parallel_loop3A_207 = tpu.vector_load %arg10[%parallel_loop3A_206] {strides = array<i32>} : memref<16384xf32, #tpu.memory_space<vmem>>, vector<16xf32>,
      %parallel_loop3A_208 = vector.shape_cast %parallel_loop3A_207 : vector<16xf32> to vector<16xf32>
      %parallel_loop3A_209 = vector.broadcast %parallel_loop3A_6 : f32 to vector<16xf32>
      %parallel_loop3A_210 = arith.mulf %parallel_loop3A_208, %parallel_loop3A_209 : vector<16xf32>
      %parallel_loop3A_211 = arith.constant 1.000000e+00 : f32
      %parallel_loop3A_212 = vector.broadcast %parallel_loop3A_211 : f32 to vector<16xf32>
      %parallel_loop3A_213 = arith.subf %parallel_loop3A_210, %parallel_loop3A_212 : vector<16xf32>
      %parallel_loop3A_214 = arith.fptosi %parallel_loop3A_213 : vector<16xf32> to vector<16xi32>
      %parallel_loop3A_215 = arith.constant 0 : i32
      %parallel_loop3A_216 = arith.constant 65535 : i32
      %parallel_loop3A_217 = vector.broadcast %parallel_loop3A_215 : i32 to vector<16xi32>
      %parallel_loop3A_218 = arith.maxsi %parallel_loop3A_217, %parallel_loop3A_214 : vector<16xi32>
      %parallel_loop3A_219 = vector.broadcast %parallel_loop3A_216 : i32 to vector<16xi32>
      %parallel_loop3A_220 = arith.minsi %parallel_loop3A_219, %parallel_loop3A_218 : vector<16xi32>
      %parallel_loop3A_221 = arith.index_cast %parallel_loop3A_189 : i32 to index
      %parallel_loop3A_222 = tpu.vector_load %arg16[%parallel_loop3A_221] {strides = array<i32>} : memref<128xi32, #tpu.memory_space<vmem>>, vector<16xi32>,
      %parallel_loop3A_223 = vector.shape_cast %parallel_loop3A_222 : vector<16xi32> to vector<16xi32>
      %parallel_loop3A_224 = vector.shape_cast %parallel_loop3A_220 : vector<16xi32> to vector<16xi32>
      tpu.vector_store %arg16[%parallel_loop3A_221], %parallel_loop3A_224 {strides = array<i32>} : memref<128xi32, #tpu.memory_space<vmem>>, vector<16xi32>,
      %parallel_loop3A_225 = arith.index_cast %parallel_loop3A_187 : i32 to index
      %parallel_loop3A_226 = tpu.vector_load %arg11[%parallel_loop3A_225] {strides = array<i32>} : memref<16384xf32, #tpu.memory_space<vmem>>, vector<16xf32>,
      %parallel_loop3A_227 = vector.shape_cast %parallel_loop3A_226 : vector<16xf32> to vector<16xf32>
      %parallel_loop3A_228 = vector.broadcast %parallel_loop3A_6 : f32 to vector<16xf32>
      %parallel_loop3A_229 = arith.mulf %parallel_loop3A_227, %parallel_loop3A_228 : vector<16xf32>
      %parallel_loop3A_230 = arith.constant 1.000000e+00 : f32
      %parallel_loop3A_231 = vector.broadcast %parallel_loop3A_230 : f32 to vector<16xf32>
      %parallel_loop3A_232 = arith.subf %parallel_loop3A_229, %parallel_loop3A_231 : vector<16xf32>
      %parallel_loop3A_233 = arith.fptosi %parallel_loop3A_232 : vector<16xf32> to vector<16xi32>
      %parallel_loop3A_234 = arith.constant 0 : i32
      %parallel_loop3A_235 = arith.constant 65535 : i32
      %parallel_loop3A_236 = vector.broadcast %parallel_loop3A_234 : i32 to vector<16xi32>
      %parallel_loop3A_237 = arith.maxsi %parallel_loop3A_236, %parallel_loop3A_233 : vector<16xi32>
      %parallel_loop3A_238 = vector.broadcast %parallel_loop3A_235 : i32 to vector<16xi32>
      %parallel_loop3A_239 = arith.minsi %parallel_loop3A_238, %parallel_loop3A_237 : vector<16xi32>
      %parallel_loop3A_240 = arith.index_cast %parallel_loop3A_189 : i32 to index
      %parallel_loop3A_241 = tpu.vector_load %arg20[%parallel_loop3A_240] {strides = array<i32>} : memref<128xi32, #tpu.memory_space<vmem>>, vector<16xi32>,
      %parallel_loop3A_242 = vector.shape_cast %parallel_loop3A_241 : vector<16xi32> to vector<16xi32>
      %parallel_loop3A_243 = vector.shape_cast %parallel_loop3A_239 : vector<16xi32> to vector<16xi32>
      tpu.vector_store %arg20[%parallel_loop3A_240], %parallel_loop3A_243 {strides = array<i32>} : memref<128xi32, #tpu.memory_space<vmem>>, vector<16xi32>,
    } {sc.loop_unroll_factor = 4 : i64, sc.parallel_access}
    %dma_start3A = arith.constant 0 : i32
    %dma_start3A_7 = arith.constant 0 : i32
    %dma_start3A_8 = tpu.memref_slice %arg5[%dma_start3A, %dma_start3A_7] : memref<65536x32xf32, #tpu.memory_space<hbm>> -> memref<65536x32xf32, #tpu.memory_space<hbm>>
    tpu.enqueue_indirect_dma source(%dma_start3A_8 : memref<65536x32xf32, #tpu.memory_space<hbm>>) target(%arg24 : memref<128x32xf32, #tpu.memory_space<vmem>>) offsets(%arg12 : memref<128xi32, #tpu.memory_space<vmem>>) semaphore(%arg40 : memref<!tpu.dma_semaphore, #tpu.memory_space<semaphore_mem>>)
    %dma_start3A_9 = arith.constant 0 : i32
    %dma_start3A_10 = arith.constant 0 : i32
    %dma_start3A_11 = tpu.memref_slice %arg6[%dma_start3A_9, %dma_start3A_10] : memref<65536x32xf32, #tpu.memory_space<hbm>> -> memref<65536x32xf32, #tpu.memory_space<hbm>>
    tpu.enqueue_indirect_dma source(%dma_start3A_11 : memref<65536x32xf32, #tpu.memory_space<hbm>>) target(%arg28 : memref<128x32xf32, #tpu.memory_space<vmem>>) offsets(%arg16 : memref<128xi32, #tpu.memory_space<vmem>>) semaphore(%arg40 : memref<!tpu.dma_semaphore, #tpu.memory_space<semaphore_mem>>)
    %dma_start3A_12 = arith.constant 0 : i32
    %dma_start3A_13 = arith.constant 0 : i32
    %dma_start3A_14 = tpu.memref_slice %arg7[%dma_start3A_12, %dma_start3A_13] : memref<65536x32xf32, #tpu.memory_space<hbm>> -> memref<65536x32xf32, #tpu.memory_space<hbm>>
    tpu.enqueue_indirect_dma source(%dma_start3A_14 : memref<65536x32xf32, #tpu.memory_space<hbm>>) target(%arg32 : memref<128x32xf32, #tpu.memory_space<vmem>>) offsets(%arg20 : memref<128xi32, #tpu.memory_space<vmem>>) semaphore(%arg40 : memref<!tpu.dma_semaphore, #tpu.memory_space<semaphore_mem>>)
    %parallel_loop3A_15 = arith.constant 0 : i32
    %parallel_loop3A_16 = arith.constant 8 : i32
    %parallel_loop3A_17 = arith.constant 1 : i32
    %parallel_loop3A_18 = arith.constant 6.553500e+04 : f32
    %parallel_loop3A_19 = arith.constant 6.553600e+04 : f32
    scf.for %parallel_loop3A_183 = %parallel_loop3A_15 to %parallel_loop3A_16 step %parallel_loop3A_17  : i32 {
      %parallel_loop3A_184 = arith.constant 16 : i32
      %parallel_loop3A_185 = arith.muli %parallel_loop3A_183, %parallel_loop3A_184 : i32
      %parallel_loop3A_186 = arith.constant 128 : i32
      %parallel_loop3A_187 = arith.addi %parallel_loop3A_186, %parallel_loop3A_185 : i32
      %parallel_loop3A_188 = arith.constant 16 : i32
      %parallel_loop3A_189 = arith.muli %parallel_loop3A_183, %parallel_loop3A_188 : i32
      %parallel_loop3A_190 = arith.index_cast %parallel_loop3A_187 : i32 to index
      %parallel_loop3A_191 = tpu.vector_load %arg9[%parallel_loop3A_190] {strides = array<i32>} : memref<16384xf32, #tpu.memory_space<vmem>>, vector<16xf32>,
      %parallel_loop3A_192 = vector.shape_cast %parallel_loop3A_191 : vector<16xf32> to vector<16xf32>
      %parallel_loop3A_193 = vector.broadcast %parallel_loop3A_18 : f32 to vector<16xf32>
      %parallel_loop3A_194 = arith.mulf %parallel_loop3A_192, %parallel_loop3A_193 : vector<16xf32>
      %parallel_loop3A_195 = arith.fptosi %parallel_loop3A_194 : vector<16xf32> to vector<16xi32>
      %parallel_loop3A_196 = arith.constant 0 : i32
      %parallel_loop3A_197 = arith.constant 65535 : i32
      %parallel_loop3A_198 = vector.broadcast %parallel_loop3A_196 : i32 to vector<16xi32>
      %parallel_loop3A_199 = arith.maxsi %parallel_loop3A_198, %parallel_loop3A_195 : vector<16xi32>
      %parallel_loop3A_200 = vector.broadcast %parallel_loop3A_197 : i32 to vector<16xi32>
      %parallel_loop3A_201 = arith.minsi %parallel_loop3A_200, %parallel_loop3A_199 : vector<16xi32>
      %parallel_loop3A_202 = arith.index_cast %parallel_loop3A_189 : i32 to index
      %parallel_loop3A_203 = tpu.vector_load %arg13[%parallel_loop3A_202] {strides = array<i32>} : memref<128xi32, #tpu.memory_space<vmem>>, vector<16xi32>,
      %parallel_loop3A_204 = vector.shape_cast %parallel_loop3A_203 : vector<16xi32> to vector<16xi32>
      %parallel_loop3A_205 = vector.shape_cast %parallel_loop3A_201 : vector<16xi32> to vector<16xi32>
      tpu.vector_store %arg13[%parallel_loop3A_202], %parallel_loop3A_205 {strides = array<i32>} : memref<128xi32, #tpu.memory_space<vmem>>, vector<16xi32>,
      %parallel_loop3A_206 = arith.index_cast %parallel_loop3A_187 : i32 to index
      %parallel_loop3A_207 = tpu.vector_load %arg10[%parallel_loop3A_206] {strides = array<i32>} : memref<16384xf32, #tpu.memory_space<vmem>>, vector<16xf32>,
      %parallel_loop3A_208 = vector.shape_cast %parallel_loop3A_207 : vector<16xf32> to vector<16xf32>
      %parallel_loop3A_209 = vector.broadcast %parallel_loop3A_19 : f32 to vector<16xf32>
      %parallel_loop3A_210 = arith.mulf %parallel_loop3A_208, %parallel_loop3A_209 : vector<16xf32>
      %parallel_loop3A_211 = arith.constant 1.000000e+00 : f32
      %parallel_loop3A_212 = vector.broadcast %parallel_loop3A_211 : f32 to vector<16xf32>
      %parallel_loop3A_213 = arith.subf %parallel_loop3A_210, %parallel_loop3A_212 : vector<16xf32>
      %parallel_loop3A_214 = arith.fptosi %parallel_loop3A_213 : vector<16xf32> to vector<16xi32>
      %parallel_loop3A_215 = arith.constant 0 : i32
      %parallel_loop3A_216 = arith.constant 65535 : i32
      %parallel_loop3A_217 = vector.broadcast %parallel_loop3A_215 : i32 to vector<16xi32>
      %parallel_loop3A_218 = arith.maxsi %parallel_loop3A_217, %parallel_loop3A_214 : vector<16xi32>
      %parallel_loop3A_219 = vector.broadcast %parallel_loop3A_216 : i32 to vector<16xi32>
      %parallel_loop3A_220 = arith.minsi %parallel_loop3A_219, %parallel_loop3A_218 : vector<16xi32>
      %parallel_loop3A_221 = arith.index_cast %parallel_loop3A_189 : i32 to index
      %parallel_loop3A_222 = tpu.vector_load %arg17[%parallel_loop3A_221] {strides = array<i32>} : memref<128xi32, #tpu.memory_space<vmem>>, vector<16xi32>,
      %parallel_loop3A_223 = vector.shape_cast %parallel_loop3A_222 : vector<16xi32> to vector<16xi32>
      %parallel_loop3A_224 = vector.shape_cast %parallel_loop3A_220 : vector<16xi32> to vector<16xi32>
      tpu.vector_store %arg17[%parallel_loop3A_221], %parallel_loop3A_224 {strides = array<i32>} : memref<128xi32, #tpu.memory_space<vmem>>, vector<16xi32>,
      %parallel_loop3A_225 = arith.index_cast %parallel_loop3A_187 : i32 to index
      %parallel_loop3A_226 = tpu.vector_load %arg11[%parallel_loop3A_225] {strides = array<i32>} : memref<16384xf32, #tpu.memory_space<vmem>>, vector<16xf32>,
      %parallel_loop3A_227 = vector.shape_cast %parallel_loop3A_226 : vector<16xf32> to vector<16xf32>
      %parallel_loop3A_228 = vector.broadcast %parallel_loop3A_19 : f32 to vector<16xf32>
      %parallel_loop3A_229 = arith.mulf %parallel_loop3A_227, %parallel_loop3A_228 : vector<16xf32>
      %parallel_loop3A_230 = arith.constant 1.000000e+00 : f32
      %parallel_loop3A_231 = vector.broadcast %parallel_loop3A_230 : f32 to vector<16xf32>
      %parallel_loop3A_232 = arith.subf %parallel_loop3A_229, %parallel_loop3A_231 : vector<16xf32>
      %parallel_loop3A_233 = arith.fptosi %parallel_loop3A_232 : vector<16xf32> to vector<16xi32>
      %parallel_loop3A_234 = arith.constant 0 : i32
      %parallel_loop3A_235 = arith.constant 65535 : i32
      %parallel_loop3A_236 = vector.broadcast %parallel_loop3A_234 : i32 to vector<16xi32>
      %parallel_loop3A_237 = arith.maxsi %parallel_loop3A_236, %parallel_loop3A_233 : vector<16xi32>
      %parallel_loop3A_238 = vector.broadcast %parallel_loop3A_235 : i32 to vector<16xi32>
      %parallel_loop3A_239 = arith.minsi %parallel_loop3A_238, %parallel_loop3A_237 : vector<16xi32>
      %parallel_loop3A_240 = arith.index_cast %parallel_loop3A_189 : i32 to index
      %parallel_loop3A_241 = tpu.vector_load %arg21[%parallel_loop3A_240] {strides = array<i32>} : memref<128xi32, #tpu.memory_space<vmem>>, vector<16xi32>,
      %parallel_loop3A_242 = vector.shape_cast %parallel_loop3A_241 : vector<16xi32> to vector<16xi32>
      %parallel_loop3A_243 = vector.shape_cast %parallel_loop3A_239 : vector<16xi32> to vector<16xi32>
      tpu.vector_store %arg21[%parallel_loop3A_240], %parallel_loop3A_243 {strides = array<i32>} : memref<128xi32, #tpu.memory_space<vmem>>, vector<16xi32>,
    } {sc.loop_unroll_factor = 4 : i64, sc.parallel_access}
    %dma_start3A_20 = arith.constant 0 : i32
    %dma_start3A_21 = arith.constant 0 : i32
    %dma_start3A_22 = tpu.memref_slice %arg5[%dma_start3A_20, %dma_start3A_21] : memref<65536x32xf32, #tpu.memory_space<hbm>> -> memref<65536x32xf32, #tpu.memory_space<hbm>>
    tpu.enqueue_indirect_dma source(%dma_start3A_22 : memref<65536x32xf32, #tpu.memory_space<hbm>>) target(%arg25 : memref<128x32xf32, #tpu.memory_space<vmem>>) offsets(%arg13 : memref<128xi32, #tpu.memory_space<vmem>>) semaphore(%arg41 : memref<!tpu.dma_semaphore, #tpu.memory_space<semaphore_mem>>)
    %dma_start3A_23 = arith.constant 0 : i32
    %dma_start3A_24 = arith.constant 0 : i32
    %dma_start3A_25 = tpu.memref_slice %arg6[%dma_start3A_23, %dma_start3A_24] : memref<65536x32xf32, #tpu.memory_space<hbm>> -> memref<65536x32xf32, #tpu.memory_space<hbm>>
    tpu.enqueue_indirect_dma source(%dma_start3A_25 : memref<65536x32xf32, #tpu.memory_space<hbm>>) target(%arg29 : memref<128x32xf32, #tpu.memory_space<vmem>>) offsets(%arg17 : memref<128xi32, #tpu.memory_space<vmem>>) semaphore(%arg41 : memref<!tpu.dma_semaphore, #tpu.memory_space<semaphore_mem>>)
    %dma_start3A_26 = arith.constant 0 : i32
    %dma_start3A_27 = arith.constant 0 : i32
    %dma_start3A_28 = tpu.memref_slice %arg7[%dma_start3A_26, %dma_start3A_27] : memref<65536x32xf32, #tpu.memory_space<hbm>> -> memref<65536x32xf32, #tpu.memory_space<hbm>>
    tpu.enqueue_indirect_dma source(%dma_start3A_28 : memref<65536x32xf32, #tpu.memory_space<hbm>>) target(%arg33 : memref<128x32xf32, #tpu.memory_space<vmem>>) offsets(%arg21 : memref<128xi32, #tpu.memory_space<vmem>>) semaphore(%arg41 : memref<!tpu.dma_semaphore, #tpu.memory_space<semaphore_mem>>)
    %parallel_loop3A_29 = arith.constant 0 : i32
    %parallel_loop3A_30 = arith.constant 8 : i32
    %parallel_loop3A_31 = arith.constant 1 : i32
    %parallel_loop3A_32 = arith.constant 6.553500e+04 : f32
    %parallel_loop3A_33 = arith.constant 6.553600e+04 : f32
    scf.for %parallel_loop3A_183 = %parallel_loop3A_29 to %parallel_loop3A_30 step %parallel_loop3A_31  : i32 {
      %parallel_loop3A_184 = arith.constant 16 : i32
      %parallel_loop3A_185 = arith.muli %parallel_loop3A_183, %parallel_loop3A_184 : i32
      %parallel_loop3A_186 = arith.constant 256 : i32
      %parallel_loop3A_187 = arith.addi %parallel_loop3A_186, %parallel_loop3A_185 : i32
      %parallel_loop3A_188 = arith.constant 16 : i32
      %parallel_loop3A_189 = arith.muli %parallel_loop3A_183, %parallel_loop3A_188 : i32
      %parallel_loop3A_190 = arith.index_cast %parallel_loop3A_187 : i32 to index
      %parallel_loop3A_191 = tpu.vector_load %arg9[%parallel_loop3A_190] {strides = array<i32>} : memref<16384xf32, #tpu.memory_space<vmem>>, vector<16xf32>,
      %parallel_loop3A_192 = vector.shape_cast %parallel_loop3A_191 : vector<16xf32> to vector<16xf32>
      %parallel_loop3A_193 = vector.broadcast %parallel_loop3A_32 : f32 to vector<16xf32>
      %parallel_loop3A_194 = arith.mulf %parallel_loop3A_192, %parallel_loop3A_193 : vector<16xf32>
      %parallel_loop3A_195 = arith.fptosi %parallel_loop3A_194 : vector<16xf32> to vector<16xi32>
      %parallel_loop3A_196 = arith.constant 0 : i32
      %parallel_loop3A_197 = arith.constant 65535 : i32
      %parallel_loop3A_198 = vector.broadcast %parallel_loop3A_196 : i32 to vector<16xi32>
      %parallel_loop3A_199 = arith.maxsi %parallel_loop3A_198, %parallel_loop3A_195 : vector<16xi32>
      %parallel_loop3A_200 = vector.broadcast %parallel_loop3A_197 : i32 to vector<16xi32>
      %parallel_loop3A_201 = arith.minsi %parallel_loop3A_200, %parallel_loop3A_199 : vector<16xi32>
      %parallel_loop3A_202 = arith.index_cast %parallel_loop3A_189 : i32 to index
      %parallel_loop3A_203 = tpu.vector_load %arg14[%parallel_loop3A_202] {strides = array<i32>} : memref<128xi32, #tpu.memory_space<vmem>>, vector<16xi32>,
      %parallel_loop3A_204 = vector.shape_cast %parallel_loop3A_203 : vector<16xi32> to vector<16xi32>
      %parallel_loop3A_205 = vector.shape_cast %parallel_loop3A_201 : vector<16xi32> to vector<16xi32>
      tpu.vector_store %arg14[%parallel_loop3A_202], %parallel_loop3A_205 {strides = array<i32>} : memref<128xi32, #tpu.memory_space<vmem>>, vector<16xi32>,
      %parallel_loop3A_206 = arith.index_cast %parallel_loop3A_187 : i32 to index
      %parallel_loop3A_207 = tpu.vector_load %arg10[%parallel_loop3A_206] {strides = array<i32>} : memref<16384xf32, #tpu.memory_space<vmem>>, vector<16xf32>,
      %parallel_loop3A_208 = vector.shape_cast %parallel_loop3A_207 : vector<16xf32> to vector<16xf32>
      %parallel_loop3A_209 = vector.broadcast %parallel_loop3A_33 : f32 to vector<16xf32>
      %parallel_loop3A_210 = arith.mulf %parallel_loop3A_208, %parallel_loop3A_209 : vector<16xf32>
      %parallel_loop3A_211 = arith.constant 1.000000e+00 : f32
      %parallel_loop3A_212 = vector.broadcast %parallel_loop3A_211 : f32 to vector<16xf32>
      %parallel_loop3A_213 = arith.subf %parallel_loop3A_210, %parallel_loop3A_212 : vector<16xf32>
      %parallel_loop3A_214 = arith.fptosi %parallel_loop3A_213 : vector<16xf32> to vector<16xi32>
      %parallel_loop3A_215 = arith.constant 0 : i32
      %parallel_loop3A_216 = arith.constant 65535 : i32
      %parallel_loop3A_217 = vector.broadcast %parallel_loop3A_215 : i32 to vector<16xi32>
      %parallel_loop3A_218 = arith.maxsi %parallel_loop3A_217, %parallel_loop3A_214 : vector<16xi32>
      %parallel_loop3A_219 = vector.broadcast %parallel_loop3A_216 : i32 to vector<16xi32>
      %parallel_loop3A_220 = arith.minsi %parallel_loop3A_219, %parallel_loop3A_218 : vector<16xi32>
      %parallel_loop3A_221 = arith.index_cast %parallel_loop3A_189 : i32 to index
      %parallel_loop3A_222 = tpu.vector_load %arg18[%parallel_loop3A_221] {strides = array<i32>} : memref<128xi32, #tpu.memory_space<vmem>>, vector<16xi32>,
      %parallel_loop3A_223 = vector.shape_cast %parallel_loop3A_222 : vector<16xi32> to vector<16xi32>
      %parallel_loop3A_224 = vector.shape_cast %parallel_loop3A_220 : vector<16xi32> to vector<16xi32>
      tpu.vector_store %arg18[%parallel_loop3A_221], %parallel_loop3A_224 {strides = array<i32>} : memref<128xi32, #tpu.memory_space<vmem>>, vector<16xi32>,
      %parallel_loop3A_225 = arith.index_cast %parallel_loop3A_187 : i32 to index
      %parallel_loop3A_226 = tpu.vector_load %arg11[%parallel_loop3A_225] {strides = array<i32>} : memref<16384xf32, #tpu.memory_space<vmem>>, vector<16xf32>,
      %parallel_loop3A_227 = vector.shape_cast %parallel_loop3A_226 : vector<16xf32> to vector<16xf32>
      %parallel_loop3A_228 = vector.broadcast %parallel_loop3A_33 : f32 to vector<16xf32>
      %parallel_loop3A_229 = arith.mulf %parallel_loop3A_227, %parallel_loop3A_228 : vector<16xf32>
      %parallel_loop3A_230 = arith.constant 1.000000e+00 : f32
      %parallel_loop3A_231 = vector.broadcast %parallel_loop3A_230 : f32 to vector<16xf32>
      %parallel_loop3A_232 = arith.subf %parallel_loop3A_229, %parallel_loop3A_231 : vector<16xf32>
      %parallel_loop3A_233 = arith.fptosi %parallel_loop3A_232 : vector<16xf32> to vector<16xi32>
      %parallel_loop3A_234 = arith.constant 0 : i32
      %parallel_loop3A_235 = arith.constant 65535 : i32
      %parallel_loop3A_236 = vector.broadcast %parallel_loop3A_234 : i32 to vector<16xi32>
      %parallel_loop3A_237 = arith.maxsi %parallel_loop3A_236, %parallel_loop3A_233 : vector<16xi32>
      %parallel_loop3A_238 = vector.broadcast %parallel_loop3A_235 : i32 to vector<16xi32>
      %parallel_loop3A_239 = arith.minsi %parallel_loop3A_238, %parallel_loop3A_237 : vector<16xi32>
      %parallel_loop3A_240 = arith.index_cast %parallel_loop3A_189 : i32 to index
      %parallel_loop3A_241 = tpu.vector_load %arg22[%parallel_loop3A_240] {strides = array<i32>} : memref<128xi32, #tpu.memory_space<vmem>>, vector<16xi32>,
      %parallel_loop3A_242 = vector.shape_cast %parallel_loop3A_241 : vector<16xi32> to vector<16xi32>
      %parallel_loop3A_243 = vector.shape_cast %parallel_loop3A_239 : vector<16xi32> to vector<16xi32>
      tpu.vector_store %arg22[%parallel_loop3A_240], %parallel_loop3A_243 {strides = array<i32>} : memref<128xi32, #tpu.memory_space<vmem>>, vector<16xi32>,
    } {sc.loop_unroll_factor = 4 : i64, sc.parallel_access}
    %dma_start3A_34 = arith.constant 0 : i32
    %dma_start3A_35 = arith.constant 0 : i32
    %dma_start3A_36 = tpu.memref_slice %arg5[%dma_start3A_34, %dma_start3A_35] : memref<65536x32xf32, #tpu.memory_space<hbm>> -> memref<65536x32xf32, #tpu.memory_space<hbm>>
    tpu.enqueue_indirect_dma source(%dma_start3A_36 : memref<65536x32xf32, #tpu.memory_space<hbm>>) target(%arg26 : memref<128x32xf32, #tpu.memory_space<vmem>>) offsets(%arg14 : memref<128xi32, #tpu.memory_space<vmem>>) semaphore(%arg42 : memref<!tpu.dma_semaphore, #tpu.memory_space<semaphore_mem>>)
    %dma_start3A_37 = arith.constant 0 : i32
    %dma_start3A_38 = arith.constant 0 : i32
    %dma_start3A_39 = tpu.memref_slice %arg6[%dma_start3A_37, %dma_start3A_38] : memref<65536x32xf32, #tpu.memory_space<hbm>> -> memref<65536x32xf32, #tpu.memory_space<hbm>>
    tpu.enqueue_indirect_dma source(%dma_start3A_39 : memref<65536x32xf32, #tpu.memory_space<hbm>>) target(%arg30 : memref<128x32xf32, #tpu.memory_space<vmem>>) offsets(%arg18 : memref<128xi32, #tpu.memory_space<vmem>>) semaphore(%arg42 : memref<!tpu.dma_semaphore, #tpu.memory_space<semaphore_mem>>)
    %dma_start3A_40 = arith.constant 0 : i32
    %dma_start3A_41 = arith.constant 0 : i32
    %dma_start3A_42 = tpu.memref_slice %arg7[%dma_start3A_40, %dma_start3A_41] : memref<65536x32xf32, #tpu.memory_space<hbm>> -> memref<65536x32xf32, #tpu.memory_space<hbm>>
    tpu.enqueue_indirect_dma source(%dma_start3A_42 : memref<65536x32xf32, #tpu.memory_space<hbm>>) target(%arg34 : memref<128x32xf32, #tpu.memory_space<vmem>>) offsets(%arg22 : memref<128xi32, #tpu.memory_space<vmem>>) semaphore(%arg42 : memref<!tpu.dma_semaphore, #tpu.memory_space<semaphore_mem>>)
    %parallel_loop3A_43 = arith.constant 0 : i32
    %parallel_loop3A_44 = arith.constant 8 : i32
    %parallel_loop3A_45 = arith.constant 1 : i32
    %parallel_loop3A_46 = arith.constant 6.553500e+04 : f32
    %parallel_loop3A_47 = arith.constant 6.553600e+04 : f32
    scf.for %parallel_loop3A_183 = %parallel_loop3A_43 to %parallel_loop3A_44 step %parallel_loop3A_45  : i32 {
      %parallel_loop3A_184 = arith.constant 16 : i32
      %parallel_loop3A_185 = arith.muli %parallel_loop3A_183, %parallel_loop3A_184 : i32
      %parallel_loop3A_186 = arith.constant 384 : i32
      %parallel_loop3A_187 = arith.addi %parallel_loop3A_186, %parallel_loop3A_185 : i32
      %parallel_loop3A_188 = arith.constant 16 : i32
      %parallel_loop3A_189 = arith.muli %parallel_loop3A_183, %parallel_loop3A_188 : i32
      %parallel_loop3A_190 = arith.index_cast %parallel_loop3A_187 : i32 to index
      %parallel_loop3A_191 = tpu.vector_load %arg9[%parallel_loop3A_190] {strides = array<i32>} : memref<16384xf32, #tpu.memory_space<vmem>>, vector<16xf32>,
      %parallel_loop3A_192 = vector.shape_cast %parallel_loop3A_191 : vector<16xf32> to vector<16xf32>
      %parallel_loop3A_193 = vector.broadcast %parallel_loop3A_46 : f32 to vector<16xf32>
      %parallel_loop3A_194 = arith.mulf %parallel_loop3A_192, %parallel_loop3A_193 : vector<16xf32>
      %parallel_loop3A_195 = arith.fptosi %parallel_loop3A_194 : vector<16xf32> to vector<16xi32>
      %parallel_loop3A_196 = arith.constant 0 : i32
      %parallel_loop3A_197 = arith.constant 65535 : i32
      %parallel_loop3A_198 = vector.broadcast %parallel_loop3A_196 : i32 to vector<16xi32>
      %parallel_loop3A_199 = arith.maxsi %parallel_loop3A_198, %parallel_loop3A_195 : vector<16xi32>
      %parallel_loop3A_200 = vector.broadcast %parallel_loop3A_197 : i32 to vector<16xi32>
      %parallel_loop3A_201 = arith.minsi %parallel_loop3A_200, %parallel_loop3A_199 : vector<16xi32>
      %parallel_loop3A_202 = arith.index_cast %parallel_loop3A_189 : i32 to index
      %parallel_loop3A_203 = tpu.vector_load %arg15[%parallel_loop3A_202] {strides = array<i32>} : memref<128xi32, #tpu.memory_space<vmem>>, vector<16xi32>,
      %parallel_loop3A_204 = vector.shape_cast %parallel_loop3A_203 : vector<16xi32> to vector<16xi32>
      %parallel_loop3A_205 = vector.shape_cast %parallel_loop3A_201 : vector<16xi32> to vector<16xi32>
      tpu.vector_store %arg15[%parallel_loop3A_202], %parallel_loop3A_205 {strides = array<i32>} : memref<128xi32, #tpu.memory_space<vmem>>, vector<16xi32>,
      %parallel_loop3A_206 = arith.index_cast %parallel_loop3A_187 : i32 to index
      %parallel_loop3A_207 = tpu.vector_load %arg10[%parallel_loop3A_206] {strides = array<i32>} : memref<16384xf32, #tpu.memory_space<vmem>>, vector<16xf32>,
      %parallel_loop3A_208 = vector.shape_cast %parallel_loop3A_207 : vector<16xf32> to vector<16xf32>
      %parallel_loop3A_209 = vector.broadcast %parallel_loop3A_47 : f32 to vector<16xf32>
      %parallel_loop3A_210 = arith.mulf %parallel_loop3A_208, %parallel_loop3A_209 : vector<16xf32>
      %parallel_loop3A_211 = arith.constant 1.000000e+00 : f32
      %parallel_loop3A_212 = vector.broadcast %parallel_loop3A_211 : f32 to vector<16xf32>
      %parallel_loop3A_213 = arith.subf %parallel_loop3A_210, %parallel_loop3A_212 : vector<16xf32>
      %parallel_loop3A_214 = arith.fptosi %parallel_loop3A_213 : vector<16xf32> to vector<16xi32>
      %parallel_loop3A_215 = arith.constant 0 : i32
      %parallel_loop3A_216 = arith.constant 65535 : i32
      %parallel_loop3A_217 = vector.broadcast %parallel_loop3A_215 : i32 to vector<16xi32>
      %parallel_loop3A_218 = arith.maxsi %parallel_loop3A_217, %parallel_loop3A_214 : vector<16xi32>
      %parallel_loop3A_219 = vector.broadcast %parallel_loop3A_216 : i32 to vector<16xi32>
      %parallel_loop3A_220 = arith.minsi %parallel_loop3A_219, %parallel_loop3A_218 : vector<16xi32>
      %parallel_loop3A_221 = arith.index_cast %parallel_loop3A_189 : i32 to index
      %parallel_loop3A_222 = tpu.vector_load %arg19[%parallel_loop3A_221] {strides = array<i32>} : memref<128xi32, #tpu.memory_space<vmem>>, vector<16xi32>,
      %parallel_loop3A_223 = vector.shape_cast %parallel_loop3A_222 : vector<16xi32> to vector<16xi32>
      %parallel_loop3A_224 = vector.shape_cast %parallel_loop3A_220 : vector<16xi32> to vector<16xi32>
      tpu.vector_store %arg19[%parallel_loop3A_221], %parallel_loop3A_224 {strides = array<i32>} : memref<128xi32, #tpu.memory_space<vmem>>, vector<16xi32>,
      %parallel_loop3A_225 = arith.index_cast %parallel_loop3A_187 : i32 to index
      %parallel_loop3A_226 = tpu.vector_load %arg11[%parallel_loop3A_225] {strides = array<i32>} : memref<16384xf32, #tpu.memory_space<vmem>>, vector<16xf32>,
      %parallel_loop3A_227 = vector.shape_cast %parallel_loop3A_226 : vector<16xf32> to vector<16xf32>
      %parallel_loop3A_228 = vector.broadcast %parallel_loop3A_47 : f32 to vector<16xf32>
      %parallel_loop3A_229 = arith.mulf %parallel_loop3A_227, %parallel_loop3A_228 : vector<16xf32>
      %parallel_loop3A_230 = arith.constant 1.000000e+00 : f32
      %parallel_loop3A_231 = vector.broadcast %parallel_loop3A_230 : f32 to vector<16xf32>
      %parallel_loop3A_232 = arith.subf %parallel_loop3A_229, %parallel_loop3A_231 : vector<16xf32>
      %parallel_loop3A_233 = arith.fptosi %parallel_loop3A_232 : vector<16xf32> to vector<16xi32>
      %parallel_loop3A_234 = arith.constant 0 : i32
      %parallel_loop3A_235 = arith.constant 65535 : i32
      %parallel_loop3A_236 = vector.broadcast %parallel_loop3A_234 : i32 to vector<16xi32>
      %parallel_loop3A_237 = arith.maxsi %parallel_loop3A_236, %parallel_loop3A_233 : vector<16xi32>
      %parallel_loop3A_238 = vector.broadcast %parallel_loop3A_235 : i32 to vector<16xi32>
      %parallel_loop3A_239 = arith.minsi %parallel_loop3A_238, %parallel_loop3A_237 : vector<16xi32>
      %parallel_loop3A_240 = arith.index_cast %parallel_loop3A_189 : i32 to index
      %parallel_loop3A_241 = tpu.vector_load %arg23[%parallel_loop3A_240] {strides = array<i32>} : memref<128xi32, #tpu.memory_space<vmem>>, vector<16xi32>,
      %parallel_loop3A_242 = vector.shape_cast %parallel_loop3A_241 : vector<16xi32> to vector<16xi32>
      %parallel_loop3A_243 = vector.shape_cast %parallel_loop3A_239 : vector<16xi32> to vector<16xi32>
      tpu.vector_store %arg23[%parallel_loop3A_240], %parallel_loop3A_243 {strides = array<i32>} : memref<128xi32, #tpu.memory_space<vmem>>, vector<16xi32>,
    } {sc.loop_unroll_factor = 4 : i64, sc.parallel_access}
    %dma_start3A_48 = arith.constant 0 : i32
    %dma_start3A_49 = arith.constant 0 : i32
    %dma_start3A_50 = tpu.memref_slice %arg5[%dma_start3A_48, %dma_start3A_49] : memref<65536x32xf32, #tpu.memory_space<hbm>> -> memref<65536x32xf32, #tpu.memory_space<hbm>>
    tpu.enqueue_indirect_dma source(%dma_start3A_50 : memref<65536x32xf32, #tpu.memory_space<hbm>>) target(%arg27 : memref<128x32xf32, #tpu.memory_space<vmem>>) offsets(%arg15 : memref<128xi32, #tpu.memory_space<vmem>>) semaphore(%arg43 : memref<!tpu.dma_semaphore, #tpu.memory_space<semaphore_mem>>)
    %dma_start3A_51 = arith.constant 0 : i32
    %dma_start3A_52 = arith.constant 0 : i32
    %dma_start3A_53 = tpu.memref_slice %arg6[%dma_start3A_51, %dma_start3A_52] : memref<65536x32xf32, #tpu.memory_space<hbm>> -> memref<65536x32xf32, #tpu.memory_space<hbm>>
    tpu.enqueue_indirect_dma source(%dma_start3A_53 : memref<65536x32xf32, #tpu.memory_space<hbm>>) target(%arg31 : memref<128x32xf32, #tpu.memory_space<vmem>>) offsets(%arg19 : memref<128xi32, #tpu.memory_space<vmem>>) semaphore(%arg43 : memref<!tpu.dma_semaphore, #tpu.memory_space<semaphore_mem>>)
    %dma_start3A_54 = arith.constant 0 : i32
    %dma_start3A_55 = arith.constant 0 : i32
    %dma_start3A_56 = tpu.memref_slice %arg7[%dma_start3A_54, %dma_start3A_55] : memref<65536x32xf32, #tpu.memory_space<hbm>> -> memref<65536x32xf32, #tpu.memory_space<hbm>>
    tpu.enqueue_indirect_dma source(%dma_start3A_56 : memref<65536x32xf32, #tpu.memory_space<hbm>>) target(%arg35 : memref<128x32xf32, #tpu.memory_space<vmem>>) offsets(%arg23 : memref<128xi32, #tpu.memory_space<vmem>>) semaphore(%arg43 : memref<!tpu.dma_semaphore, #tpu.memory_space<semaphore_mem>>)
    %scan3A = arith.constant 0 : i32
    %scan3A_57 = arith.constant 6.553500e+04 : f32
    %scan3A_58 = arith.constant 6.553600e+04 : f32
    %scan3A_59 = arith.constant 1 : i32
    %scan3A_60 = arith.constant 31 : i32
    %scan3A_61 = arith.addi %scan3A_59, %scan3A_60 : i32
    %scan3A_62 = arith.constant 1 : i32
    scf.for %scan3A_183 = %scan3A_59 to %scan3A_61 step %scan3A_62  : i32 {
      %mul3A_184 = arith.constant 4 : i32
      %mul3A_185 = arith.muli %scan3A_183, %mul3A_184 : i32
      %add3A_186 = arith.constant 0 : i32
      %add3A_187 = arith.addi %mul3A_185, %add3A_186 : i32
      %dma_wait3A_188 = arith.constant 0 : i32
      %dma_wait3A_189 = arith.constant 0 : i32
      %dma_wait3A_190 = tpu.memref_slice %arg5[%dma_wait3A_188, %dma_wait3A_189] : memref<65536x32xf32, #tpu.memory_space<hbm>> -> memref<65536x32xf32, #tpu.memory_space<hbm>>
      tpu.wait_indirect_dma semaphore(%arg40 : memref<!tpu.dma_semaphore, #tpu.memory_space<semaphore_mem>>) src(%dma_wait3A_190 : memref<65536x32xf32, #tpu.memory_space<hbm>>) dst(%arg24 : memref<128x32xf32, #tpu.memory_space<vmem>>)
      %dma_wait3A_191 = arith.constant 0 : i32
      %dma_wait3A_192 = arith.constant 0 : i32
      %dma_wait3A_193 = tpu.memref_slice %arg6[%dma_wait3A_191, %dma_wait3A_192] : memref<65536x32xf32, #tpu.memory_space<hbm>> -> memref<65536x32xf32, #tpu.memory_space<hbm>>
      tpu.wait_indirect_dma semaphore(%arg40 : memref<!tpu.dma_semaphore, #tpu.memory_space<semaphore_mem>>) src(%dma_wait3A_193 : memref<65536x32xf32, #tpu.memory_space<hbm>>) dst(%arg28 : memref<128x32xf32, #tpu.memory_space<vmem>>)
      %dma_wait3A_194 = arith.constant 0 : i32
      %dma_wait3A_195 = arith.constant 0 : i32
      %dma_wait3A_196 = tpu.memref_slice %arg7[%dma_wait3A_194, %dma_wait3A_195] : memref<65536x32xf32, #tpu.memory_space<hbm>> -> memref<65536x32xf32, #tpu.memory_space<hbm>>
      tpu.wait_indirect_dma semaphore(%arg40 : memref<!tpu.dma_semaphore, #tpu.memory_space<semaphore_mem>>) src(%dma_wait3A_196 : memref<65536x32xf32, #tpu.memory_space<hbm>>) dst(%arg32 : memref<128x32xf32, #tpu.memory_space<vmem>>)
      %ge3A = arith.constant 2 : i32
      %ge3A_197 = arith.cmpi sge, %scan3A_183, %ge3A : i32
      %convert_element_type3A = arith.extui %ge3A_197 : i1 to i32
      %cond3A = arith.constant 0 : i32
      %cond3A_198 = arith.cmpi ne, %convert_element_type3A, %cond3A : i32
      scf.if %cond3A_198 {
        %sub3A_356 = arith.constant 8 : i32
        %sub3A_357 = arith.subi %add3A_187, %sub3A_356 : i32
        %mul3A_358 = arith.constant 128 : i32
        %mul3A_359 = arith.muli %sub3A_357, %mul3A_358 : i32
        %add3A_360 = arith.addi %mul3A_2, %mul3A_359 : i32
        %dma_wait3A_361 = arith.constant 0 : i32
        %dma_wait3A_362 = tpu.memref_slice %arg8[%add3A_360, %dma_wait3A_361] : memref<524288x16xf32, #tpu.memory_space<hbm>> -> memref<128x16xf32, #tpu.memory_space<hbm>>
        %dma_wait3A_363 = arith.constant 0 : i32
        %dma_wait3A_364 = tpu.memref_slice %arg8[%add3A_360, %dma_wait3A_363] : memref<524288x16xf32, #tpu.memory_space<hbm>> -> memref<128x16xf32, #tpu.memory_space<hbm>>
        tpu.wait_dma2 semaphore(%arg44 : memref<!tpu.dma_semaphore, #tpu.memory_space<semaphore_mem>>) src(%arg36 : memref<128x16xf32, #tpu.memory_space<vmem>>) dst(%dma_wait3A_364 : memref<128x16xf32, #tpu.memory_space<hbm>>)
      } else {
      }
      %parallel_loop3A_199 = arith.constant 0 : i32
      %parallel_loop3A_200 = arith.constant 128 : i32
      %parallel_loop3A_201 = arith.constant 1 : i32
      scf.for %parallel_loop3A_356 = %parallel_loop3A_199 to %parallel_loop3A_200 step %parallel_loop3A_201  : i32 {
        %parallel_loop3A_357 = arith.index_cast %parallel_loop3A_356 : i32 to index
        %parallel_loop3A_358 = arith.constant 0 : index
        %parallel_loop3A_359 = tpu.vector_load %arg24[%parallel_loop3A_357, %parallel_loop3A_358] {strides = array<i32>} : memref<128x32xf32, #tpu.memory_space<vmem>>, vector<1x16xf32>,
        %parallel_loop3A_360 = vector.shape_cast %parallel_loop3A_359 : vector<1x16xf32> to vector<16xf32>
        %parallel_loop3A_361 = arith.index_cast %parallel_loop3A_356 : i32 to index
        %parallel_loop3A_362 = arith.constant 0 : index
        %parallel_loop3A_363 = tpu.vector_load %arg28[%parallel_loop3A_361, %parallel_loop3A_362] {strides = array<i32>} : memref<128x32xf32, #tpu.memory_space<vmem>>, vector<1x16xf32>,
        %parallel_loop3A_364 = vector.shape_cast %parallel_loop3A_363 : vector<1x16xf32> to vector<16xf32>
        %parallel_loop3A_365 = arith.mulf %parallel_loop3A_360, %parallel_loop3A_364 : vector<16xf32>
        %parallel_loop3A_366 = arith.index_cast %parallel_loop3A_356 : i32 to index
        %parallel_loop3A_367 = arith.constant 0 : index
        %parallel_loop3A_368 = tpu.vector_load %arg32[%parallel_loop3A_366, %parallel_loop3A_367] {strides = array<i32>} : memref<128x32xf32, #tpu.memory_space<vmem>>, vector<1x16xf32>,
        %parallel_loop3A_369 = vector.shape_cast %parallel_loop3A_368 : vector<1x16xf32> to vector<16xf32>
        %parallel_loop3A_370 = arith.mulf %parallel_loop3A_365, %parallel_loop3A_369 : vector<16xf32>
        %parallel_loop3A_371 = arith.index_cast %parallel_loop3A_356 : i32 to index
        %parallel_loop3A_372 = arith.constant 16 : index
        %parallel_loop3A_373 = tpu.vector_load %arg24[%parallel_loop3A_371, %parallel_loop3A_372] {strides = array<i32>} : memref<128x32xf32, #tpu.memory_space<vmem>>, vector<1x16xf32>,
        %parallel_loop3A_374 = vector.shape_cast %parallel_loop3A_373 : vector<1x16xf32> to vector<16xf32>
        %parallel_loop3A_375 = arith.index_cast %parallel_loop3A_356 : i32 to index
        %parallel_loop3A_376 = arith.constant 16 : index
        %parallel_loop3A_377 = tpu.vector_load %arg28[%parallel_loop3A_375, %parallel_loop3A_376] {strides = array<i32>} : memref<128x32xf32, #tpu.memory_space<vmem>>, vector<1x16xf32>,
        %parallel_loop3A_378 = vector.shape_cast %parallel_loop3A_377 : vector<1x16xf32> to vector<16xf32>
        %parallel_loop3A_379 = arith.mulf %parallel_loop3A_374, %parallel_loop3A_378 : vector<16xf32>
        %parallel_loop3A_380 = arith.index_cast %parallel_loop3A_356 : i32 to index
        %parallel_loop3A_381 = arith.constant 16 : index
        %parallel_loop3A_382 = tpu.vector_load %arg32[%parallel_loop3A_380, %parallel_loop3A_381] {strides = array<i32>} : memref<128x32xf32, #tpu.memory_space<vmem>>, vector<1x16xf32>,
        %parallel_loop3A_383 = vector.shape_cast %parallel_loop3A_382 : vector<1x16xf32> to vector<16xf32>
        %parallel_loop3A_384 = arith.mulf %parallel_loop3A_379, %parallel_loop3A_383 : vector<16xf32>
        %parallel_loop3A_385 = arith.addf %parallel_loop3A_370, %parallel_loop3A_384 : vector<16xf32>
        %parallel_loop3A_386 = arith.index_cast %parallel_loop3A_356 : i32 to index
        %parallel_loop3A_387 = arith.constant 0 : index
        %parallel_loop3A_388 = tpu.vector_load %arg36[%parallel_loop3A_386, %parallel_loop3A_387] {strides = array<i32>} : memref<128x16xf32, #tpu.memory_space<vmem>>, vector<1x16xf32>,
        %parallel_loop3A_389 = vector.shape_cast %parallel_loop3A_388 : vector<1x16xf32> to vector<16xf32>
        %parallel_loop3A_390 = vector.shape_cast %parallel_loop3A_385 : vector<16xf32> to vector<1x16xf32>
        tpu.vector_store %arg36[%parallel_loop3A_386, %parallel_loop3A_387], %parallel_loop3A_390 {strides = array<i32>} : memref<128x16xf32, #tpu.memory_space<vmem>>, vector<1x16xf32>,
      } {sc.loop_unroll_factor = 8 : i64, sc.parallel_access}
      %sub3A = arith.constant 4 : i32
      %sub3A_202 = arith.subi %add3A_187, %sub3A : i32
      %mul3A_203 = arith.constant 128 : i32
      %mul3A_204 = arith.muli %sub3A_202, %mul3A_203 : i32
      %add3A_205 = arith.addi %mul3A_2, %mul3A_204 : i32
      %dma_start3A_206 = arith.constant 0 : i32
      %dma_start3A_207 = tpu.memref_slice %arg8[%add3A_205, %dma_start3A_206] : memref<524288x16xf32, #tpu.memory_space<hbm>> -> memref<128x16xf32, #tpu.memory_space<hbm>>
      %dma_start3A_208 = arith.constant 0 : i32
      %dma_start3A_209 = tpu.memref_slice %arg8[%add3A_205, %dma_start3A_208] : memref<524288x16xf32, #tpu.memory_space<hbm>> -> memref<128x16xf32, #tpu.memory_space<hbm>>
      tpu.enqueue_dma source(%arg36 : memref<128x16xf32, #tpu.memory_space<vmem>>) target(%dma_start3A_209 : memref<128x16xf32, #tpu.memory_space<hbm>>) target_semaphore(%arg44 : memref<!tpu.dma_semaphore, #tpu.memory_space<semaphore_mem>>)
      %mul3A_210 = arith.constant 128 : i32
      %mul3A_211 = arith.muli %add3A_187, %mul3A_210 : i32
      %parallel_loop3A_212 = arith.constant 0 : i32
      %parallel_loop3A_213 = arith.constant 8 : i32
      %parallel_loop3A_214 = arith.constant 1 : i32
      scf.for %parallel_loop3A_356 = %parallel_loop3A_212 to %parallel_loop3A_213 step %parallel_loop3A_214  : i32 {
        %parallel_loop3A_357 = arith.constant 16 : i32
        %parallel_loop3A_358 = arith.muli %parallel_loop3A_356, %parallel_loop3A_357 : i32
        %parallel_loop3A_359 = arith.addi %mul3A_211, %parallel_loop3A_358 : i32
        %parallel_loop3A_360 = arith.constant 16 : i32
        %parallel_loop3A_361 = arith.muli %parallel_loop3A_356, %parallel_loop3A_360 : i32
        %parallel_loop3A_362 = arith.index_cast %parallel_loop3A_359 : i32 to index
        %parallel_loop3A_363 = tpu.vector_load %arg9[%parallel_loop3A_362] {strides = array<i32>} : memref<16384xf32, #tpu.memory_space<vmem>>, vector<16xf32>,
        %parallel_loop3A_364 = vector.shape_cast %parallel_loop3A_363 : vector<16xf32> to vector<16xf32>
        %parallel_loop3A_365 = vector.broadcast %scan3A_57 : f32 to vector<16xf32>
        %parallel_loop3A_366 = arith.mulf %parallel_loop3A_364, %parallel_loop3A_365 : vector<16xf32>
        %parallel_loop3A_367 = arith.fptosi %parallel_loop3A_366 : vector<16xf32> to vector<16xi32>
        %parallel_loop3A_368 = arith.constant 0 : i32
        %parallel_loop3A_369 = arith.constant 65535 : i32
        %parallel_loop3A_370 = vector.broadcast %parallel_loop3A_368 : i32 to vector<16xi32>
        %parallel_loop3A_371 = arith.maxsi %parallel_loop3A_370, %parallel_loop3A_367 : vector<16xi32>
        %parallel_loop3A_372 = vector.broadcast %parallel_loop3A_369 : i32 to vector<16xi32>
        %parallel_loop3A_373 = arith.minsi %parallel_loop3A_372, %parallel_loop3A_371 : vector<16xi32>
        %parallel_loop3A_374 = arith.index_cast %parallel_loop3A_361 : i32 to index
        %parallel_loop3A_375 = tpu.vector_load %arg12[%parallel_loop3A_374] {strides = array<i32>} : memref<128xi32, #tpu.memory_space<vmem>>, vector<16xi32>,
        %parallel_loop3A_376 = vector.shape_cast %parallel_loop3A_375 : vector<16xi32> to vector<16xi32>
        %parallel_loop3A_377 = vector.shape_cast %parallel_loop3A_373 : vector<16xi32> to vector<16xi32>
        tpu.vector_store %arg12[%parallel_loop3A_374], %parallel_loop3A_377 {strides = array<i32>} : memref<128xi32, #tpu.memory_space<vmem>>, vector<16xi32>,
        %parallel_loop3A_378 = arith.index_cast %parallel_loop3A_359 : i32 to index
        %parallel_loop3A_379 = tpu.vector_load %arg10[%parallel_loop3A_378] {strides = array<i32>} : memref<16384xf32, #tpu.memory_space<vmem>>, vector<16xf32>,
        %parallel_loop3A_380 = vector.shape_cast %parallel_loop3A_379 : vector<16xf32> to vector<16xf32>
        %parallel_loop3A_381 = vector.broadcast %scan3A_58 : f32 to vector<16xf32>
        %parallel_loop3A_382 = arith.mulf %parallel_loop3A_380, %parallel_loop3A_381 : vector<16xf32>
        %parallel_loop3A_383 = arith.constant 1.000000e+00 : f32
        %parallel_loop3A_384 = vector.broadcast %parallel_loop3A_383 : f32 to vector<16xf32>
        %parallel_loop3A_385 = arith.subf %parallel_loop3A_382, %parallel_loop3A_384 : vector<16xf32>
        %parallel_loop3A_386 = arith.fptosi %parallel_loop3A_385 : vector<16xf32> to vector<16xi32>
        %parallel_loop3A_387 = arith.constant 0 : i32
        %parallel_loop3A_388 = arith.constant 65535 : i32
        %parallel_loop3A_389 = vector.broadcast %parallel_loop3A_387 : i32 to vector<16xi32>
        %parallel_loop3A_390 = arith.maxsi %parallel_loop3A_389, %parallel_loop3A_386 : vector<16xi32>
        %parallel_loop3A_391 = vector.broadcast %parallel_loop3A_388 : i32 to vector<16xi32>
        %parallel_loop3A_392 = arith.minsi %parallel_loop3A_391, %parallel_loop3A_390 : vector<16xi32>
        %parallel_loop3A_393 = arith.index_cast %parallel_loop3A_361 : i32 to index
        %parallel_loop3A_394 = tpu.vector_load %arg16[%parallel_loop3A_393] {strides = array<i32>} : memref<128xi32, #tpu.memory_space<vmem>>, vector<16xi32>,
        %parallel_loop3A_395 = vector.shape_cast %parallel_loop3A_394 : vector<16xi32> to vector<16xi32>
        %parallel_loop3A_396 = vector.shape_cast %parallel_loop3A_392 : vector<16xi32> to vector<16xi32>
        tpu.vector_store %arg16[%parallel_loop3A_393], %parallel_loop3A_396 {strides = array<i32>} : memref<128xi32, #tpu.memory_space<vmem>>, vector<16xi32>,
        %parallel_loop3A_397 = arith.index_cast %parallel_loop3A_359 : i32 to index
        %parallel_loop3A_398 = tpu.vector_load %arg11[%parallel_loop3A_397] {strides = array<i32>} : memref<16384xf32, #tpu.memory_space<vmem>>, vector<16xf32>,
        %parallel_loop3A_399 = vector.shape_cast %parallel_loop3A_398 : vector<16xf32> to vector<16xf32>
        %parallel_loop3A_400 = vector.broadcast %scan3A_58 : f32 to vector<16xf32>
        %parallel_loop3A_401 = arith.mulf %parallel_loop3A_399, %parallel_loop3A_400 : vector<16xf32>
        %parallel_loop3A_402 = arith.constant 1.000000e+00 : f32
        %parallel_loop3A_403 = vector.broadcast %parallel_loop3A_402 : f32 to vector<16xf32>
        %parallel_loop3A_404 = arith.subf %parallel_loop3A_401, %parallel_loop3A_403 : vector<16xf32>
        %parallel_loop3A_405 = arith.fptosi %parallel_loop3A_404 : vector<16xf32> to vector<16xi32>
        %parallel_loop3A_406 = arith.constant 0 : i32
        %parallel_loop3A_407 = arith.constant 65535 : i32
        %parallel_loop3A_408 = vector.broadcast %parallel_loop3A_406 : i32 to vector<16xi32>
        %parallel_loop3A_409 = arith.maxsi %parallel_loop3A_408, %parallel_loop3A_405 : vector<16xi32>
        %parallel_loop3A_410 = vector.broadcast %parallel_loop3A_407 : i32 to vector<16xi32>
        %parallel_loop3A_411 = arith.minsi %parallel_loop3A_410, %parallel_loop3A_409 : vector<16xi32>
        %parallel_loop3A_412 = arith.index_cast %parallel_loop3A_361 : i32 to index
        %parallel_loop3A_413 = tpu.vector_load %arg20[%parallel_loop3A_412] {strides = array<i32>} : memref<128xi32, #tpu.memory_space<vmem>>, vector<16xi32>,
        %parallel_loop3A_414 = vector.shape_cast %parallel_loop3A_413 : vector<16xi32> to vector<16xi32>
        %parallel_loop3A_415 = vector.shape_cast %parallel_loop3A_411 : vector<16xi32> to vector<16xi32>
        tpu.vector_store %arg20[%parallel_loop3A_412], %parallel_loop3A_415 {strides = array<i32>} : memref<128xi32, #tpu.memory_space<vmem>>, vector<16xi32>,
      } {sc.loop_unroll_factor = 4 : i64, sc.parallel_access}
      %dma_start3A_215 = arith.constant 0 : i32
      %dma_start3A_216 = arith.constant 0 : i32
      %dma_start3A_217 = tpu.memref_slice %arg5[%dma_start3A_215, %dma_start3A_216] : memref<65536x32xf32, #tpu.memory_space<hbm>> -> memref<65536x32xf32, #tpu.memory_space<hbm>>
      tpu.enqueue_indirect_dma source(%dma_start3A_217 : memref<65536x32xf32, #tpu.memory_space<hbm>>) target(%arg24 : memref<128x32xf32, #tpu.memory_space<vmem>>) offsets(%arg12 : memref<128xi32, #tpu.memory_space<vmem>>) semaphore(%arg40 : memref<!tpu.dma_semaphore, #tpu.memory_space<semaphore_mem>>)
      %dma_start3A_218 = arith.constant 0 : i32
      %dma_start3A_219 = arith.constant 0 : i32
      %dma_start3A_220 = tpu.memref_slice %arg6[%dma_start3A_218, %dma_start3A_219] : memref<65536x32xf32, #tpu.memory_space<hbm>> -> memref<65536x32xf32, #tpu.memory_space<hbm>>
      tpu.enqueue_indirect_dma source(%dma_start3A_220 : memref<65536x32xf32, #tpu.memory_space<hbm>>) target(%arg28 : memref<128x32xf32, #tpu.memory_space<vmem>>) offsets(%arg16 : memref<128xi32, #tpu.memory_space<vmem>>) semaphore(%arg40 : memref<!tpu.dma_semaphore, #tpu.memory_space<semaphore_mem>>)
      %dma_start3A_221 = arith.constant 0 : i32
      %dma_start3A_222 = arith.constant 0 : i32
      %dma_start3A_223 = tpu.memref_slice %arg7[%dma_start3A_221, %dma_start3A_222] : memref<65536x32xf32, #tpu.memory_space<hbm>> -> memref<65536x32xf32, #tpu.memory_space<hbm>>
      tpu.enqueue_indirect_dma source(%dma_start3A_223 : memref<65536x32xf32, #tpu.memory_space<hbm>>) target(%arg32 : memref<128x32xf32, #tpu.memory_space<vmem>>) offsets(%arg20 : memref<128xi32, #tpu.memory_space<vmem>>) semaphore(%arg40 : memref<!tpu.dma_semaphore, #tpu.memory_space<semaphore_mem>>)
      %mul3A_224 = arith.constant 4 : i32
      %mul3A_225 = arith.muli %scan3A_183, %mul3A_224 : i32
      %add3A_226 = arith.constant 1 : i32
      %add3A_227 = arith.addi %mul3A_225, %add3A_226 : i32
      %dma_wait3A_228 = arith.constant 0 : i32
      %dma_wait3A_229 = arith.constant 0 : i32
      %dma_wait3A_230 = tpu.memref_slice %arg5[%dma_wait3A_228, %dma_wait3A_229] : memref<65536x32xf32, #tpu.memory_space<hbm>> -> memref<65536x32xf32, #tpu.memory_space<hbm>>
      tpu.wait_indirect_dma semaphore(%arg41 : memref<!tpu.dma_semaphore, #tpu.memory_space<semaphore_mem>>) src(%dma_wait3A_230 : memref<65536x32xf32, #tpu.memory_space<hbm>>) dst(%arg25 : memref<128x32xf32, #tpu.memory_space<vmem>>)
      %dma_wait3A_231 = arith.constant 0 : i32
      %dma_wait3A_232 = arith.constant 0 : i32
      %dma_wait3A_233 = tpu.memref_slice %arg6[%dma_wait3A_231, %dma_wait3A_232] : memref<65536x32xf32, #tpu.memory_space<hbm>> -> memref<65536x32xf32, #tpu.memory_space<hbm>>
      tpu.wait_indirect_dma semaphore(%arg41 : memref<!tpu.dma_semaphore, #tpu.memory_space<semaphore_mem>>) src(%dma_wait3A_233 : memref<65536x32xf32, #tpu.memory_space<hbm>>) dst(%arg29 : memref<128x32xf32, #tpu.memory_space<vmem>>)
      %dma_wait3A_234 = arith.constant 0 : i32
      %dma_wait3A_235 = arith.constant 0 : i32
      %dma_wait3A_236 = tpu.memref_slice %arg7[%dma_wait3A_234, %dma_wait3A_235] : memref<65536x32xf32, #tpu.memory_space<hbm>> -> memref<65536x32xf32, #tpu.memory_space<hbm>>
      tpu.wait_indirect_dma semaphore(%arg41 : memref<!tpu.dma_semaphore, #tpu.memory_space<semaphore_mem>>) src(%dma_wait3A_236 : memref<65536x32xf32, #tpu.memory_space<hbm>>) dst(%arg33 : memref<128x32xf32, #tpu.memory_space<vmem>>)
      %ge3A_237 = arith.constant 2 : i32
      %ge3A_238 = arith.cmpi sge, %scan3A_183, %ge3A_237 : i32
      %convert_element_type3A_239 = arith.extui %ge3A_238 : i1 to i32
      %cond3A_240 = arith.constant 0 : i32
      %cond3A_241 = arith.cmpi ne, %convert_element_type3A_239, %cond3A_240 : i32
      scf.if %cond3A_241 {
        %sub3A_356 = arith.constant 8 : i32
        %sub3A_357 = arith.subi %add3A_227, %sub3A_356 : i32
        %mul3A_358 = arith.constant 128 : i32
        %mul3A_359 = arith.muli %sub3A_357, %mul3A_358 : i32
        %add3A_360 = arith.addi %mul3A_2, %mul3A_359 : i32
        %dma_wait3A_361 = arith.constant 0 : i32
        %dma_wait3A_362 = tpu.memref_slice %arg8[%add3A_360, %dma_wait3A_361] : memref<524288x16xf32, #tpu.memory_space<hbm>> -> memref<128x16xf32, #tpu.memory_space<hbm>>
        %dma_wait3A_363 = arith.constant 0 : i32
        %dma_wait3A_364 = tpu.memref_slice %arg8[%add3A_360, %dma_wait3A_363] : memref<524288x16xf32, #tpu.memory_space<hbm>> -> memref<128x16xf32, #tpu.memory_space<hbm>>
        tpu.wait_dma2 semaphore(%arg45 : memref<!tpu.dma_semaphore, #tpu.memory_space<semaphore_mem>>) src(%arg37 : memref<128x16xf32, #tpu.memory_space<vmem>>) dst(%dma_wait3A_364 : memref<128x16xf32, #tpu.memory_space<hbm>>)
      } else {
      }
      %parallel_loop3A_242 = arith.constant 0 : i32
      %parallel_loop3A_243 = arith.constant 128 : i32
      %parallel_loop3A_244 = arith.constant 1 : i32
      scf.for %parallel_loop3A_356 = %parallel_loop3A_242 to %parallel_loop3A_243 step %parallel_loop3A_244  : i32 {
        %parallel_loop3A_357 = arith.index_cast %parallel_loop3A_356 : i32 to index
        %parallel_loop3A_358 = arith.constant 0 : index
        %parallel_loop3A_359 = tpu.vector_load %arg25[%parallel_loop3A_357, %parallel_loop3A_358] {strides = array<i32>} : memref<128x32xf32, #tpu.memory_space<vmem>>, vector<1x16xf32>,
        %parallel_loop3A_360 = vector.shape_cast %parallel_loop3A_359 : vector<1x16xf32> to vector<16xf32>
        %parallel_loop3A_361 = arith.index_cast %parallel_loop3A_356 : i32 to index
        %parallel_loop3A_362 = arith.constant 0 : index
        %parallel_loop3A_363 = tpu.vector_load %arg29[%parallel_loop3A_361, %parallel_loop3A_362] {strides = array<i32>} : memref<128x32xf32, #tpu.memory_space<vmem>>, vector<1x16xf32>,
        %parallel_loop3A_364 = vector.shape_cast %parallel_loop3A_363 : vector<1x16xf32> to vector<16xf32>
        %parallel_loop3A_365 = arith.mulf %parallel_loop3A_360, %parallel_loop3A_364 : vector<16xf32>
        %parallel_loop3A_366 = arith.index_cast %parallel_loop3A_356 : i32 to index
        %parallel_loop3A_367 = arith.constant 0 : index
        %parallel_loop3A_368 = tpu.vector_load %arg33[%parallel_loop3A_366, %parallel_loop3A_367] {strides = array<i32>} : memref<128x32xf32, #tpu.memory_space<vmem>>, vector<1x16xf32>,
        %parallel_loop3A_369 = vector.shape_cast %parallel_loop3A_368 : vector<1x16xf32> to vector<16xf32>
        %parallel_loop3A_370 = arith.mulf %parallel_loop3A_365, %parallel_loop3A_369 : vector<16xf32>
        %parallel_loop3A_371 = arith.index_cast %parallel_loop3A_356 : i32 to index
        %parallel_loop3A_372 = arith.constant 16 : index
        %parallel_loop3A_373 = tpu.vector_load %arg25[%parallel_loop3A_371, %parallel_loop3A_372] {strides = array<i32>} : memref<128x32xf32, #tpu.memory_space<vmem>>, vector<1x16xf32>,
        %parallel_loop3A_374 = vector.shape_cast %parallel_loop3A_373 : vector<1x16xf32> to vector<16xf32>
        %parallel_loop3A_375 = arith.index_cast %parallel_loop3A_356 : i32 to index
        %parallel_loop3A_376 = arith.constant 16 : index
        %parallel_loop3A_377 = tpu.vector_load %arg29[%parallel_loop3A_375, %parallel_loop3A_376] {strides = array<i32>} : memref<128x32xf32, #tpu.memory_space<vmem>>, vector<1x16xf32>,
        %parallel_loop3A_378 = vector.shape_cast %parallel_loop3A_377 : vector<1x16xf32> to vector<16xf32>
        %parallel_loop3A_379 = arith.mulf %parallel_loop3A_374, %parallel_loop3A_378 : vector<16xf32>
        %parallel_loop3A_380 = arith.index_cast %parallel_loop3A_356 : i32 to index
        %parallel_loop3A_381 = arith.constant 16 : index
        %parallel_loop3A_382 = tpu.vector_load %arg33[%parallel_loop3A_380, %parallel_loop3A_381] {strides = array<i32>} : memref<128x32xf32, #tpu.memory_space<vmem>>, vector<1x16xf32>,
        %parallel_loop3A_383 = vector.shape_cast %parallel_loop3A_382 : vector<1x16xf32> to vector<16xf32>
        %parallel_loop3A_384 = arith.mulf %parallel_loop3A_379, %parallel_loop3A_383 : vector<16xf32>
        %parallel_loop3A_385 = arith.addf %parallel_loop3A_370, %parallel_loop3A_384 : vector<16xf32>
        %parallel_loop3A_386 = arith.index_cast %parallel_loop3A_356 : i32 to index
        %parallel_loop3A_387 = arith.constant 0 : index
        %parallel_loop3A_388 = tpu.vector_load %arg37[%parallel_loop3A_386, %parallel_loop3A_387] {strides = array<i32>} : memref<128x16xf32, #tpu.memory_space<vmem>>, vector<1x16xf32>,
        %parallel_loop3A_389 = vector.shape_cast %parallel_loop3A_388 : vector<1x16xf32> to vector<16xf32>
        %parallel_loop3A_390 = vector.shape_cast %parallel_loop3A_385 : vector<16xf32> to vector<1x16xf32>
        tpu.vector_store %arg37[%parallel_loop3A_386, %parallel_loop3A_387], %parallel_loop3A_390 {strides = array<i32>} : memref<128x16xf32, #tpu.memory_space<vmem>>, vector<1x16xf32>,
      } {sc.loop_unroll_factor = 8 : i64, sc.parallel_access}
      %sub3A_245 = arith.constant 4 : i32
      %sub3A_246 = arith.subi %add3A_227, %sub3A_245 : i32
      %mul3A_247 = arith.constant 128 : i32
      %mul3A_248 = arith.muli %sub3A_246, %mul3A_247 : i32
      %add3A_249 = arith.addi %mul3A_2, %mul3A_248 : i32
      %dma_start3A_250 = arith.constant 0 : i32
      %dma_start3A_251 = tpu.memref_slice %arg8[%add3A_249, %dma_start3A_250] : memref<524288x16xf32, #tpu.memory_space<hbm>> -> memref<128x16xf32, #tpu.memory_space<hbm>>
      %dma_start3A_252 = arith.constant 0 : i32
      %dma_start3A_253 = tpu.memref_slice %arg8[%add3A_249, %dma_start3A_252] : memref<524288x16xf32, #tpu.memory_space<hbm>> -> memref<128x16xf32, #tpu.memory_space<hbm>>
      tpu.enqueue_dma source(%arg37 : memref<128x16xf32, #tpu.memory_space<vmem>>) target(%dma_start3A_253 : memref<128x16xf32, #tpu.memory_space<hbm>>) target_semaphore(%arg45 : memref<!tpu.dma_semaphore, #tpu.memory_space<semaphore_mem>>)
      %mul3A_254 = arith.constant 128 : i32
      %mul3A_255 = arith.muli %add3A_227, %mul3A_254 : i32
      %parallel_loop3A_256 = arith.constant 0 : i32
      %parallel_loop3A_257 = arith.constant 8 : i32
      %parallel_loop3A_258 = arith.constant 1 : i32
      scf.for %parallel_loop3A_356 = %parallel_loop3A_256 to %parallel_loop3A_257 step %parallel_loop3A_258  : i32 {
        %parallel_loop3A_357 = arith.constant 16 : i32
        %parallel_loop3A_358 = arith.muli %parallel_loop3A_356, %parallel_loop3A_357 : i32
        %parallel_loop3A_359 = arith.addi %mul3A_255, %parallel_loop3A_358 : i32
        %parallel_loop3A_360 = arith.constant 16 : i32
        %parallel_loop3A_361 = arith.muli %parallel_loop3A_356, %parallel_loop3A_360 : i32
        %parallel_loop3A_362 = arith.index_cast %parallel_loop3A_359 : i32 to index
        %parallel_loop3A_363 = tpu.vector_load %arg9[%parallel_loop3A_362] {strides = array<i32>} : memref<16384xf32, #tpu.memory_space<vmem>>, vector<16xf32>,
        %parallel_loop3A_364 = vector.shape_cast %parallel_loop3A_363 : vector<16xf32> to vector<16xf32>
        %parallel_loop3A_365 = vector.broadcast %scan3A_57 : f32 to vector<16xf32>
        %parallel_loop3A_366 = arith.mulf %parallel_loop3A_364, %parallel_loop3A_365 : vector<16xf32>
        %parallel_loop3A_367 = arith.fptosi %parallel_loop3A_366 : vector<16xf32> to vector<16xi32>
        %parallel_loop3A_368 = arith.constant 0 : i32
        %parallel_loop3A_369 = arith.constant 65535 : i32
        %parallel_loop3A_370 = vector.broadcast %parallel_loop3A_368 : i32 to vector<16xi32>
        %parallel_loop3A_371 = arith.maxsi %parallel_loop3A_370, %parallel_loop3A_367 : vector<16xi32>
        %parallel_loop3A_372 = vector.broadcast %parallel_loop3A_369 : i32 to vector<16xi32>
        %parallel_loop3A_373 = arith.minsi %parallel_loop3A_372, %parallel_loop3A_371 : vector<16xi32>
        %parallel_loop3A_374 = arith.index_cast %parallel_loop3A_361 : i32 to index
        %parallel_loop3A_375 = tpu.vector_load %arg13[%parallel_loop3A_374] {strides = array<i32>} : memref<128xi32, #tpu.memory_space<vmem>>, vector<16xi32>,
        %parallel_loop3A_376 = vector.shape_cast %parallel_loop3A_375 : vector<16xi32> to vector<16xi32>
        %parallel_loop3A_377 = vector.shape_cast %parallel_loop3A_373 : vector<16xi32> to vector<16xi32>
        tpu.vector_store %arg13[%parallel_loop3A_374], %parallel_loop3A_377 {strides = array<i32>} : memref<128xi32, #tpu.memory_space<vmem>>, vector<16xi32>,
        %parallel_loop3A_378 = arith.index_cast %parallel_loop3A_359 : i32 to index
        %parallel_loop3A_379 = tpu.vector_load %arg10[%parallel_loop3A_378] {strides = array<i32>} : memref<16384xf32, #tpu.memory_space<vmem>>, vector<16xf32>,
        %parallel_loop3A_380 = vector.shape_cast %parallel_loop3A_379 : vector<16xf32> to vector<16xf32>
        %parallel_loop3A_381 = vector.broadcast %scan3A_58 : f32 to vector<16xf32>
        %parallel_loop3A_382 = arith.mulf %parallel_loop3A_380, %parallel_loop3A_381 : vector<16xf32>
        %parallel_loop3A_383 = arith.constant 1.000000e+00 : f32
        %parallel_loop3A_384 = vector.broadcast %parallel_loop3A_383 : f32 to vector<16xf32>
        %parallel_loop3A_385 = arith.subf %parallel_loop3A_382, %parallel_loop3A_384 : vector<16xf32>
        %parallel_loop3A_386 = arith.fptosi %parallel_loop3A_385 : vector<16xf32> to vector<16xi32>
        %parallel_loop3A_387 = arith.constant 0 : i32
        %parallel_loop3A_388 = arith.constant 65535 : i32
        %parallel_loop3A_389 = vector.broadcast %parallel_loop3A_387 : i32 to vector<16xi32>
        %parallel_loop3A_390 = arith.maxsi %parallel_loop3A_389, %parallel_loop3A_386 : vector<16xi32>
        %parallel_loop3A_391 = vector.broadcast %parallel_loop3A_388 : i32 to vector<16xi32>
        %parallel_loop3A_392 = arith.minsi %parallel_loop3A_391, %parallel_loop3A_390 : vector<16xi32>
        %parallel_loop3A_393 = arith.index_cast %parallel_loop3A_361 : i32 to index
        %parallel_loop3A_394 = tpu.vector_load %arg17[%parallel_loop3A_393] {strides = array<i32>} : memref<128xi32, #tpu.memory_space<vmem>>, vector<16xi32>,
        %parallel_loop3A_395 = vector.shape_cast %parallel_loop3A_394 : vector<16xi32> to vector<16xi32>
        %parallel_loop3A_396 = vector.shape_cast %parallel_loop3A_392 : vector<16xi32> to vector<16xi32>
        tpu.vector_store %arg17[%parallel_loop3A_393], %parallel_loop3A_396 {strides = array<i32>} : memref<128xi32, #tpu.memory_space<vmem>>, vector<16xi32>,
        %parallel_loop3A_397 = arith.index_cast %parallel_loop3A_359 : i32 to index
        %parallel_loop3A_398 = tpu.vector_load %arg11[%parallel_loop3A_397] {strides = array<i32>} : memref<16384xf32, #tpu.memory_space<vmem>>, vector<16xf32>,
        %parallel_loop3A_399 = vector.shape_cast %parallel_loop3A_398 : vector<16xf32> to vector<16xf32>
        %parallel_loop3A_400 = vector.broadcast %scan3A_58 : f32 to vector<16xf32>
        %parallel_loop3A_401 = arith.mulf %parallel_loop3A_399, %parallel_loop3A_400 : vector<16xf32>
        %parallel_loop3A_402 = arith.constant 1.000000e+00 : f32
        %parallel_loop3A_403 = vector.broadcast %parallel_loop3A_402 : f32 to vector<16xf32>
        %parallel_loop3A_404 = arith.subf %parallel_loop3A_401, %parallel_loop3A_403 : vector<16xf32>
        %parallel_loop3A_405 = arith.fptosi %parallel_loop3A_404 : vector<16xf32> to vector<16xi32>
        %parallel_loop3A_406 = arith.constant 0 : i32
        %parallel_loop3A_407 = arith.constant 65535 : i32
        %parallel_loop3A_408 = vector.broadcast %parallel_loop3A_406 : i32 to vector<16xi32>
        %parallel_loop3A_409 = arith.maxsi %parallel_loop3A_408, %parallel_loop3A_405 : vector<16xi32>
        %parallel_loop3A_410 = vector.broadcast %parallel_loop3A_407 : i32 to vector<16xi32>
        %parallel_loop3A_411 = arith.minsi %parallel_loop3A_410, %parallel_loop3A_409 : vector<16xi32>
        %parallel_loop3A_412 = arith.index_cast %parallel_loop3A_361 : i32 to index
        %parallel_loop3A_413 = tpu.vector_load %arg21[%parallel_loop3A_412] {strides = array<i32>} : memref<128xi32, #tpu.memory_space<vmem>>, vector<16xi32>,
        %parallel_loop3A_414 = vector.shape_cast %parallel_loop3A_413 : vector<16xi32> to vector<16xi32>
        %parallel_loop3A_415 = vector.shape_cast %parallel_loop3A_411 : vector<16xi32> to vector<16xi32>
        tpu.vector_store %arg21[%parallel_loop3A_412], %parallel_loop3A_415 {strides = array<i32>} : memref<128xi32, #tpu.memory_space<vmem>>, vector<16xi32>,
      } {sc.loop_unroll_factor = 4 : i64, sc.parallel_access}
      %dma_start3A_259 = arith.constant 0 : i32
      %dma_start3A_260 = arith.constant 0 : i32
      %dma_start3A_261 = tpu.memref_slice %arg5[%dma_start3A_259, %dma_start3A_260] : memref<65536x32xf32, #tpu.memory_space<hbm>> -> memref<65536x32xf32, #tpu.memory_space<hbm>>
      tpu.enqueue_indirect_dma source(%dma_start3A_261 : memref<65536x32xf32, #tpu.memory_space<hbm>>) target(%arg25 : memref<128x32xf32, #tpu.memory_space<vmem>>) offsets(%arg13 : memref<128xi32, #tpu.memory_space<vmem>>) semaphore(%arg41 : memref<!tpu.dma_semaphore, #tpu.memory_space<semaphore_mem>>)
      %dma_start3A_262 = arith.constant 0 : i32
      %dma_start3A_263 = arith.constant 0 : i32
      %dma_start3A_264 = tpu.memref_slice %arg6[%dma_start3A_262, %dma_start3A_263] : memref<65536x32xf32, #tpu.memory_space<hbm>> -> memref<65536x32xf32, #tpu.memory_space<hbm>>
      tpu.enqueue_indirect_dma source(%dma_start3A_264 : memref<65536x32xf32, #tpu.memory_space<hbm>>) target(%arg29 : memref<128x32xf32, #tpu.memory_space<vmem>>) offsets(%arg17 : memref<128xi32, #tpu.memory_space<vmem>>) semaphore(%arg41 : memref<!tpu.dma_semaphore, #tpu.memory_space<semaphore_mem>>)
      %dma_start3A_265 = arith.constant 0 : i32
      %dma_start3A_266 = arith.constant 0 : i32
      %dma_start3A_267 = tpu.memref_slice %arg7[%dma_start3A_265, %dma_start3A_266] : memref<65536x32xf32, #tpu.memory_space<hbm>> -> memref<65536x32xf32, #tpu.memory_space<hbm>>
      tpu.enqueue_indirect_dma source(%dma_start3A_267 : memref<65536x32xf32, #tpu.memory_space<hbm>>) target(%arg33 : memref<128x32xf32, #tpu.memory_space<vmem>>) offsets(%arg21 : memref<128xi32, #tpu.memory_space<vmem>>) semaphore(%arg41 : memref<!tpu.dma_semaphore, #tpu.memory_space<semaphore_mem>>)
      %mul3A_268 = arith.constant 4 : i32
      %mul3A_269 = arith.muli %scan3A_183, %mul3A_268 : i32
      %add3A_270 = arith.constant 2 : i32
      %add3A_271 = arith.addi %mul3A_269, %add3A_270 : i32
      %dma_wait3A_272 = arith.constant 0 : i32
      %dma_wait3A_273 = arith.constant 0 : i32
      %dma_wait3A_274 = tpu.memref_slice %arg5[%dma_wait3A_272, %dma_wait3A_273] : memref<65536x32xf32, #tpu.memory_space<hbm>> -> memref<65536x32xf32, #tpu.memory_space<hbm>>
      tpu.wait_indirect_dma semaphore(%arg42 : memref<!tpu.dma_semaphore, #tpu.memory_space<semaphore_mem>>) src(%dma_wait3A_274 : memref<65536x32xf32, #tpu.memory_space<hbm>>) dst(%arg26 : memref<128x32xf32, #tpu.memory_space<vmem>>)
      %dma_wait3A_275 = arith.constant 0 : i32
      %dma_wait3A_276 = arith.constant 0 : i32
      %dma_wait3A_277 = tpu.memref_slice %arg6[%dma_wait3A_275, %dma_wait3A_276] : memref<65536x32xf32, #tpu.memory_space<hbm>> -> memref<65536x32xf32, #tpu.memory_space<hbm>>
      tpu.wait_indirect_dma semaphore(%arg42 : memref<!tpu.dma_semaphore, #tpu.memory_space<semaphore_mem>>) src(%dma_wait3A_277 : memref<65536x32xf32, #tpu.memory_space<hbm>>) dst(%arg30 : memref<128x32xf32, #tpu.memory_space<vmem>>)
      %dma_wait3A_278 = arith.constant 0 : i32
      %dma_wait3A_279 = arith.constant 0 : i32
      %dma_wait3A_280 = tpu.memref_slice %arg7[%dma_wait3A_278, %dma_wait3A_279] : memref<65536x32xf32, #tpu.memory_space<hbm>> -> memref<65536x32xf32, #tpu.memory_space<hbm>>
      tpu.wait_indirect_dma semaphore(%arg42 : memref<!tpu.dma_semaphore, #tpu.memory_space<semaphore_mem>>) src(%dma_wait3A_280 : memref<65536x32xf32, #tpu.memory_space<hbm>>) dst(%arg34 : memref<128x32xf32, #tpu.memory_space<vmem>>)
      %ge3A_281 = arith.constant 2 : i32
      %ge3A_282 = arith.cmpi sge, %scan3A_183, %ge3A_281 : i32
      %convert_element_type3A_283 = arith.extui %ge3A_282 : i1 to i32
      %cond3A_284 = arith.constant 0 : i32
      %cond3A_285 = arith.cmpi ne, %convert_element_type3A_283, %cond3A_284 : i32
      scf.if %cond3A_285 {
        %sub3A_356 = arith.constant 8 : i32
        %sub3A_357 = arith.subi %add3A_271, %sub3A_356 : i32
        %mul3A_358 = arith.constant 128 : i32
        %mul3A_359 = arith.muli %sub3A_357, %mul3A_358 : i32
        %add3A_360 = arith.addi %mul3A_2, %mul3A_359 : i32
        %dma_wait3A_361 = arith.constant 0 : i32
        %dma_wait3A_362 = tpu.memref_slice %arg8[%add3A_360, %dma_wait3A_361] : memref<524288x16xf32, #tpu.memory_space<hbm>> -> memref<128x16xf32, #tpu.memory_space<hbm>>
        %dma_wait3A_363 = arith.constant 0 : i32
        %dma_wait3A_364 = tpu.memref_slice %arg8[%add3A_360, %dma_wait3A_363] : memref<524288x16xf32, #tpu.memory_space<hbm>> -> memref<128x16xf32, #tpu.memory_space<hbm>>
        tpu.wait_dma2 semaphore(%arg46 : memref<!tpu.dma_semaphore, #tpu.memory_space<semaphore_mem>>) src(%arg38 : memref<128x16xf32, #tpu.memory_space<vmem>>) dst(%dma_wait3A_364 : memref<128x16xf32, #tpu.memory_space<hbm>>)
      } else {
      }
      %parallel_loop3A_286 = arith.constant 0 : i32
      %parallel_loop3A_287 = arith.constant 128 : i32
      %parallel_loop3A_288 = arith.constant 1 : i32
      scf.for %parallel_loop3A_356 = %parallel_loop3A_286 to %parallel_loop3A_287 step %parallel_loop3A_288  : i32 {
        %parallel_loop3A_357 = arith.index_cast %parallel_loop3A_356 : i32 to index
        %parallel_loop3A_358 = arith.constant 0 : index
        %parallel_loop3A_359 = tpu.vector_load %arg26[%parallel_loop3A_357, %parallel_loop3A_358] {strides = array<i32>} : memref<128x32xf32, #tpu.memory_space<vmem>>, vector<1x16xf32>,
        %parallel_loop3A_360 = vector.shape_cast %parallel_loop3A_359 : vector<1x16xf32> to vector<16xf32>
        %parallel_loop3A_361 = arith.index_cast %parallel_loop3A_356 : i32 to index
        %parallel_loop3A_362 = arith.constant 0 : index
        %parallel_loop3A_363 = tpu.vector_load %arg30[%parallel_loop3A_361, %parallel_loop3A_362] {strides = array<i32>} : memref<128x32xf32, #tpu.memory_space<vmem>>, vector<1x16xf32>,
        %parallel_loop3A_364 = vector.shape_cast %parallel_loop3A_363 : vector<1x16xf32> to vector<16xf32>
        %parallel_loop3A_365 = arith.mulf %parallel_loop3A_360, %parallel_loop3A_364 : vector<16xf32>
        %parallel_loop3A_366 = arith.index_cast %parallel_loop3A_356 : i32 to index
        %parallel_loop3A_367 = arith.constant 0 : index
        %parallel_loop3A_368 = tpu.vector_load %arg34[%parallel_loop3A_366, %parallel_loop3A_367] {strides = array<i32>} : memref<128x32xf32, #tpu.memory_space<vmem>>, vector<1x16xf32>,
        %parallel_loop3A_369 = vector.shape_cast %parallel_loop3A_368 : vector<1x16xf32> to vector<16xf32>
        %parallel_loop3A_370 = arith.mulf %parallel_loop3A_365, %parallel_loop3A_369 : vector<16xf32>
        %parallel_loop3A_371 = arith.index_cast %parallel_loop3A_356 : i32 to index
        %parallel_loop3A_372 = arith.constant 16 : index
        %parallel_loop3A_373 = tpu.vector_load %arg26[%parallel_loop3A_371, %parallel_loop3A_372] {strides = array<i32>} : memref<128x32xf32, #tpu.memory_space<vmem>>, vector<1x16xf32>,
        %parallel_loop3A_374 = vector.shape_cast %parallel_loop3A_373 : vector<1x16xf32> to vector<16xf32>
        %parallel_loop3A_375 = arith.index_cast %parallel_loop3A_356 : i32 to index
        %parallel_loop3A_376 = arith.constant 16 : index
        %parallel_loop3A_377 = tpu.vector_load %arg30[%parallel_loop3A_375, %parallel_loop3A_376] {strides = array<i32>} : memref<128x32xf32, #tpu.memory_space<vmem>>, vector<1x16xf32>,
        %parallel_loop3A_378 = vector.shape_cast %parallel_loop3A_377 : vector<1x16xf32> to vector<16xf32>
        %parallel_loop3A_379 = arith.mulf %parallel_loop3A_374, %parallel_loop3A_378 : vector<16xf32>
        %parallel_loop3A_380 = arith.index_cast %parallel_loop3A_356 : i32 to index
        %parallel_loop3A_381 = arith.constant 16 : index
        %parallel_loop3A_382 = tpu.vector_load %arg34[%parallel_loop3A_380, %parallel_loop3A_381] {strides = array<i32>} : memref<128x32xf32, #tpu.memory_space<vmem>>, vector<1x16xf32>,
        %parallel_loop3A_383 = vector.shape_cast %parallel_loop3A_382 : vector<1x16xf32> to vector<16xf32>
        %parallel_loop3A_384 = arith.mulf %parallel_loop3A_379, %parallel_loop3A_383 : vector<16xf32>
        %parallel_loop3A_385 = arith.addf %parallel_loop3A_370, %parallel_loop3A_384 : vector<16xf32>
        %parallel_loop3A_386 = arith.index_cast %parallel_loop3A_356 : i32 to index
        %parallel_loop3A_387 = arith.constant 0 : index
        %parallel_loop3A_388 = tpu.vector_load %arg38[%parallel_loop3A_386, %parallel_loop3A_387] {strides = array<i32>} : memref<128x16xf32, #tpu.memory_space<vmem>>, vector<1x16xf32>,
        %parallel_loop3A_389 = vector.shape_cast %parallel_loop3A_388 : vector<1x16xf32> to vector<16xf32>
        %parallel_loop3A_390 = vector.shape_cast %parallel_loop3A_385 : vector<16xf32> to vector<1x16xf32>
        tpu.vector_store %arg38[%parallel_loop3A_386, %parallel_loop3A_387], %parallel_loop3A_390 {strides = array<i32>} : memref<128x16xf32, #tpu.memory_space<vmem>>, vector<1x16xf32>,
      } {sc.loop_unroll_factor = 8 : i64, sc.parallel_access}
      %sub3A_289 = arith.constant 4 : i32
      %sub3A_290 = arith.subi %add3A_271, %sub3A_289 : i32
      %mul3A_291 = arith.constant 128 : i32
      %mul3A_292 = arith.muli %sub3A_290, %mul3A_291 : i32
      %add3A_293 = arith.addi %mul3A_2, %mul3A_292 : i32
      %dma_start3A_294 = arith.constant 0 : i32
      %dma_start3A_295 = tpu.memref_slice %arg8[%add3A_293, %dma_start3A_294] : memref<524288x16xf32, #tpu.memory_space<hbm>> -> memref<128x16xf32, #tpu.memory_space<hbm>>
      %dma_start3A_296 = arith.constant 0 : i32
      %dma_start3A_297 = tpu.memref_slice %arg8[%add3A_293, %dma_start3A_296] : memref<524288x16xf32, #tpu.memory_space<hbm>> -> memref<128x16xf32, #tpu.memory_space<hbm>>
      tpu.enqueue_dma source(%arg38 : memref<128x16xf32, #tpu.memory_space<vmem>>) target(%dma_start3A_297 : memref<128x16xf32, #tpu.memory_space<hbm>>) target_semaphore(%arg46 : memref<!tpu.dma_semaphore, #tpu.memory_space<semaphore_mem>>)
      %mul3A_298 = arith.constant 128 : i32
      %mul3A_299 = arith.muli %add3A_271, %mul3A_298 : i32
      %parallel_loop3A_300 = arith.constant 0 : i32
      %parallel_loop3A_301 = arith.constant 8 : i32
      %parallel_loop3A_302 = arith.constant 1 : i32
      scf.for %parallel_loop3A_356 = %parallel_loop3A_300 to %parallel_loop3A_301 step %parallel_loop3A_302  : i32 {
        %parallel_loop3A_357 = arith.constant 16 : i32
        %parallel_loop3A_358 = arith.muli %parallel_loop3A_356, %parallel_loop3A_357 : i32
        %parallel_loop3A_359 = arith.addi %mul3A_299, %parallel_loop3A_358 : i32
        %parallel_loop3A_360 = arith.constant 16 : i32
        %parallel_loop3A_361 = arith.muli %parallel_loop3A_356, %parallel_loop3A_360 : i32
        %parallel_loop3A_362 = arith.index_cast %parallel_loop3A_359 : i32 to index
        %parallel_loop3A_363 = tpu.vector_load %arg9[%parallel_loop3A_362] {strides = array<i32>} : memref<16384xf32, #tpu.memory_space<vmem>>, vector<16xf32>,
        %parallel_loop3A_364 = vector.shape_cast %parallel_loop3A_363 : vector<16xf32> to vector<16xf32>
        %parallel_loop3A_365 = vector.broadcast %scan3A_57 : f32 to vector<16xf32>
        %parallel_loop3A_366 = arith.mulf %parallel_loop3A_364, %parallel_loop3A_365 : vector<16xf32>
        %parallel_loop3A_367 = arith.fptosi %parallel_loop3A_366 : vector<16xf32> to vector<16xi32>
        %parallel_loop3A_368 = arith.constant 0 : i32
        %parallel_loop3A_369 = arith.constant 65535 : i32
        %parallel_loop3A_370 = vector.broadcast %parallel_loop3A_368 : i32 to vector<16xi32>
        %parallel_loop3A_371 = arith.maxsi %parallel_loop3A_370, %parallel_loop3A_367 : vector<16xi32>
        %parallel_loop3A_372 = vector.broadcast %parallel_loop3A_369 : i32 to vector<16xi32>
        %parallel_loop3A_373 = arith.minsi %parallel_loop3A_372, %parallel_loop3A_371 : vector<16xi32>
        %parallel_loop3A_374 = arith.index_cast %parallel_loop3A_361 : i32 to index
        %parallel_loop3A_375 = tpu.vector_load %arg14[%parallel_loop3A_374] {strides = array<i32>} : memref<128xi32, #tpu.memory_space<vmem>>, vector<16xi32>,
        %parallel_loop3A_376 = vector.shape_cast %parallel_loop3A_375 : vector<16xi32> to vector<16xi32>
        %parallel_loop3A_377 = vector.shape_cast %parallel_loop3A_373 : vector<16xi32> to vector<16xi32>
        tpu.vector_store %arg14[%parallel_loop3A_374], %parallel_loop3A_377 {strides = array<i32>} : memref<128xi32, #tpu.memory_space<vmem>>, vector<16xi32>,
        %parallel_loop3A_378 = arith.index_cast %parallel_loop3A_359 : i32 to index
        %parallel_loop3A_379 = tpu.vector_load %arg10[%parallel_loop3A_378] {strides = array<i32>} : memref<16384xf32, #tpu.memory_space<vmem>>, vector<16xf32>,
        %parallel_loop3A_380 = vector.shape_cast %parallel_loop3A_379 : vector<16xf32> to vector<16xf32>
        %parallel_loop3A_381 = vector.broadcast %scan3A_58 : f32 to vector<16xf32>
        %parallel_loop3A_382 = arith.mulf %parallel_loop3A_380, %parallel_loop3A_381 : vector<16xf32>
        %parallel_loop3A_383 = arith.constant 1.000000e+00 : f32
        %parallel_loop3A_384 = vector.broadcast %parallel_loop3A_383 : f32 to vector<16xf32>
        %parallel_loop3A_385 = arith.subf %parallel_loop3A_382, %parallel_loop3A_384 : vector<16xf32>
        %parallel_loop3A_386 = arith.fptosi %parallel_loop3A_385 : vector<16xf32> to vector<16xi32>
        %parallel_loop3A_387 = arith.constant 0 : i32
        %parallel_loop3A_388 = arith.constant 65535 : i32
        %parallel_loop3A_389 = vector.broadcast %parallel_loop3A_387 : i32 to vector<16xi32>
        %parallel_loop3A_390 = arith.maxsi %parallel_loop3A_389, %parallel_loop3A_386 : vector<16xi32>
        %parallel_loop3A_391 = vector.broadcast %parallel_loop3A_388 : i32 to vector<16xi32>
        %parallel_loop3A_392 = arith.minsi %parallel_loop3A_391, %parallel_loop3A_390 : vector<16xi32>
        %parallel_loop3A_393 = arith.index_cast %parallel_loop3A_361 : i32 to index
        %parallel_loop3A_394 = tpu.vector_load %arg18[%parallel_loop3A_393] {strides = array<i32>} : memref<128xi32, #tpu.memory_space<vmem>>, vector<16xi32>,
        %parallel_loop3A_395 = vector.shape_cast %parallel_loop3A_394 : vector<16xi32> to vector<16xi32>
        %parallel_loop3A_396 = vector.shape_cast %parallel_loop3A_392 : vector<16xi32> to vector<16xi32>
        tpu.vector_store %arg18[%parallel_loop3A_393], %parallel_loop3A_396 {strides = array<i32>} : memref<128xi32, #tpu.memory_space<vmem>>, vector<16xi32>,
        %parallel_loop3A_397 = arith.index_cast %parallel_loop3A_359 : i32 to index
        %parallel_loop3A_398 = tpu.vector_load %arg11[%parallel_loop3A_397] {strides = array<i32>} : memref<16384xf32, #tpu.memory_space<vmem>>, vector<16xf32>,
        %parallel_loop3A_399 = vector.shape_cast %parallel_loop3A_398 : vector<16xf32> to vector<16xf32>
        %parallel_loop3A_400 = vector.broadcast %scan3A_58 : f32 to vector<16xf32>
        %parallel_loop3A_401 = arith.mulf %parallel_loop3A_399, %parallel_loop3A_400 : vector<16xf32>
        %parallel_loop3A_402 = arith.constant 1.000000e+00 : f32
        %parallel_loop3A_403 = vector.broadcast %parallel_loop3A_402 : f32 to vector<16xf32>
        %parallel_loop3A_404 = arith.subf %parallel_loop3A_401, %parallel_loop3A_403 : vector<16xf32>
        %parallel_loop3A_405 = arith.fptosi %parallel_loop3A_404 : vector<16xf32> to vector<16xi32>
        %parallel_loop3A_406 = arith.constant 0 : i32
        %parallel_loop3A_407 = arith.constant 65535 : i32
        %parallel_loop3A_408 = vector.broadcast %parallel_loop3A_406 : i32 to vector<16xi32>
        %parallel_loop3A_409 = arith.maxsi %parallel_loop3A_408, %parallel_loop3A_405 : vector<16xi32>
        %parallel_loop3A_410 = vector.broadcast %parallel_loop3A_407 : i32 to vector<16xi32>
        %parallel_loop3A_411 = arith.minsi %parallel_loop3A_410, %parallel_loop3A_409 : vector<16xi32>
        %parallel_loop3A_412 = arith.index_cast %parallel_loop3A_361 : i32 to index
        %parallel_loop3A_413 = tpu.vector_load %arg22[%parallel_loop3A_412] {strides = array<i32>} : memref<128xi32, #tpu.memory_space<vmem>>, vector<16xi32>,
        %parallel_loop3A_414 = vector.shape_cast %parallel_loop3A_413 : vector<16xi32> to vector<16xi32>
        %parallel_loop3A_415 = vector.shape_cast %parallel_loop3A_411 : vector<16xi32> to vector<16xi32>
        tpu.vector_store %arg22[%parallel_loop3A_412], %parallel_loop3A_415 {strides = array<i32>} : memref<128xi32, #tpu.memory_space<vmem>>, vector<16xi32>,
      } {sc.loop_unroll_factor = 4 : i64, sc.parallel_access}
      %dma_start3A_303 = arith.constant 0 : i32
      %dma_start3A_304 = arith.constant 0 : i32
      %dma_start3A_305 = tpu.memref_slice %arg5[%dma_start3A_303, %dma_start3A_304] : memref<65536x32xf32, #tpu.memory_space<hbm>> -> memref<65536x32xf32, #tpu.memory_space<hbm>>
      tpu.enqueue_indirect_dma source(%dma_start3A_305 : memref<65536x32xf32, #tpu.memory_space<hbm>>) target(%arg26 : memref<128x32xf32, #tpu.memory_space<vmem>>) offsets(%arg14 : memref<128xi32, #tpu.memory_space<vmem>>) semaphore(%arg42 : memref<!tpu.dma_semaphore, #tpu.memory_space<semaphore_mem>>)
      %dma_start3A_306 = arith.constant 0 : i32
      %dma_start3A_307 = arith.constant 0 : i32
      %dma_start3A_308 = tpu.memref_slice %arg6[%dma_start3A_306, %dma_start3A_307] : memref<65536x32xf32, #tpu.memory_space<hbm>> -> memref<65536x32xf32, #tpu.memory_space<hbm>>
      tpu.enqueue_indirect_dma source(%dma_start3A_308 : memref<65536x32xf32, #tpu.memory_space<hbm>>) target(%arg30 : memref<128x32xf32, #tpu.memory_space<vmem>>) offsets(%arg18 : memref<128xi32, #tpu.memory_space<vmem>>) semaphore(%arg42 : memref<!tpu.dma_semaphore, #tpu.memory_space<semaphore_mem>>)
      %dma_start3A_309 = arith.constant 0 : i32
      %dma_start3A_310 = arith.constant 0 : i32
      %dma_start3A_311 = tpu.memref_slice %arg7[%dma_start3A_309, %dma_start3A_310] : memref<65536x32xf32, #tpu.memory_space<hbm>> -> memref<65536x32xf32, #tpu.memory_space<hbm>>
      tpu.enqueue_indirect_dma source(%dma_start3A_311 : memref<65536x32xf32, #tpu.memory_space<hbm>>) target(%arg34 : memref<128x32xf32, #tpu.memory_space<vmem>>) offsets(%arg22 : memref<128xi32, #tpu.memory_space<vmem>>) semaphore(%arg42 : memref<!tpu.dma_semaphore, #tpu.memory_space<semaphore_mem>>)
      %mul3A_312 = arith.constant 4 : i32
      %mul3A_313 = arith.muli %scan3A_183, %mul3A_312 : i32
      %add3A_314 = arith.constant 3 : i32
      %add3A_315 = arith.addi %mul3A_313, %add3A_314 : i32
      %dma_wait3A_316 = arith.constant 0 : i32
      %dma_wait3A_317 = arith.constant 0 : i32
      %dma_wait3A_318 = tpu.memref_slice %arg5[%dma_wait3A_316, %dma_wait3A_317] : memref<65536x32xf32, #tpu.memory_space<hbm>> -> memref<65536x32xf32, #tpu.memory_space<hbm>>
      tpu.wait_indirect_dma semaphore(%arg43 : memref<!tpu.dma_semaphore, #tpu.memory_space<semaphore_mem>>) src(%dma_wait3A_318 : memref<65536x32xf32, #tpu.memory_space<hbm>>) dst(%arg27 : memref<128x32xf32, #tpu.memory_space<vmem>>)
      %dma_wait3A_319 = arith.constant 0 : i32
      %dma_wait3A_320 = arith.constant 0 : i32
      %dma_wait3A_321 = tpu.memref_slice %arg6[%dma_wait3A_319, %dma_wait3A_320] : memref<65536x32xf32, #tpu.memory_space<hbm>> -> memref<65536x32xf32, #tpu.memory_space<hbm>>
      tpu.wait_indirect_dma semaphore(%arg43 : memref<!tpu.dma_semaphore, #tpu.memory_space<semaphore_mem>>) src(%dma_wait3A_321 : memref<65536x32xf32, #tpu.memory_space<hbm>>) dst(%arg31 : memref<128x32xf32, #tpu.memory_space<vmem>>)
      %dma_wait3A_322 = arith.constant 0 : i32
      %dma_wait3A_323 = arith.constant 0 : i32
      %dma_wait3A_324 = tpu.memref_slice %arg7[%dma_wait3A_322, %dma_wait3A_323] : memref<65536x32xf32, #tpu.memory_space<hbm>> -> memref<65536x32xf32, #tpu.memory_space<hbm>>
      tpu.wait_indirect_dma semaphore(%arg43 : memref<!tpu.dma_semaphore, #tpu.memory_space<semaphore_mem>>) src(%dma_wait3A_324 : memref<65536x32xf32, #tpu.memory_space<hbm>>) dst(%arg35 : memref<128x32xf32, #tpu.memory_space<vmem>>)
      %ge3A_325 = arith.constant 2 : i32
      %ge3A_326 = arith.cmpi sge, %scan3A_183, %ge3A_325 : i32
      %convert_element_type3A_327 = arith.extui %ge3A_326 : i1 to i32
      %cond3A_328 = arith.constant 0 : i32
      %cond3A_329 = arith.cmpi ne, %convert_element_type3A_327, %cond3A_328 : i32
      scf.if %cond3A_329 {
        %sub3A_356 = arith.constant 8 : i32
        %sub3A_357 = arith.subi %add3A_315, %sub3A_356 : i32
        %mul3A_358 = arith.constant 128 : i32
        %mul3A_359 = arith.muli %sub3A_357, %mul3A_358 : i32
        %add3A_360 = arith.addi %mul3A_2, %mul3A_359 : i32
        %dma_wait3A_361 = arith.constant 0 : i32
        %dma_wait3A_362 = tpu.memref_slice %arg8[%add3A_360, %dma_wait3A_361] : memref<524288x16xf32, #tpu.memory_space<hbm>> -> memref<128x16xf32, #tpu.memory_space<hbm>>
        %dma_wait3A_363 = arith.constant 0 : i32
        %dma_wait3A_364 = tpu.memref_slice %arg8[%add3A_360, %dma_wait3A_363] : memref<524288x16xf32, #tpu.memory_space<hbm>> -> memref<128x16xf32, #tpu.memory_space<hbm>>
        tpu.wait_dma2 semaphore(%arg47 : memref<!tpu.dma_semaphore, #tpu.memory_space<semaphore_mem>>) src(%arg39 : memref<128x16xf32, #tpu.memory_space<vmem>>) dst(%dma_wait3A_364 : memref<128x16xf32, #tpu.memory_space<hbm>>)
      } else {
      }
      %parallel_loop3A_330 = arith.constant 0 : i32
      %parallel_loop3A_331 = arith.constant 128 : i32
      %parallel_loop3A_332 = arith.constant 1 : i32
      scf.for %parallel_loop3A_356 = %parallel_loop3A_330 to %parallel_loop3A_331 step %parallel_loop3A_332  : i32 {
        %parallel_loop3A_357 = arith.index_cast %parallel_loop3A_356 : i32 to index
        %parallel_loop3A_358 = arith.constant 0 : index
        %parallel_loop3A_359 = tpu.vector_load %arg27[%parallel_loop3A_357, %parallel_loop3A_358] {strides = array<i32>} : memref<128x32xf32, #tpu.memory_space<vmem>>, vector<1x16xf32>,
        %parallel_loop3A_360 = vector.shape_cast %parallel_loop3A_359 : vector<1x16xf32> to vector<16xf32>
        %parallel_loop3A_361 = arith.index_cast %parallel_loop3A_356 : i32 to index
        %parallel_loop3A_362 = arith.constant 0 : index
        %parallel_loop3A_363 = tpu.vector_load %arg31[%parallel_loop3A_361, %parallel_loop3A_362] {strides = array<i32>} : memref<128x32xf32, #tpu.memory_space<vmem>>, vector<1x16xf32>,
        %parallel_loop3A_364 = vector.shape_cast %parallel_loop3A_363 : vector<1x16xf32> to vector<16xf32>
        %parallel_loop3A_365 = arith.mulf %parallel_loop3A_360, %parallel_loop3A_364 : vector<16xf32>
        %parallel_loop3A_366 = arith.index_cast %parallel_loop3A_356 : i32 to index
        %parallel_loop3A_367 = arith.constant 0 : index
        %parallel_loop3A_368 = tpu.vector_load %arg35[%parallel_loop3A_366, %parallel_loop3A_367] {strides = array<i32>} : memref<128x32xf32, #tpu.memory_space<vmem>>, vector<1x16xf32>,
        %parallel_loop3A_369 = vector.shape_cast %parallel_loop3A_368 : vector<1x16xf32> to vector<16xf32>
        %parallel_loop3A_370 = arith.mulf %parallel_loop3A_365, %parallel_loop3A_369 : vector<16xf32>
        %parallel_loop3A_371 = arith.index_cast %parallel_loop3A_356 : i32 to index
        %parallel_loop3A_372 = arith.constant 16 : index
        %parallel_loop3A_373 = tpu.vector_load %arg27[%parallel_loop3A_371, %parallel_loop3A_372] {strides = array<i32>} : memref<128x32xf32, #tpu.memory_space<vmem>>, vector<1x16xf32>,
        %parallel_loop3A_374 = vector.shape_cast %parallel_loop3A_373 : vector<1x16xf32> to vector<16xf32>
        %parallel_loop3A_375 = arith.index_cast %parallel_loop3A_356 : i32 to index
        %parallel_loop3A_376 = arith.constant 16 : index
        %parallel_loop3A_377 = tpu.vector_load %arg31[%parallel_loop3A_375, %parallel_loop3A_376] {strides = array<i32>} : memref<128x32xf32, #tpu.memory_space<vmem>>, vector<1x16xf32>,
        %parallel_loop3A_378 = vector.shape_cast %parallel_loop3A_377 : vector<1x16xf32> to vector<16xf32>
        %parallel_loop3A_379 = arith.mulf %parallel_loop3A_374, %parallel_loop3A_378 : vector<16xf32>
        %parallel_loop3A_380 = arith.index_cast %parallel_loop3A_356 : i32 to index
        %parallel_loop3A_381 = arith.constant 16 : index
        %parallel_loop3A_382 = tpu.vector_load %arg35[%parallel_loop3A_380, %parallel_loop3A_381] {strides = array<i32>} : memref<128x32xf32, #tpu.memory_space<vmem>>, vector<1x16xf32>,
        %parallel_loop3A_383 = vector.shape_cast %parallel_loop3A_382 : vector<1x16xf32> to vector<16xf32>
        %parallel_loop3A_384 = arith.mulf %parallel_loop3A_379, %parallel_loop3A_383 : vector<16xf32>
        %parallel_loop3A_385 = arith.addf %parallel_loop3A_370, %parallel_loop3A_384 : vector<16xf32>
        %parallel_loop3A_386 = arith.index_cast %parallel_loop3A_356 : i32 to index
        %parallel_loop3A_387 = arith.constant 0 : index
        %parallel_loop3A_388 = tpu.vector_load %arg39[%parallel_loop3A_386, %parallel_loop3A_387] {strides = array<i32>} : memref<128x16xf32, #tpu.memory_space<vmem>>, vector<1x16xf32>,
        %parallel_loop3A_389 = vector.shape_cast %parallel_loop3A_388 : vector<1x16xf32> to vector<16xf32>
        %parallel_loop3A_390 = vector.shape_cast %parallel_loop3A_385 : vector<16xf32> to vector<1x16xf32>
        tpu.vector_store %arg39[%parallel_loop3A_386, %parallel_loop3A_387], %parallel_loop3A_390 {strides = array<i32>} : memref<128x16xf32, #tpu.memory_space<vmem>>, vector<1x16xf32>,
      } {sc.loop_unroll_factor = 8 : i64, sc.parallel_access}
      %sub3A_333 = arith.constant 4 : i32
      %sub3A_334 = arith.subi %add3A_315, %sub3A_333 : i32
      %mul3A_335 = arith.constant 128 : i32
      %mul3A_336 = arith.muli %sub3A_334, %mul3A_335 : i32
      %add3A_337 = arith.addi %mul3A_2, %mul3A_336 : i32
      %dma_start3A_338 = arith.constant 0 : i32
      %dma_start3A_339 = tpu.memref_slice %arg8[%add3A_337, %dma_start3A_338] : memref<524288x16xf32, #tpu.memory_space<hbm>> -> memref<128x16xf32, #tpu.memory_space<hbm>>
      %dma_start3A_340 = arith.constant 0 : i32
      %dma_start3A_341 = tpu.memref_slice %arg8[%add3A_337, %dma_start3A_340] : memref<524288x16xf32, #tpu.memory_space<hbm>> -> memref<128x16xf32, #tpu.memory_space<hbm>>
      tpu.enqueue_dma source(%arg39 : memref<128x16xf32, #tpu.memory_space<vmem>>) target(%dma_start3A_341 : memref<128x16xf32, #tpu.memory_space<hbm>>) target_semaphore(%arg47 : memref<!tpu.dma_semaphore, #tpu.memory_space<semaphore_mem>>)
      %mul3A_342 = arith.constant 128 : i32
      %mul3A_343 = arith.muli %add3A_315, %mul3A_342 : i32
      %parallel_loop3A_344 = arith.constant 0 : i32
      %parallel_loop3A_345 = arith.constant 8 : i32
      %parallel_loop3A_346 = arith.constant 1 : i32
      scf.for %parallel_loop3A_356 = %parallel_loop3A_344 to %parallel_loop3A_345 step %parallel_loop3A_346  : i32 {
        %parallel_loop3A_357 = arith.constant 16 : i32
        %parallel_loop3A_358 = arith.muli %parallel_loop3A_356, %parallel_loop3A_357 : i32
        %parallel_loop3A_359 = arith.addi %mul3A_343, %parallel_loop3A_358 : i32
        %parallel_loop3A_360 = arith.constant 16 : i32
        %parallel_loop3A_361 = arith.muli %parallel_loop3A_356, %parallel_loop3A_360 : i32
        %parallel_loop3A_362 = arith.index_cast %parallel_loop3A_359 : i32 to index
        %parallel_loop3A_363 = tpu.vector_load %arg9[%parallel_loop3A_362] {strides = array<i32>} : memref<16384xf32, #tpu.memory_space<vmem>>, vector<16xf32>,
        %parallel_loop3A_364 = vector.shape_cast %parallel_loop3A_363 : vector<16xf32> to vector<16xf32>
        %parallel_loop3A_365 = vector.broadcast %scan3A_57 : f32 to vector<16xf32>
        %parallel_loop3A_366 = arith.mulf %parallel_loop3A_364, %parallel_loop3A_365 : vector<16xf32>
        %parallel_loop3A_367 = arith.fptosi %parallel_loop3A_366 : vector<16xf32> to vector<16xi32>
        %parallel_loop3A_368 = arith.constant 0 : i32
        %parallel_loop3A_369 = arith.constant 65535 : i32
        %parallel_loop3A_370 = vector.broadcast %parallel_loop3A_368 : i32 to vector<16xi32>
        %parallel_loop3A_371 = arith.maxsi %parallel_loop3A_370, %parallel_loop3A_367 : vector<16xi32>
        %parallel_loop3A_372 = vector.broadcast %parallel_loop3A_369 : i32 to vector<16xi32>
        %parallel_loop3A_373 = arith.minsi %parallel_loop3A_372, %parallel_loop3A_371 : vector<16xi32>
        %parallel_loop3A_374 = arith.index_cast %parallel_loop3A_361 : i32 to index
        %parallel_loop3A_375 = tpu.vector_load %arg15[%parallel_loop3A_374] {strides = array<i32>} : memref<128xi32, #tpu.memory_space<vmem>>, vector<16xi32>,
        %parallel_loop3A_376 = vector.shape_cast %parallel_loop3A_375 : vector<16xi32> to vector<16xi32>
        %parallel_loop3A_377 = vector.shape_cast %parallel_loop3A_373 : vector<16xi32> to vector<16xi32>
        tpu.vector_store %arg15[%parallel_loop3A_374], %parallel_loop3A_377 {strides = array<i32>} : memref<128xi32, #tpu.memory_space<vmem>>, vector<16xi32>,
        %parallel_loop3A_378 = arith.index_cast %parallel_loop3A_359 : i32 to index
        %parallel_loop3A_379 = tpu.vector_load %arg10[%parallel_loop3A_378] {strides = array<i32>} : memref<16384xf32, #tpu.memory_space<vmem>>, vector<16xf32>,
        %parallel_loop3A_380 = vector.shape_cast %parallel_loop3A_379 : vector<16xf32> to vector<16xf32>
        %parallel_loop3A_381 = vector.broadcast %scan3A_58 : f32 to vector<16xf32>
        %parallel_loop3A_382 = arith.mulf %parallel_loop3A_380, %parallel_loop3A_381 : vector<16xf32>
        %parallel_loop3A_383 = arith.constant 1.000000e+00 : f32
        %parallel_loop3A_384 = vector.broadcast %parallel_loop3A_383 : f32 to vector<16xf32>
        %parallel_loop3A_385 = arith.subf %parallel_loop3A_382, %parallel_loop3A_384 : vector<16xf32>
        %parallel_loop3A_386 = arith.fptosi %parallel_loop3A_385 : vector<16xf32> to vector<16xi32>
        %parallel_loop3A_387 = arith.constant 0 : i32
        %parallel_loop3A_388 = arith.constant 65535 : i32
        %parallel_loop3A_389 = vector.broadcast %parallel_loop3A_387 : i32 to vector<16xi32>
        %parallel_loop3A_390 = arith.maxsi %parallel_loop3A_389, %parallel_loop3A_386 : vector<16xi32>
        %parallel_loop3A_391 = vector.broadcast %parallel_loop3A_388 : i32 to vector<16xi32>
        %parallel_loop3A_392 = arith.minsi %parallel_loop3A_391, %parallel_loop3A_390 : vector<16xi32>
        %parallel_loop3A_393 = arith.index_cast %parallel_loop3A_361 : i32 to index
        %parallel_loop3A_394 = tpu.vector_load %arg19[%parallel_loop3A_393] {strides = array<i32>} : memref<128xi32, #tpu.memory_space<vmem>>, vector<16xi32>,
        %parallel_loop3A_395 = vector.shape_cast %parallel_loop3A_394 : vector<16xi32> to vector<16xi32>
        %parallel_loop3A_396 = vector.shape_cast %parallel_loop3A_392 : vector<16xi32> to vector<16xi32>
        tpu.vector_store %arg19[%parallel_loop3A_393], %parallel_loop3A_396 {strides = array<i32>} : memref<128xi32, #tpu.memory_space<vmem>>, vector<16xi32>,
        %parallel_loop3A_397 = arith.index_cast %parallel_loop3A_359 : i32 to index
        %parallel_loop3A_398 = tpu.vector_load %arg11[%parallel_loop3A_397] {strides = array<i32>} : memref<16384xf32, #tpu.memory_space<vmem>>, vector<16xf32>,
        %parallel_loop3A_399 = vector.shape_cast %parallel_loop3A_398 : vector<16xf32> to vector<16xf32>
        %parallel_loop3A_400 = vector.broadcast %scan3A_58 : f32 to vector<16xf32>
        %parallel_loop3A_401 = arith.mulf %parallel_loop3A_399, %parallel_loop3A_400 : vector<16xf32>
        %parallel_loop3A_402 = arith.constant 1.000000e+00 : f32
        %parallel_loop3A_403 = vector.broadcast %parallel_loop3A_402 : f32 to vector<16xf32>
        %parallel_loop3A_404 = arith.subf %parallel_loop3A_401, %parallel_loop3A_403 : vector<16xf32>
        %parallel_loop3A_405 = arith.fptosi %parallel_loop3A_404 : vector<16xf32> to vector<16xi32>
        %parallel_loop3A_406 = arith.constant 0 : i32
        %parallel_loop3A_407 = arith.constant 65535 : i32
        %parallel_loop3A_408 = vector.broadcast %parallel_loop3A_406 : i32 to vector<16xi32>
        %parallel_loop3A_409 = arith.maxsi %parallel_loop3A_408, %parallel_loop3A_405 : vector<16xi32>
        %parallel_loop3A_410 = vector.broadcast %parallel_loop3A_407 : i32 to vector<16xi32>
        %parallel_loop3A_411 = arith.minsi %parallel_loop3A_410, %parallel_loop3A_409 : vector<16xi32>
        %parallel_loop3A_412 = arith.index_cast %parallel_loop3A_361 : i32 to index
        %parallel_loop3A_413 = tpu.vector_load %arg23[%parallel_loop3A_412] {strides = array<i32>} : memref<128xi32, #tpu.memory_space<vmem>>, vector<16xi32>,
        %parallel_loop3A_414 = vector.shape_cast %parallel_loop3A_413 : vector<16xi32> to vector<16xi32>
        %parallel_loop3A_415 = vector.shape_cast %parallel_loop3A_411 : vector<16xi32> to vector<16xi32>
        tpu.vector_store %arg23[%parallel_loop3A_412], %parallel_loop3A_415 {strides = array<i32>} : memref<128xi32, #tpu.memory_space<vmem>>, vector<16xi32>,
      } {sc.loop_unroll_factor = 4 : i64, sc.parallel_access}
      %dma_start3A_347 = arith.constant 0 : i32
      %dma_start3A_348 = arith.constant 0 : i32
      %dma_start3A_349 = tpu.memref_slice %arg5[%dma_start3A_347, %dma_start3A_348] : memref<65536x32xf32, #tpu.memory_space<hbm>> -> memref<65536x32xf32, #tpu.memory_space<hbm>>
      tpu.enqueue_indirect_dma source(%dma_start3A_349 : memref<65536x32xf32, #tpu.memory_space<hbm>>) target(%arg27 : memref<128x32xf32, #tpu.memory_space<vmem>>) offsets(%arg15 : memref<128xi32, #tpu.memory_space<vmem>>) semaphore(%arg43 : memref<!tpu.dma_semaphore, #tpu.memory_space<semaphore_mem>>)
      %dma_start3A_350 = arith.constant 0 : i32
      %dma_start3A_351 = arith.constant 0 : i32
      %dma_start3A_352 = tpu.memref_slice %arg6[%dma_start3A_350, %dma_start3A_351] : memref<65536x32xf32, #tpu.memory_space<hbm>> -> memref<65536x32xf32, #tpu.memory_space<hbm>>
      tpu.enqueue_indirect_dma source(%dma_start3A_352 : memref<65536x32xf32, #tpu.memory_space<hbm>>) target(%arg31 : memref<128x32xf32, #tpu.memory_space<vmem>>) offsets(%arg19 : memref<128xi32, #tpu.memory_space<vmem>>) semaphore(%arg43 : memref<!tpu.dma_semaphore, #tpu.memory_space<semaphore_mem>>)
      %dma_start3A_353 = arith.constant 0 : i32
      %dma_start3A_354 = arith.constant 0 : i32
      %dma_start3A_355 = tpu.memref_slice %arg7[%dma_start3A_353, %dma_start3A_354] : memref<65536x32xf32, #tpu.memory_space<hbm>> -> memref<65536x32xf32, #tpu.memory_space<hbm>>
      tpu.enqueue_indirect_dma source(%dma_start3A_355 : memref<65536x32xf32, #tpu.memory_space<hbm>>) target(%arg35 : memref<128x32xf32, #tpu.memory_space<vmem>>) offsets(%arg23 : memref<128xi32, #tpu.memory_space<vmem>>) semaphore(%arg43 : memref<!tpu.dma_semaphore, #tpu.memory_space<semaphore_mem>>)
    }
    %scan3A_63 = arith.constant 31 : i32
    %dma_wait3A = arith.constant 0 : i32
    %dma_wait3A_64 = arith.constant 0 : i32
    %dma_wait3A_65 = tpu.memref_slice %arg5[%dma_wait3A, %dma_wait3A_64] : memref<65536x32xf32, #tpu.memory_space<hbm>> -> memref<65536x32xf32, #tpu.memory_space<hbm>>
    tpu.wait_indirect_dma semaphore(%arg40 : memref<!tpu.dma_semaphore, #tpu.memory_space<semaphore_mem>>) src(%dma_wait3A_65 : memref<65536x32xf32, #tpu.memory_space<hbm>>) dst(%arg24 : memref<128x32xf32, #tpu.memory_space<vmem>>)
    %dma_wait3A_66 = arith.constant 0 : i32
    %dma_wait3A_67 = arith.constant 0 : i32
    %dma_wait3A_68 = tpu.memref_slice %arg6[%dma_wait3A_66, %dma_wait3A_67] : memref<65536x32xf32, #tpu.memory_space<hbm>> -> memref<65536x32xf32, #tpu.memory_space<hbm>>
    tpu.wait_indirect_dma semaphore(%arg40 : memref<!tpu.dma_semaphore, #tpu.memory_space<semaphore_mem>>) src(%dma_wait3A_68 : memref<65536x32xf32, #tpu.memory_space<hbm>>) dst(%arg28 : memref<128x32xf32, #tpu.memory_space<vmem>>)
    %dma_wait3A_69 = arith.constant 0 : i32
    %dma_wait3A_70 = arith.constant 0 : i32
    %dma_wait3A_71 = tpu.memref_slice %arg7[%dma_wait3A_69, %dma_wait3A_70] : memref<65536x32xf32, #tpu.memory_space<hbm>> -> memref<65536x32xf32, #tpu.memory_space<hbm>>
    tpu.wait_indirect_dma semaphore(%arg40 : memref<!tpu.dma_semaphore, #tpu.memory_space<semaphore_mem>>) src(%dma_wait3A_71 : memref<65536x32xf32, #tpu.memory_space<hbm>>) dst(%arg32 : memref<128x32xf32, #tpu.memory_space<vmem>>)
    %add3A_72 = arith.constant 15360 : i32
    %add3A_73 = arith.addi %mul3A_2, %add3A_72 : i32
    %dma_wait3A_74 = arith.constant 0 : i32
    %dma_wait3A_75 = tpu.memref_slice %arg8[%add3A_73, %dma_wait3A_74] : memref<524288x16xf32, #tpu.memory_space<hbm>> -> memref<128x16xf32, #tpu.memory_space<hbm>>
    %dma_wait3A_76 = arith.constant 0 : i32
    %dma_wait3A_77 = tpu.memref_slice %arg8[%add3A_73, %dma_wait3A_76] : memref<524288x16xf32, #tpu.memory_space<hbm>> -> memref<128x16xf32, #tpu.memory_space<hbm>>
    tpu.wait_dma2 semaphore(%arg44 : memref<!tpu.dma_semaphore, #tpu.memory_space<semaphore_mem>>) src(%arg36 : memref<128x16xf32, #tpu.memory_space<vmem>>) dst(%dma_wait3A_77 : memref<128x16xf32, #tpu.memory_space<hbm>>)
    %parallel_loop3A_78 = arith.constant 0 : i32
    %parallel_loop3A_79 = arith.constant 128 : i32
    %parallel_loop3A_80 = arith.constant 1 : i32
    scf.for %parallel_loop3A_183 = %parallel_loop3A_78 to %parallel_loop3A_79 step %parallel_loop3A_80  : i32 {
      %parallel_loop3A_184 = arith.index_cast %parallel_loop3A_183 : i32 to index
      %parallel_loop3A_185 = arith.constant 0 : index
      %parallel_loop3A_186 = tpu.vector_load %arg24[%parallel_loop3A_184, %parallel_loop3A_185] {strides = array<i32>} : memref<128x32xf32, #tpu.memory_space<vmem>>, vector<1x16xf32>,
      %parallel_loop3A_187 = vector.shape_cast %parallel_loop3A_186 : vector<1x16xf32> to vector<16xf32>
      %parallel_loop3A_188 = arith.index_cast %parallel_loop3A_183 : i32 to index
      %parallel_loop3A_189 = arith.constant 0 : index
      %parallel_loop3A_190 = tpu.vector_load %arg28[%parallel_loop3A_188, %parallel_loop3A_189] {strides = array<i32>} : memref<128x32xf32, #tpu.memory_space<vmem>>, vector<1x16xf32>,
      %parallel_loop3A_191 = vector.shape_cast %parallel_loop3A_190 : vector<1x16xf32> to vector<16xf32>
      %parallel_loop3A_192 = arith.mulf %parallel_loop3A_187, %parallel_loop3A_191 : vector<16xf32>
      %parallel_loop3A_193 = arith.index_cast %parallel_loop3A_183 : i32 to index
      %parallel_loop3A_194 = arith.constant 0 : index
      %parallel_loop3A_195 = tpu.vector_load %arg32[%parallel_loop3A_193, %parallel_loop3A_194] {strides = array<i32>} : memref<128x32xf32, #tpu.memory_space<vmem>>, vector<1x16xf32>,
      %parallel_loop3A_196 = vector.shape_cast %parallel_loop3A_195 : vector<1x16xf32> to vector<16xf32>
      %parallel_loop3A_197 = arith.mulf %parallel_loop3A_192, %parallel_loop3A_196 : vector<16xf32>
      %parallel_loop3A_198 = arith.index_cast %parallel_loop3A_183 : i32 to index
      %parallel_loop3A_199 = arith.constant 16 : index
      %parallel_loop3A_200 = tpu.vector_load %arg24[%parallel_loop3A_198, %parallel_loop3A_199] {strides = array<i32>} : memref<128x32xf32, #tpu.memory_space<vmem>>, vector<1x16xf32>,
      %parallel_loop3A_201 = vector.shape_cast %parallel_loop3A_200 : vector<1x16xf32> to vector<16xf32>
      %parallel_loop3A_202 = arith.index_cast %parallel_loop3A_183 : i32 to index
      %parallel_loop3A_203 = arith.constant 16 : index
      %parallel_loop3A_204 = tpu.vector_load %arg28[%parallel_loop3A_202, %parallel_loop3A_203] {strides = array<i32>} : memref<128x32xf32, #tpu.memory_space<vmem>>, vector<1x16xf32>,
      %parallel_loop3A_205 = vector.shape_cast %parallel_loop3A_204 : vector<1x16xf32> to vector<16xf32>
      %parallel_loop3A_206 = arith.mulf %parallel_loop3A_201, %parallel_loop3A_205 : vector<16xf32>
      %parallel_loop3A_207 = arith.index_cast %parallel_loop3A_183 : i32 to index
      %parallel_loop3A_208 = arith.constant 16 : index
      %parallel_loop3A_209 = tpu.vector_load %arg32[%parallel_loop3A_207, %parallel_loop3A_208] {strides = array<i32>} : memref<128x32xf32, #tpu.memory_space<vmem>>, vector<1x16xf32>,
      %parallel_loop3A_210 = vector.shape_cast %parallel_loop3A_209 : vector<1x16xf32> to vector<16xf32>
      %parallel_loop3A_211 = arith.mulf %parallel_loop3A_206, %parallel_loop3A_210 : vector<16xf32>
      %parallel_loop3A_212 = arith.addf %parallel_loop3A_197, %parallel_loop3A_211 : vector<16xf32>
      %parallel_loop3A_213 = arith.index_cast %parallel_loop3A_183 : i32 to index
      %parallel_loop3A_214 = arith.constant 0 : index
      %parallel_loop3A_215 = tpu.vector_load %arg36[%parallel_loop3A_213, %parallel_loop3A_214] {strides = array<i32>} : memref<128x16xf32, #tpu.memory_space<vmem>>, vector<1x16xf32>,
      %parallel_loop3A_216 = vector.shape_cast %parallel_loop3A_215 : vector<1x16xf32> to vector<16xf32>
      %parallel_loop3A_217 = vector.shape_cast %parallel_loop3A_212 : vector<16xf32> to vector<1x16xf32>
      tpu.vector_store %arg36[%parallel_loop3A_213, %parallel_loop3A_214], %parallel_loop3A_217 {strides = array<i32>} : memref<128x16xf32, #tpu.memory_space<vmem>>, vector<1x16xf32>,
    } {sc.loop_unroll_factor = 8 : i64, sc.parallel_access}
    %add3A_81 = arith.constant 15872 : i32
    %add3A_82 = arith.addi %mul3A_2, %add3A_81 : i32
    %dma_start3A_83 = arith.constant 0 : i32
    %dma_start3A_84 = tpu.memref_slice %arg8[%add3A_82, %dma_start3A_83] : memref<524288x16xf32, #tpu.memory_space<hbm>> -> memref<128x16xf32, #tpu.memory_space<hbm>>
    %dma_start3A_85 = arith.constant 0 : i32
    %dma_start3A_86 = tpu.memref_slice %arg8[%add3A_82, %dma_start3A_85] : memref<524288x16xf32, #tpu.memory_space<hbm>> -> memref<128x16xf32, #tpu.memory_space<hbm>>
    tpu.enqueue_dma source(%arg36 : memref<128x16xf32, #tpu.memory_space<vmem>>) target(%dma_start3A_86 : memref<128x16xf32, #tpu.memory_space<hbm>>) target_semaphore(%arg44 : memref<!tpu.dma_semaphore, #tpu.memory_space<semaphore_mem>>)
    %dma_wait3A_87 = arith.constant 0 : i32
    %dma_wait3A_88 = arith.constant 0 : i32
    %dma_wait3A_89 = tpu.memref_slice %arg5[%dma_wait3A_87, %dma_wait3A_88] : memref<65536x32xf32, #tpu.memory_space<hbm>> -> memref<65536x32xf32, #tpu.memory_space<hbm>>
    tpu.wait_indirect_dma semaphore(%arg41 : memref<!tpu.dma_semaphore, #tpu.memory_space<semaphore_mem>>) src(%dma_wait3A_89 : memref<65536x32xf32, #tpu.memory_space<hbm>>) dst(%arg25 : memref<128x32xf32, #tpu.memory_space<vmem>>)
    %dma_wait3A_90 = arith.constant 0 : i32
    %dma_wait3A_91 = arith.constant 0 : i32
    %dma_wait3A_92 = tpu.memref_slice %arg6[%dma_wait3A_90, %dma_wait3A_91] : memref<65536x32xf32, #tpu.memory_space<hbm>> -> memref<65536x32xf32, #tpu.memory_space<hbm>>
    tpu.wait_indirect_dma semaphore(%arg41 : memref<!tpu.dma_semaphore, #tpu.memory_space<semaphore_mem>>) src(%dma_wait3A_92 : memref<65536x32xf32, #tpu.memory_space<hbm>>) dst(%arg29 : memref<128x32xf32, #tpu.memory_space<vmem>>)
    %dma_wait3A_93 = arith.constant 0 : i32
    %dma_wait3A_94 = arith.constant 0 : i32
    %dma_wait3A_95 = tpu.memref_slice %arg7[%dma_wait3A_93, %dma_wait3A_94] : memref<65536x32xf32, #tpu.memory_space<hbm>> -> memref<65536x32xf32, #tpu.memory_space<hbm>>
    tpu.wait_indirect_dma semaphore(%arg41 : memref<!tpu.dma_semaphore, #tpu.memory_space<semaphore_mem>>) src(%dma_wait3A_95 : memref<65536x32xf32, #tpu.memory_space<hbm>>) dst(%arg33 : memref<128x32xf32, #tpu.memory_space<vmem>>)
    %add3A_96 = arith.constant 15488 : i32
    %add3A_97 = arith.addi %mul3A_2, %add3A_96 : i32
    %dma_wait3A_98 = arith.constant 0 : i32
    %dma_wait3A_99 = tpu.memref_slice %arg8[%add3A_97, %dma_wait3A_98] : memref<524288x16xf32, #tpu.memory_space<hbm>> -> memref<128x16xf32, #tpu.memory_space<hbm>>
    %dma_wait3A_100 = arith.constant 0 : i32
    %dma_wait3A_101 = tpu.memref_slice %arg8[%add3A_97, %dma_wait3A_100] : memref<524288x16xf32, #tpu.memory_space<hbm>> -> memref<128x16xf32, #tpu.memory_space<hbm>>
    tpu.wait_dma2 semaphore(%arg45 : memref<!tpu.dma_semaphore, #tpu.memory_space<semaphore_mem>>) src(%arg37 : memref<128x16xf32, #tpu.memory_space<vmem>>) dst(%dma_wait3A_101 : memref<128x16xf32, #tpu.memory_space<hbm>>)
    %parallel_loop3A_102 = arith.constant 0 : i32
    %parallel_loop3A_103 = arith.constant 128 : i32
    %parallel_loop3A_104 = arith.constant 1 : i32
    scf.for %parallel_loop3A_183 = %parallel_loop3A_102 to %parallel_loop3A_103 step %parallel_loop3A_104  : i32 {
      %parallel_loop3A_184 = arith.index_cast %parallel_loop3A_183 : i32 to index
      %parallel_loop3A_185 = arith.constant 0 : index
      %parallel_loop3A_186 = tpu.vector_load %arg25[%parallel_loop3A_184, %parallel_loop3A_185] {strides = array<i32>} : memref<128x32xf32, #tpu.memory_space<vmem>>, vector<1x16xf32>,
      %parallel_loop3A_187 = vector.shape_cast %parallel_loop3A_186 : vector<1x16xf32> to vector<16xf32>
      %parallel_loop3A_188 = arith.index_cast %parallel_loop3A_183 : i32 to index
      %parallel_loop3A_189 = arith.constant 0 : index
      %parallel_loop3A_190 = tpu.vector_load %arg29[%parallel_loop3A_188, %parallel_loop3A_189] {strides = array<i32>} : memref<128x32xf32, #tpu.memory_space<vmem>>, vector<1x16xf32>,
      %parallel_loop3A_191 = vector.shape_cast %parallel_loop3A_190 : vector<1x16xf32> to vector<16xf32>
      %parallel_loop3A_192 = arith.mulf %parallel_loop3A_187, %parallel_loop3A_191 : vector<16xf32>
      %parallel_loop3A_193 = arith.index_cast %parallel_loop3A_183 : i32 to index
      %parallel_loop3A_194 = arith.constant 0 : index
      %parallel_loop3A_195 = tpu.vector_load %arg33[%parallel_loop3A_193, %parallel_loop3A_194] {strides = array<i32>} : memref<128x32xf32, #tpu.memory_space<vmem>>, vector<1x16xf32>,
      %parallel_loop3A_196 = vector.shape_cast %parallel_loop3A_195 : vector<1x16xf32> to vector<16xf32>
      %parallel_loop3A_197 = arith.mulf %parallel_loop3A_192, %parallel_loop3A_196 : vector<16xf32>
      %parallel_loop3A_198 = arith.index_cast %parallel_loop3A_183 : i32 to index
      %parallel_loop3A_199 = arith.constant 16 : index
      %parallel_loop3A_200 = tpu.vector_load %arg25[%parallel_loop3A_198, %parallel_loop3A_199] {strides = array<i32>} : memref<128x32xf32, #tpu.memory_space<vmem>>, vector<1x16xf32>,
      %parallel_loop3A_201 = vector.shape_cast %parallel_loop3A_200 : vector<1x16xf32> to vector<16xf32>
      %parallel_loop3A_202 = arith.index_cast %parallel_loop3A_183 : i32 to index
      %parallel_loop3A_203 = arith.constant 16 : index
      %parallel_loop3A_204 = tpu.vector_load %arg29[%parallel_loop3A_202, %parallel_loop3A_203] {strides = array<i32>} : memref<128x32xf32, #tpu.memory_space<vmem>>, vector<1x16xf32>,
      %parallel_loop3A_205 = vector.shape_cast %parallel_loop3A_204 : vector<1x16xf32> to vector<16xf32>
      %parallel_loop3A_206 = arith.mulf %parallel_loop3A_201, %parallel_loop3A_205 : vector<16xf32>
      %parallel_loop3A_207 = arith.index_cast %parallel_loop3A_183 : i32 to index
      %parallel_loop3A_208 = arith.constant 16 : index
      %parallel_loop3A_209 = tpu.vector_load %arg33[%parallel_loop3A_207, %parallel_loop3A_208] {strides = array<i32>} : memref<128x32xf32, #tpu.memory_space<vmem>>, vector<1x16xf32>,
      %parallel_loop3A_210 = vector.shape_cast %parallel_loop3A_209 : vector<1x16xf32> to vector<16xf32>
      %parallel_loop3A_211 = arith.mulf %parallel_loop3A_206, %parallel_loop3A_210 : vector<16xf32>
      %parallel_loop3A_212 = arith.addf %parallel_loop3A_197, %parallel_loop3A_211 : vector<16xf32>
      %parallel_loop3A_213 = arith.index_cast %parallel_loop3A_183 : i32 to index
      %parallel_loop3A_214 = arith.constant 0 : index
      %parallel_loop3A_215 = tpu.vector_load %arg37[%parallel_loop3A_213, %parallel_loop3A_214] {strides = array<i32>} : memref<128x16xf32, #tpu.memory_space<vmem>>, vector<1x16xf32>,
      %parallel_loop3A_216 = vector.shape_cast %parallel_loop3A_215 : vector<1x16xf32> to vector<16xf32>
      %parallel_loop3A_217 = vector.shape_cast %parallel_loop3A_212 : vector<16xf32> to vector<1x16xf32>
      tpu.vector_store %arg37[%parallel_loop3A_213, %parallel_loop3A_214], %parallel_loop3A_217 {strides = array<i32>} : memref<128x16xf32, #tpu.memory_space<vmem>>, vector<1x16xf32>,
    } {sc.loop_unroll_factor = 8 : i64, sc.parallel_access}
    %add3A_105 = arith.constant 16000 : i32
    %add3A_106 = arith.addi %mul3A_2, %add3A_105 : i32
    %dma_start3A_107 = arith.constant 0 : i32
    %dma_start3A_108 = tpu.memref_slice %arg8[%add3A_106, %dma_start3A_107] : memref<524288x16xf32, #tpu.memory_space<hbm>> -> memref<128x16xf32, #tpu.memory_space<hbm>>
    %dma_start3A_109 = arith.constant 0 : i32
    %dma_start3A_110 = tpu.memref_slice %arg8[%add3A_106, %dma_start3A_109] : memref<524288x16xf32, #tpu.memory_space<hbm>> -> memref<128x16xf32, #tpu.memory_space<hbm>>
    tpu.enqueue_dma source(%arg37 : memref<128x16xf32, #tpu.memory_space<vmem>>) target(%dma_start3A_110 : memref<128x16xf32, #tpu.memory_space<hbm>>) target_semaphore(%arg45 : memref<!tpu.dma_semaphore, #tpu.memory_space<semaphore_mem>>)
    %dma_wait3A_111 = arith.constant 0 : i32
    %dma_wait3A_112 = arith.constant 0 : i32
    %dma_wait3A_113 = tpu.memref_slice %arg5[%dma_wait3A_111, %dma_wait3A_112] : memref<65536x32xf32, #tpu.memory_space<hbm>> -> memref<65536x32xf32, #tpu.memory_space<hbm>>
    tpu.wait_indirect_dma semaphore(%arg42 : memref<!tpu.dma_semaphore, #tpu.memory_space<semaphore_mem>>) src(%dma_wait3A_113 : memref<65536x32xf32, #tpu.memory_space<hbm>>) dst(%arg26 : memref<128x32xf32, #tpu.memory_space<vmem>>)
    %dma_wait3A_114 = arith.constant 0 : i32
    %dma_wait3A_115 = arith.constant 0 : i32
    %dma_wait3A_116 = tpu.memref_slice %arg6[%dma_wait3A_114, %dma_wait3A_115] : memref<65536x32xf32, #tpu.memory_space<hbm>> -> memref<65536x32xf32, #tpu.memory_space<hbm>>
    tpu.wait_indirect_dma semaphore(%arg42 : memref<!tpu.dma_semaphore, #tpu.memory_space<semaphore_mem>>) src(%dma_wait3A_116 : memref<65536x32xf32, #tpu.memory_space<hbm>>) dst(%arg30 : memref<128x32xf32, #tpu.memory_space<vmem>>)
    %dma_wait3A_117 = arith.constant 0 : i32
    %dma_wait3A_118 = arith.constant 0 : i32
    %dma_wait3A_119 = tpu.memref_slice %arg7[%dma_wait3A_117, %dma_wait3A_118] : memref<65536x32xf32, #tpu.memory_space<hbm>> -> memref<65536x32xf32, #tpu.memory_space<hbm>>
    tpu.wait_indirect_dma semaphore(%arg42 : memref<!tpu.dma_semaphore, #tpu.memory_space<semaphore_mem>>) src(%dma_wait3A_119 : memref<65536x32xf32, #tpu.memory_space<hbm>>) dst(%arg34 : memref<128x32xf32, #tpu.memory_space<vmem>>)
    %add3A_120 = arith.constant 15616 : i32
    %add3A_121 = arith.addi %mul3A_2, %add3A_120 : i32
    %dma_wait3A_122 = arith.constant 0 : i32
    %dma_wait3A_123 = tpu.memref_slice %arg8[%add3A_121, %dma_wait3A_122] : memref<524288x16xf32, #tpu.memory_space<hbm>> -> memref<128x16xf32, #tpu.memory_space<hbm>>
    %dma_wait3A_124 = arith.constant 0 : i32
    %dma_wait3A_125 = tpu.memref_slice %arg8[%add3A_121, %dma_wait3A_124] : memref<524288x16xf32, #tpu.memory_space<hbm>> -> memref<128x16xf32, #tpu.memory_space<hbm>>
    tpu.wait_dma2 semaphore(%arg46 : memref<!tpu.dma_semaphore, #tpu.memory_space<semaphore_mem>>) src(%arg38 : memref<128x16xf32, #tpu.memory_space<vmem>>) dst(%dma_wait3A_125 : memref<128x16xf32, #tpu.memory_space<hbm>>)
    %parallel_loop3A_126 = arith.constant 0 : i32
    %parallel_loop3A_127 = arith.constant 128 : i32
    %parallel_loop3A_128 = arith.constant 1 : i32
    scf.for %parallel_loop3A_183 = %parallel_loop3A_126 to %parallel_loop3A_127 step %parallel_loop3A_128  : i32 {
      %parallel_loop3A_184 = arith.index_cast %parallel_loop3A_183 : i32 to index
      %parallel_loop3A_185 = arith.constant 0 : index
      %parallel_loop3A_186 = tpu.vector_load %arg26[%parallel_loop3A_184, %parallel_loop3A_185] {strides = array<i32>} : memref<128x32xf32, #tpu.memory_space<vmem>>, vector<1x16xf32>,
      %parallel_loop3A_187 = vector.shape_cast %parallel_loop3A_186 : vector<1x16xf32> to vector<16xf32>
      %parallel_loop3A_188 = arith.index_cast %parallel_loop3A_183 : i32 to index
      %parallel_loop3A_189 = arith.constant 0 : index
      %parallel_loop3A_190 = tpu.vector_load %arg30[%parallel_loop3A_188, %parallel_loop3A_189] {strides = array<i32>} : memref<128x32xf32, #tpu.memory_space<vmem>>, vector<1x16xf32>,
      %parallel_loop3A_191 = vector.shape_cast %parallel_loop3A_190 : vector<1x16xf32> to vector<16xf32>
      %parallel_loop3A_192 = arith.mulf %parallel_loop3A_187, %parallel_loop3A_191 : vector<16xf32>
      %parallel_loop3A_193 = arith.index_cast %parallel_loop3A_183 : i32 to index
      %parallel_loop3A_194 = arith.constant 0 : index
      %parallel_loop3A_195 = tpu.vector_load %arg34[%parallel_loop3A_193, %parallel_loop3A_194] {strides = array<i32>} : memref<128x32xf32, #tpu.memory_space<vmem>>, vector<1x16xf32>,
      %parallel_loop3A_196 = vector.shape_cast %parallel_loop3A_195 : vector<1x16xf32> to vector<16xf32>
      %parallel_loop3A_197 = arith.mulf %parallel_loop3A_192, %parallel_loop3A_196 : vector<16xf32>
      %parallel_loop3A_198 = arith.index_cast %parallel_loop3A_183 : i32 to index
      %parallel_loop3A_199 = arith.constant 16 : index
      %parallel_loop3A_200 = tpu.vector_load %arg26[%parallel_loop3A_198, %parallel_loop3A_199] {strides = array<i32>} : memref<128x32xf32, #tpu.memory_space<vmem>>, vector<1x16xf32>,
      %parallel_loop3A_201 = vector.shape_cast %parallel_loop3A_200 : vector<1x16xf32> to vector<16xf32>
      %parallel_loop3A_202 = arith.index_cast %parallel_loop3A_183 : i32 to index
      %parallel_loop3A_203 = arith.constant 16 : index
      %parallel_loop3A_204 = tpu.vector_load %arg30[%parallel_loop3A_202, %parallel_loop3A_203] {strides = array<i32>} : memref<128x32xf32, #tpu.memory_space<vmem>>, vector<1x16xf32>,
      %parallel_loop3A_205 = vector.shape_cast %parallel_loop3A_204 : vector<1x16xf32> to vector<16xf32>
      %parallel_loop3A_206 = arith.mulf %parallel_loop3A_201, %parallel_loop3A_205 : vector<16xf32>
      %parallel_loop3A_207 = arith.index_cast %parallel_loop3A_183 : i32 to index
      %parallel_loop3A_208 = arith.constant 16 : index
      %parallel_loop3A_209 = tpu.vector_load %arg34[%parallel_loop3A_207, %parallel_loop3A_208] {strides = array<i32>} : memref<128x32xf32, #tpu.memory_space<vmem>>, vector<1x16xf32>,
      %parallel_loop3A_210 = vector.shape_cast %parallel_loop3A_209 : vector<1x16xf32> to vector<16xf32>
      %parallel_loop3A_211 = arith.mulf %parallel_loop3A_206, %parallel_loop3A_210 : vector<16xf32>
      %parallel_loop3A_212 = arith.addf %parallel_loop3A_197, %parallel_loop3A_211 : vector<16xf32>
      %parallel_loop3A_213 = arith.index_cast %parallel_loop3A_183 : i32 to index
      %parallel_loop3A_214 = arith.constant 0 : index
      %parallel_loop3A_215 = tpu.vector_load %arg38[%parallel_loop3A_213, %parallel_loop3A_214] {strides = array<i32>} : memref<128x16xf32, #tpu.memory_space<vmem>>, vector<1x16xf32>,
      %parallel_loop3A_216 = vector.shape_cast %parallel_loop3A_215 : vector<1x16xf32> to vector<16xf32>
      %parallel_loop3A_217 = vector.shape_cast %parallel_loop3A_212 : vector<16xf32> to vector<1x16xf32>
      tpu.vector_store %arg38[%parallel_loop3A_213, %parallel_loop3A_214], %parallel_loop3A_217 {strides = array<i32>} : memref<128x16xf32, #tpu.memory_space<vmem>>, vector<1x16xf32>,
    } {sc.loop_unroll_factor = 8 : i64, sc.parallel_access}
    %add3A_129 = arith.constant 16128 : i32
    %add3A_130 = arith.addi %mul3A_2, %add3A_129 : i32
    %dma_start3A_131 = arith.constant 0 : i32
    %dma_start3A_132 = tpu.memref_slice %arg8[%add3A_130, %dma_start3A_131] : memref<524288x16xf32, #tpu.memory_space<hbm>> -> memref<128x16xf32, #tpu.memory_space<hbm>>
    %dma_start3A_133 = arith.constant 0 : i32
    %dma_start3A_134 = tpu.memref_slice %arg8[%add3A_130, %dma_start3A_133] : memref<524288x16xf32, #tpu.memory_space<hbm>> -> memref<128x16xf32, #tpu.memory_space<hbm>>
    tpu.enqueue_dma source(%arg38 : memref<128x16xf32, #tpu.memory_space<vmem>>) target(%dma_start3A_134 : memref<128x16xf32, #tpu.memory_space<hbm>>) target_semaphore(%arg46 : memref<!tpu.dma_semaphore, #tpu.memory_space<semaphore_mem>>)
    %dma_wait3A_135 = arith.constant 0 : i32
    %dma_wait3A_136 = arith.constant 0 : i32
    %dma_wait3A_137 = tpu.memref_slice %arg5[%dma_wait3A_135, %dma_wait3A_136] : memref<65536x32xf32, #tpu.memory_space<hbm>> -> memref<65536x32xf32, #tpu.memory_space<hbm>>
    tpu.wait_indirect_dma semaphore(%arg43 : memref<!tpu.dma_semaphore, #tpu.memory_space<semaphore_mem>>) src(%dma_wait3A_137 : memref<65536x32xf32, #tpu.memory_space<hbm>>) dst(%arg27 : memref<128x32xf32, #tpu.memory_space<vmem>>)
    %dma_wait3A_138 = arith.constant 0 : i32
    %dma_wait3A_139 = arith.constant 0 : i32
    %dma_wait3A_140 = tpu.memref_slice %arg6[%dma_wait3A_138, %dma_wait3A_139] : memref<65536x32xf32, #tpu.memory_space<hbm>> -> memref<65536x32xf32, #tpu.memory_space<hbm>>
    tpu.wait_indirect_dma semaphore(%arg43 : memref<!tpu.dma_semaphore, #tpu.memory_space<semaphore_mem>>) src(%dma_wait3A_140 : memref<65536x32xf32, #tpu.memory_space<hbm>>) dst(%arg31 : memref<128x32xf32, #tpu.memory_space<vmem>>)
    %dma_wait3A_141 = arith.constant 0 : i32
    %dma_wait3A_142 = arith.constant 0 : i32
    %dma_wait3A_143 = tpu.memref_slice %arg7[%dma_wait3A_141, %dma_wait3A_142] : memref<65536x32xf32, #tpu.memory_space<hbm>> -> memref<65536x32xf32, #tpu.memory_space<hbm>>
    tpu.wait_indirect_dma semaphore(%arg43 : memref<!tpu.dma_semaphore, #tpu.memory_space<semaphore_mem>>) src(%dma_wait3A_143 : memref<65536x32xf32, #tpu.memory_space<hbm>>) dst(%arg35 : memref<128x32xf32, #tpu.memory_space<vmem>>)
    %add3A_144 = arith.constant 15744 : i32
    %add3A_145 = arith.addi %mul3A_2, %add3A_144 : i32
    %dma_wait3A_146 = arith.constant 0 : i32
    %dma_wait3A_147 = tpu.memref_slice %arg8[%add3A_145, %dma_wait3A_146] : memref<524288x16xf32, #tpu.memory_space<hbm>> -> memref<128x16xf32, #tpu.memory_space<hbm>>
    %dma_wait3A_148 = arith.constant 0 : i32
    %dma_wait3A_149 = tpu.memref_slice %arg8[%add3A_145, %dma_wait3A_148] : memref<524288x16xf32, #tpu.memory_space<hbm>> -> memref<128x16xf32, #tpu.memory_space<hbm>>
    tpu.wait_dma2 semaphore(%arg47 : memref<!tpu.dma_semaphore, #tpu.memory_space<semaphore_mem>>) src(%arg39 : memref<128x16xf32, #tpu.memory_space<vmem>>) dst(%dma_wait3A_149 : memref<128x16xf32, #tpu.memory_space<hbm>>)
    %parallel_loop3A_150 = arith.constant 0 : i32
    %parallel_loop3A_151 = arith.constant 128 : i32
    %parallel_loop3A_152 = arith.constant 1 : i32
    scf.for %parallel_loop3A_183 = %parallel_loop3A_150 to %parallel_loop3A_151 step %parallel_loop3A_152  : i32 {
      %parallel_loop3A_184 = arith.index_cast %parallel_loop3A_183 : i32 to index
      %parallel_loop3A_185 = arith.constant 0 : index
      %parallel_loop3A_186 = tpu.vector_load %arg27[%parallel_loop3A_184, %parallel_loop3A_185] {strides = array<i32>} : memref<128x32xf32, #tpu.memory_space<vmem>>, vector<1x16xf32>,
      %parallel_loop3A_187 = vector.shape_cast %parallel_loop3A_186 : vector<1x16xf32> to vector<16xf32>
      %parallel_loop3A_188 = arith.index_cast %parallel_loop3A_183 : i32 to index
      %parallel_loop3A_189 = arith.constant 0 : index
      %parallel_loop3A_190 = tpu.vector_load %arg31[%parallel_loop3A_188, %parallel_loop3A_189] {strides = array<i32>} : memref<128x32xf32, #tpu.memory_space<vmem>>, vector<1x16xf32>,
      %parallel_loop3A_191 = vector.shape_cast %parallel_loop3A_190 : vector<1x16xf32> to vector<16xf32>
      %parallel_loop3A_192 = arith.mulf %parallel_loop3A_187, %parallel_loop3A_191 : vector<16xf32>
      %parallel_loop3A_193 = arith.index_cast %parallel_loop3A_183 : i32 to index
      %parallel_loop3A_194 = arith.constant 0 : index
      %parallel_loop3A_195 = tpu.vector_load %arg35[%parallel_loop3A_193, %parallel_loop3A_194] {strides = array<i32>} : memref<128x32xf32, #tpu.memory_space<vmem>>, vector<1x16xf32>,
      %parallel_loop3A_196 = vector.shape_cast %parallel_loop3A_195 : vector<1x16xf32> to vector<16xf32>
      %parallel_loop3A_197 = arith.mulf %parallel_loop3A_192, %parallel_loop3A_196 : vector<16xf32>
      %parallel_loop3A_198 = arith.index_cast %parallel_loop3A_183 : i32 to index
      %parallel_loop3A_199 = arith.constant 16 : index
      %parallel_loop3A_200 = tpu.vector_load %arg27[%parallel_loop3A_198, %parallel_loop3A_199] {strides = array<i32>} : memref<128x32xf32, #tpu.memory_space<vmem>>, vector<1x16xf32>,
      %parallel_loop3A_201 = vector.shape_cast %parallel_loop3A_200 : vector<1x16xf32> to vector<16xf32>
      %parallel_loop3A_202 = arith.index_cast %parallel_loop3A_183 : i32 to index
      %parallel_loop3A_203 = arith.constant 16 : index
      %parallel_loop3A_204 = tpu.vector_load %arg31[%parallel_loop3A_202, %parallel_loop3A_203] {strides = array<i32>} : memref<128x32xf32, #tpu.memory_space<vmem>>, vector<1x16xf32>,
      %parallel_loop3A_205 = vector.shape_cast %parallel_loop3A_204 : vector<1x16xf32> to vector<16xf32>
      %parallel_loop3A_206 = arith.mulf %parallel_loop3A_201, %parallel_loop3A_205 : vector<16xf32>
      %parallel_loop3A_207 = arith.index_cast %parallel_loop3A_183 : i32 to index
      %parallel_loop3A_208 = arith.constant 16 : index
      %parallel_loop3A_209 = tpu.vector_load %arg35[%parallel_loop3A_207, %parallel_loop3A_208] {strides = array<i32>} : memref<128x32xf32, #tpu.memory_space<vmem>>, vector<1x16xf32>,
      %parallel_loop3A_210 = vector.shape_cast %parallel_loop3A_209 : vector<1x16xf32> to vector<16xf32>
      %parallel_loop3A_211 = arith.mulf %parallel_loop3A_206, %parallel_loop3A_210 : vector<16xf32>
      %parallel_loop3A_212 = arith.addf %parallel_loop3A_197, %parallel_loop3A_211 : vector<16xf32>
      %parallel_loop3A_213 = arith.index_cast %parallel_loop3A_183 : i32 to index
      %parallel_loop3A_214 = arith.constant 0 : index
      %parallel_loop3A_215 = tpu.vector_load %arg39[%parallel_loop3A_213, %parallel_loop3A_214] {strides = array<i32>} : memref<128x16xf32, #tpu.memory_space<vmem>>, vector<1x16xf32>,
      %parallel_loop3A_216 = vector.shape_cast %parallel_loop3A_215 : vector<1x16xf32> to vector<16xf32>
      %parallel_loop3A_217 = vector.shape_cast %parallel_loop3A_212 : vector<16xf32> to vector<1x16xf32>
      tpu.vector_store %arg39[%parallel_loop3A_213, %parallel_loop3A_214], %parallel_loop3A_217 {strides = array<i32>} : memref<128x16xf32, #tpu.memory_space<vmem>>, vector<1x16xf32>,
    } {sc.loop_unroll_factor = 8 : i64, sc.parallel_access}
    %add3A_153 = arith.constant 16256 : i32
    %add3A_154 = arith.addi %mul3A_2, %add3A_153 : i32
    %dma_start3A_155 = arith.constant 0 : i32
    %dma_start3A_156 = tpu.memref_slice %arg8[%add3A_154, %dma_start3A_155] : memref<524288x16xf32, #tpu.memory_space<hbm>> -> memref<128x16xf32, #tpu.memory_space<hbm>>
    %dma_start3A_157 = arith.constant 0 : i32
    %dma_start3A_158 = tpu.memref_slice %arg8[%add3A_154, %dma_start3A_157] : memref<524288x16xf32, #tpu.memory_space<hbm>> -> memref<128x16xf32, #tpu.memory_space<hbm>>
    tpu.enqueue_dma source(%arg39 : memref<128x16xf32, #tpu.memory_space<vmem>>) target(%dma_start3A_158 : memref<128x16xf32, #tpu.memory_space<hbm>>) target_semaphore(%arg47 : memref<!tpu.dma_semaphore, #tpu.memory_space<semaphore_mem>>)
    %add3A_159 = arith.constant 15872 : i32
    %add3A_160 = arith.addi %mul3A_2, %add3A_159 : i32
    %dma_wait3A_161 = arith.constant 0 : i32
    %dma_wait3A_162 = tpu.memref_slice %arg8[%add3A_160, %dma_wait3A_161] : memref<524288x16xf32, #tpu.memory_space<hbm>> -> memref<128x16xf32, #tpu.memory_space<hbm>>
    %dma_wait3A_163 = arith.constant 0 : i32
    %dma_wait3A_164 = tpu.memref_slice %arg8[%add3A_160, %dma_wait3A_163] : memref<524288x16xf32, #tpu.memory_space<hbm>> -> memref<128x16xf32, #tpu.memory_space<hbm>>
    tpu.wait_dma2 semaphore(%arg44 : memref<!tpu.dma_semaphore, #tpu.memory_space<semaphore_mem>>) src(%arg36 : memref<128x16xf32, #tpu.memory_space<vmem>>) dst(%dma_wait3A_164 : memref<128x16xf32, #tpu.memory_space<hbm>>)
    %add3A_165 = arith.constant 16000 : i32
    %add3A_166 = arith.addi %mul3A_2, %add3A_165 : i32
    %dma_wait3A_167 = arith.constant 0 : i32
    %dma_wait3A_168 = tpu.memref_slice %arg8[%add3A_166, %dma_wait3A_167] : memref<524288x16xf32, #tpu.memory_space<hbm>> -> memref<128x16xf32, #tpu.memory_space<hbm>>
    %dma_wait3A_169 = arith.constant 0 : i32
    %dma_wait3A_170 = tpu.memref_slice %arg8[%add3A_166, %dma_wait3A_169] : memref<524288x16xf32, #tpu.memory_space<hbm>> -> memref<128x16xf32, #tpu.memory_space<hbm>>
    tpu.wait_dma2 semaphore(%arg45 : memref<!tpu.dma_semaphore, #tpu.memory_space<semaphore_mem>>) src(%arg37 : memref<128x16xf32, #tpu.memory_space<vmem>>) dst(%dma_wait3A_170 : memref<128x16xf32, #tpu.memory_space<hbm>>)
    %add3A_171 = arith.constant 16128 : i32
    %add3A_172 = arith.addi %mul3A_2, %add3A_171 : i32
    %dma_wait3A_173 = arith.constant 0 : i32
    %dma_wait3A_174 = tpu.memref_slice %arg8[%add3A_172, %dma_wait3A_173] : memref<524288x16xf32, #tpu.memory_space<hbm>> -> memref<128x16xf32, #tpu.memory_space<hbm>>
    %dma_wait3A_175 = arith.constant 0 : i32
    %dma_wait3A_176 = tpu.memref_slice %arg8[%add3A_172, %dma_wait3A_175] : memref<524288x16xf32, #tpu.memory_space<hbm>> -> memref<128x16xf32, #tpu.memory_space<hbm>>
    tpu.wait_dma2 semaphore(%arg46 : memref<!tpu.dma_semaphore, #tpu.memory_space<semaphore_mem>>) src(%arg38 : memref<128x16xf32, #tpu.memory_space<vmem>>) dst(%dma_wait3A_176 : memref<128x16xf32, #tpu.memory_space<hbm>>)
    %add3A_177 = arith.constant 16256 : i32
    %add3A_178 = arith.addi %mul3A_2, %add3A_177 : i32
    %dma_wait3A_179 = arith.constant 0 : i32
    %dma_wait3A_180 = tpu.memref_slice %arg8[%add3A_178, %dma_wait3A_179] : memref<524288x16xf32, #tpu.memory_space<hbm>> -> memref<128x16xf32, #tpu.memory_space<hbm>>
    %dma_wait3A_181 = arith.constant 0 : i32
    %dma_wait3A_182 = tpu.memref_slice %arg8[%add3A_178, %dma_wait3A_181] : memref<524288x16xf32, #tpu.memory_space<hbm>> -> memref<128x16xf32, #tpu.memory_space<hbm>>
    tpu.wait_dma2 semaphore(%arg47 : memref<!tpu.dma_semaphore, #tpu.memory_space<semaphore_mem>>) src(%arg39 : memref<128x16xf32, #tpu.memory_space<vmem>>) dst(%dma_wait3A_182 : memref<128x16xf32, #tpu.memory_space<hbm>>)
    return
  }
}

module attributes {stable_mosaic.version = 14 : i64} {
  func.func @mm(%arg0: i32, %arg1: memref<1024x512xf32, #tpu.memory_space<vmem>>, %arg2: memref<512x256xf32, #tpu.memory_space<vmem>>, %arg3: memref<1x256xf32, #tpu.memory_space<vmem>>, %arg4: memref<1024x256xf32, #tpu.memory_space<vmem>>) attributes {dimension_semantics = [#tpu.dimension_semantics<arbitrary>], iteration_bounds = array<i64: 16>, scalar_prefetch = 0 : i64, scratch_operands = 0 : i64, tpu.core_type = #tpu.core_type<tc>, window_params = [{transform_indices = @transform_0, window_bounds = array<i64: 1024, 512>}, {pipeline_mode = #tpu.pipeline_mode<synchronous>, transform_indices = @transform_1, window_bounds = array<i64: 512, 256>}, {pipeline_mode = #tpu.pipeline_mode<synchronous>, transform_indices = @transform_2, window_bounds = array<i64: 1, 256>}, {transform_indices = @transform_3, window_bounds = array<i64: 1024, 256>}]} {
    %get3A = arith.constant 0 : index
    %get3A_0 = arith.constant 0 : index
    %get3A_1 = vector.load %arg1[%get3A, %get3A_0] : memref<1024x512xf32, #tpu.memory_space<vmem>>, vector<1024x512xf32>
    %get3A_2 = arith.constant 0 : index
    %get3A_3 = arith.constant 0 : index
    %get3A_4 = vector.load %arg2[%get3A_2, %get3A_3] : memref<512x256xf32, #tpu.memory_space<vmem>>, vector<512x256xf32>
    %dot_general3A = arith.constant dense<0.000000e+00> : vector<1024x256xf32>
    %dot_general3A_5 = tpu.matmul %get3A_1, %get3A_4, %dot_general3A {dimension_numbers = #tpu.dot_dimension_numbers<[1], [0], [0], [1], [0, 0, 1, 1], [], []>, transpose_lhs_hint = false} : vector<1024x512xf32>, vector<512x256xf32>, vector<1024x256xf32> -> vector<1024x256xf32>
    %get3A_6 = arith.constant 0 : index
    %get3A_7 = arith.constant 0 : index
    %get3A_8 = vector.load %arg3[%get3A_6, %get3A_7] : memref<1x256xf32, #tpu.memory_space<vmem>>, vector<1x256xf32>
    %add3A = vector.broadcast %get3A_8 : vector<1x256xf32> to vector<1024x256xf32>
    %add3A_9 = arith.addf %dot_general3A_5, %add3A : vector<1024x256xf32>
    %swap3A = arith.constant 0 : index
    %swap3A_10 = arith.constant 0 : index
    %swap3A_11 = vector.load %arg4[%swap3A, %swap3A_10] : memref<1024x256xf32, #tpu.memory_space<vmem>>, vector<1024x256xf32>
    tpu.vector_store %arg4[%swap3A, %swap3A_10], %add3A_9 {strides = array<i32>} : memref<1024x256xf32, #tpu.memory_space<vmem>>, vector<1024x256xf32>,
    return
  }
  func.func @transform_0(%arg0: i32) -> (i32, i32) {
    %c0_i32 = arith.constant 0 : i32
    %c0_i32_0 = arith.constant 0 : i32
    return %arg0, %c0_i32 : i32, i32
  }
  func.func @transform_1(%arg0: i32) -> (i32, i32) {
    %c0_i32 = arith.constant 0 : i32
    %c0_i32_0 = arith.constant 0 : i32
    %c0_i32_1 = arith.constant 0 : i32
    return %c0_i32, %c0_i32_0 : i32, i32
  }
  func.func @transform_2(%arg0: i32) -> (i32, i32) {
    %c0_i32 = arith.constant 0 : i32
    %c0_i32_0 = arith.constant 0 : i32
    %c0_i32_1 = arith.constant 0 : i32
    return %c0_i32, %c0_i32_0 : i32, i32
  }
  func.func @transform_3(%arg0: i32) -> (i32, i32) {
    %c0_i32 = arith.constant 0 : i32
    %c0_i32_0 = arith.constant 0 : i32
    return %arg0, %c0_i32 : i32, i32
  }
}

</mosaic_0001>

<sc_bundles>
// kernel: kernel.4.cloned.1.call-start
scs
__scs_entry_jumppad:
0x0: {  	(pc) =	sbr.rel $0x88, $3  }
0x1: {  	(tag) =	ssettag $0x0;
	lr =	simm.s32 $0x1  }
0x2: {  	[smem:$0x3F99] =	sst lr;
	_ =	strace $0xD0000000  }
0x3: {  	_ = 	snop  }
0x4: {  	_ = 	snop  }
0x5: {  	_ = 	snop  }
0x6: {  	_ = 	snop  }
0x7: {  	_ = 	snop  }
__scs_overlays_trampoline_lowered:
0x8: {  	[smem:$0x3FA8] =	sst s0  }
0x9: {  	[smem:$0x3FA9] =	sst s1  }
0xa: {  	[smem:$0x3FAA] =	sst s2  }
0xb: {  	[smem:$0x3FAB] =	sst s3  }
0xc: {  	[smem:$0x3FAC] =	sst s4  }
0xd: {  	[smem:$0x3FAD] =	sst s5  }
0xe: {  	[smem:$0x3FAE] =	sst s6  }
0xf: {  	[smem:$0x3FAF] =	sst s7  }
0x10: {  	[smem:$0x3FB0] =	sst s8  }
0x11: {  	[smem:$0x3FB1] =	sst s9;
	s0 =	simm.s32 @!p0 $0x0  }
0x12: {  	s1 =	sld [smem:$0x3F97];
	s0 =	simm.s32 @p0 $0x1  }
0x13: {  	[smem:$0x3FB2] =	sst s0;
	s0 =	simm.s32 @!p1 $0x0  }
0x14: {  	s2 =	sld [smem:$0x3F96];
	s0 =	simm.s32 @p1 $0x1  }
0x15: {  	[smem:$0x3FB3] =	sst s0;
	s0 =	simm.s32 @!p2 $0x0  }
0x16: {  	s3 =	sld [smem:$0x3FDB];
	s0 =	simm.s32 @p2 $0x1  }
0x17: {  	s4 =	simm.s32 $0x1BF5;
	[smem:$0x3FB5] =	sst s0  }
0x18: {  	s0 =	sld [smem:$0x3F98];
	_ =	swait.ge [sflag:s4], $0x0  }
0x19: {  	s7 =	sld [smem:$0x3F99]  }
0x1a: {  	s8 =	sadd.s32 $0xFFFFE003, lr  }
0x1b: {  	s9 =	sadd.s32 $0xFFFFFEF7, lr;
	s5 =	simm.s32 $0xFFFFFFFF;
	p2 =	slt.u32 s8, $0xFFFFF086  }
0x1c: {  	p1 =	slt.u32 s9, $0xF7A;
	s5 =	simm.s32 @!p2 $0x0  }
0x1d: {  	s5 =	simm.s32 @p1 $0x1;
	p0 =	seq.s32 s7, s2  }
0x1e: {  	s7 =	smul.u32 @!p0 $0xF7A, s2;
	p2 =	seq.s32 @!p0 s5, $0x0  }
0x1f: {  	s9 =	smul.u32 $0xF7A, s1;
	s8 =	simm.s32 @!p0 $0x1BF5;
	p2 =	por !p2, p0  }
0x20: {  	[sflag:s8] =	ssyncset.s32 @!p0 $0xFFFFF086;
	s6 =	sadd.s32 @!p0 s3, s7;
	s7 =	simm.s32 @!p0 $0x108  }
0x21: {  	s3 =	sadd.s32 s3, s9;
	s6 =	sadd.s32 @!p0 $0x88, s6;
	s7 =	simm.s32 @p2 $0x1082  }
0x22: {  	[simem:s7], [sflag:s8] =	dma.local @!p0 [hbm:s6], $0xF7A  }
0x23: {  	s9 =	sor.u32 $0xD0000000, s2;
	s6 =	simm.s32 $0x108;
	_ =	swait.ge @!p0 [sflag:s8], $0x0  }
0x24: {  	s3 =	sadd.s32 $0x88, s3;
	s6 =	simm.s32 @!p1 $0x1082;
	[sflag:s4] =	ssyncset.s32 $0xFFFFF086  }
0x25: {  	[simem:s6], [sflag:s4] =	dma.local [hbm:s3], $0xF7A  }
0x26: {  	[smem:$0x3F99] =	sst s1;
	(tag) =	ssettag s2;
	_ =	strace s9  }
0x27: {  	s1 =	sld [smem:$0x3FA9]  }
0x28: {  	s2 =	sld [smem:$0x3FAA]  }
0x29: {  	s4 =	sld [smem:$0x3FAC]  }
0x2a: {  	p0 =	seq.s32 s5, $0x0;
	s5 =	sld [smem:$0x3FAD]  }
0x2b: {  	s6 =	sld [smem:$0x3FAE]  }
0x2c: {  	s7 =	sld [smem:$0x3FAF]  }
0x2d: {  	s3 =	simm.s32 $0x108;
	s8 =	sld [smem:$0x3FB0]  }
0x2e: {  	s3 =	simm.s32 @!p0 $0x1082;
	s9 =	sld [smem:$0x3FB1]  }
0x2f: {  	lr =	sadd.s32 s0, s3;
	s0 =	sld [smem:$0x3FA8]  }
0x30: {  	s3 =	sld [smem:$0x3FAB]  }
0x31: {  	[smem:$0x3FB4] =	sst s10  }
0x32: {  	s10 =	sld [smem:$0x3FB2];
	_ =	sdelay $0x3  }
0x33: {  	p0 =	seq.s32 s10, $0x1;
	s10 =	sld [smem:$0x3FB4];
	_ =	sdelay $0x3  }
0x34: {  	[smem:$0x3FB4] =	sst s10  }
0x35: {  	s10 =	sld [smem:$0x3FB3];
	_ =	sdelay $0x3  }
0x36: {  	p1 =	seq.s32 s10, $0x1;
	s10 =	sld [smem:$0x3FB4];
	_ =	sdelay $0x3  }
0x37: {  	[smem:$0x3FB4] =	sst s10  }
0x38: {  	s10 =	sld [smem:$0x3FB5]  }
0x39: {  	_ = 	snop;
	(pc) =	sbr.ind lr, $3  }
0x3a: {  	_ = 	snop  }
0x3b: {  	_ = 	snop  }
0x3c: {  	p2 =	seq.s32 s10, $0x1;
	s10 =	sld [smem:$0x3FB4]  }
0x3d: {  	_ =	shalt  }
0x3e: {  	_ =	shalt  }
0x3f: {  	_ =	shalt  }
0x40: {  	_ =	shalt  }
0x41: {  	_ =	shalt  }
0x42: {  	_ =	shalt  }
0x43: {  	_ =	shalt  }
0x44: {  	_ =	shalt  }
0x45: {  	_ =	shalt  }
0x46: {  	_ =	shalt  }
0x47: {  	_ =	shalt  }
0x48: {  	_ =	shalt  }
0x49: {  	_ =	shalt  }
0x4a: {  	_ =	shalt  }
0x4b: {  	_ =	shalt  }
0x4c: {  	_ =	shalt  }
0x4d: {  	_ =	shalt  }
0x4e: {  	_ =	shalt  }
0x4f: {  	_ =	shalt  }
0x50: {  	_ =	shalt  }
0x51: {  	_ =	shalt  }
0x52: {  	_ =	shalt  }
0x53: {  	_ =	shalt  }
0x54: {  	_ =	shalt  }
0x55: {  	_ =	shalt  }
0x56: {  	_ =	shalt  }
0x57: {  	_ =	shalt  }
0x58: {  	_ =	shalt  }
0x59: {  	_ =	shalt  }
0x5a: {  	_ =	shalt  }
0x5b: {  	_ =	shalt  }
0x5c: {  	_ =	shalt  }
0x5d: {  	_ =	shalt  }
0x5e: {  	_ =	shalt  }
0x5f: {  	_ =	shalt  }
0x60: {  	_ =	shalt  }
0x61: {  	_ =	shalt  }
0x62: {  	_ =	shalt  }
0x63: {  	_ =	shalt  }
0x64: {  	_ =	shalt  }
0x65: {  	_ =	shalt  }
0x66: {  	_ =	shalt  }
0x67: {  	_ =	shalt  }
0x68: {  	_ =	shalt  }
0x69: {  	_ =	shalt  }
0x6a: {  	_ =	shalt  }
0x6b: {  	_ =	shalt  }
0x6c: {  	_ =	shalt  }
0x6d: {  	_ =	shalt  }
0x6e: {  	_ =	shalt  }
0x6f: {  	_ =	shalt  }
0x70: {  	_ =	shalt  }
0x71: {  	_ =	shalt  }
0x72: {  	_ =	shalt  }
0x73: {  	_ =	shalt  }
0x74: {  	_ =	shalt  }
0x75: {  	_ =	shalt  }
0x76: {  	_ =	shalt  }
0x77: {  	_ =	shalt  }
0x78: {  	_ =	shalt  }
0x79: {  	_ =	shalt  }
0x7a: {  	_ =	shalt  }
0x7b: {  	_ =	shalt  }
0x7c: {  	_ =	shalt  }
0x7d: {  	_ =	shalt  }
0x7e: {  	_ =	shalt  }
0x7f: {  	_ =	shalt  }
0x80: {  	_ =	shalt  }
0x81: {  	_ =	shalt  }
0x82: {  	_ =	shalt  }
0x83: {  	_ =	shalt  }
0x84: {  	_ =	shalt  }
0x85: {  	_ =	shalt  }
0x86: {  	_ =	shalt  }
0x87: {  	_ =	shalt  }
.Lfunc_end0:
.L_simem_size_0:
called_computation_lowered:
.L_overlay_start_0:
0x88: {  	s2 =	sld [smem:$0x3FD9]  }
0x89: {  	s3 =	sld [smem:$0x3FFE];
	_ =	sdelay $0x1  }
0x8a: {  	s1 =	srdreg.scid  }
0x8b: {  	s0 =	sand.u32 $0x1, s1  }
0x8c: {  	s17 =	sshll.u32 s0, $0xA;
	s2 =	sadd.s32 s3, s2  }
0x8d: {  	s2 =	sadd.s32 s2, s17  }
0x8e: {  	[smem:$0x3FC0] =	sst s2  }
0x8f: {  	_ = 	snop  }
0x90: {  	s2 =	sld [smem:$0x3FD0];
	(tm) =	ssettm $0x1  }
0x91: {  	s18 =	sld [smem:$0x3FFB];
	_ =	sdelay $0x3  }
0x92: {  	_ =	strace s18  }
0x93: {  	s3 =	sld [smem:$0x3FFC];
	_ =	sdelay $0x3  }
0x94: {  	_ =	strace s3  }
0x95: {  	s3 =	sld [smem:$0x3FFD];
	_ =	sdelay $0x3  }
0x96: {  	_ =	strace s3  }
0x97: {  	_ =	strace $0x8FFFFFFF  }
0x98: {  	s19 =	sld [smem:$0x3FDB];
	_ =	sdelay $0x1  }
0x99: {  	s4 =	simm.s32 $_scs_section_size  }
0x9a: {  	s5 =	simm.s32 $_size__tile_overlayer_lowered;
	s6 =	simm.s32 $_tile_overlayer_lowered  }
0x9b: {  	s22 =	simm.s32 $0x1BFF;
	s21 =	sshll.u32 s6, $0x1;
	s3 =	sadd.s32 s4, s19  }
0x9c: {  	s7 =	simm.s32 $0x0;
	s20 =	sshll.u32 s5, $0x1;
	s5 =	sadd.s32 s21, s3  }
0x9d: {  	[timem:s7], [sflag:s22] =	dma.local [hbm:s5], s20  }
0x9e: {  	_ =	swait.ge [sflag:s22], s20  }
0x9f: {  	s4 =	ssub.s32 $0x0, s20;
	[sflag:s22] =	ssyncset.done $0x0  }
0xa0: {  	[sflag:s22] =	ssyncadd.s32 s4;
	_ =	sdelay $0x1  }
0xa1: {  	s23 =	simm.s32 $0x1B8B  }
0xa2: {  	_ =	swait.ge [sflag:s23], $0x1  }
0xa3: {  	[sflag:s23] =	ssyncset.done $0x0  }
0xa4: {  	s25 =	simm.s32 $0x1B8E;
	s24 =	sld [smem:$0x3FFE];
	[sflag:s23] =	ssyncadd.s32 $0xFFFFFFFF  }
0xa5: {  	s26 =	simm.s32 $execute0_lowered;
	[smem:$0x3FD2] =	sst s25  }
0xa6: {  	s5 =	sshll.u32 s26, $0x1;
	_ =	strace $0x80000046;
	[dreg:$0x1] =	wrdreg $0xFFFFFFFF  }
0xa7: {  	s28 =	simm.s32 $_size_execute0_lowered;
	s3 =	sadd.s32 s3, s5;
	[dreg:$0x0] =	wrdreg $0x0  }
0xa8: {  	s5 =	sshll.u32 s28, $0x1;
	[dreg:$0x2] =	wrdreg s3  }
0xa9: {  	[dreg:$0x3] =	wrdreg s5  }
0xaa: {  	[dreg:$0x4] =	wrdreg $0xC0  }
0xab: {  	_ =	task [dreg:s7], $0x5FFFF  }
0xac: {  	[dreg:$0x1] =	wrdreg $0xFFFFFFFF  }
0xad: {  	[dreg:$0x0] =	wrdreg $0x60  }
0xae: {  	[dreg:$0x2] =	wrdreg s24  }
0xaf: {  	[dreg:$0x3] =	wrdreg s2  }
0xb0: {  	[dreg:$0x4] =	wrdreg $0x9  }
0xb1: {  	_ =	task.clear_ibuf [dreg:s7], $0x5FFFF;
	_ =	strace $0x90000046  }
0xb2: {  	s29 =	simm.s32 $0x9;
	_ =	strace $0x80000048  }
0xb3: {  	_ =	swait.ge [sflag:s29], $0x1  }
0xb4: {  	[sflag:s29] =	ssyncadd.s32 $0xFFFFFFFF  }
0xb5: {  	_ =	strace $0x90000048  }
0xb6: {  	_ =	sfence  }
0xb7: {  	s30 =	sld [smem:$0x0];
	_ =	sdelay $0x2  }
0xb8: {  	s31 =	sshll.u32 s1, $0xD;
	s1 =	sshrl.u32 s1, $0x2  }
0xb9: {  	s3 =	sand.u32 $0x4000, s31;
	s1 =	sadd.s32 s1, s30  }
0xba: {  	s0 =	sor.u32 s3, s0;
	s1 =	sshll.u32 s1, $0x11  }
0xbb: {  	s0 =	sor.u32 s1, s0  }
0xbc: {  	s0 =	sadd.s32 $0x8F2B, s0  }
0xbd: {  	[sflag:s0] =	ssyncadd.remote.s32 $0x1  }
0xbe: {  	_ =	sfence.sel $0xFFFF  }
0xbf: {  	[dreg:$0x0] =	wrdreg $0xFFFFFFFF;
	(pc) =	sbr.abs _section_cstart, $3  }
0xc0: {  	[dreg:$0x1] =	wrdreg $0xFFFFFFFF  }
0xc1: {  	_ =	task.clear_ibuf [dreg:s7], $0x2FFFF;
	_ =	strace $0x9FFFFFFF  }
0xc2: {  	(tm) =	ssettm $0x7FFFFFFF  }
0xc3: {  	_ =	shalt  }
tec
execute0_lowered:
.L_overlay_start_1:
0x0: {  	(tag) =	ssettag $0x1  }
0x1: {  	s0 =	srdreg.scid  }
0x2: {  	s1 =	rddreg [dreg:$0x0];
	s3 =	stileid.u32  }
0x3: {  	s2 =	rddreg [dreg:$0x1];
	s16 =	simm.s32 $0x0;
	s17 =	simm.s32 $0xC180  }
0x4: {  	s18 =	simm.s32 $0xF600;
	s19 =	simm.s32 $0x13600;
	s28 =	simm.s32 $0x2  }
0x5: {  	s29 =	simm.s32 $0x18E00;
	s30 =	simm.s32 $0x3;
	s31 =	simm.s32 $0x19600  }
0x6: {  	s12 =	simm.s32 $0x0;
	s0 =	sand.u32 $0x1, s0;
	s3 =	sshll.u32 s3, $0xF  }
0x7: {  	[smem:$0x7FF] =	sst s16;
	s5 =	sadd.s32 $0x101E00, s1;
	s4 =	sshll.u32 s0, $0xE  }
0x8: {  	s6 =	sadd.s32 $0x181E00, s1;
	s0 =	ssub.s32 $0x2, s0;
	s3 =	sor.u32 s4, s3  }
0x9: {  	_ =	strace $0x80000047;
	s8 =	sshrl.u32 s0, $0x1;
	s4 =	sshrl.u32 s3, $0x3  }
0xa: {  	s0 =	ssub.s32 s0, s8;
	s9 =	sadd.s32 $0xFFFFE00, s3;
	s23 =	sshll.u32 s3, $0x1  }
0xb: {  	s10 =	sadd.s32 $0xFFFFE80, s3;
	s7 =	sadd.s32 s4, s1;
	s0 =	smax.u32 s0, $0x1  }
0xc: {  	s11 =	sadd.s32 $0xFFFFF00, s3;
	s21 =	sadd.s32 $0x21E00, s7;
	[dreg:$0xa] =	wrdreg s0  }
0xd: {  	s4 =	sadd.s32 $0x141E00, s1;
	s22 =	sadd.s32 $0x11E00, s7;
	[dreg:$0x3] =	wrdreg s21  }
0xe: {  	s1 =	sadd.s32 s23, s6;
	s7 =	sadd.s32 $0x1E00, s7;
	[dreg:$0x4] =	wrdreg s22  }
0xf: {  	s13 =	sadd.s32 $0xFFFFF80, s3;
	s24 =	sadd.s32 $0x7C00, s1;
	[dreg:$0x5] =	wrdreg s7  }
0x10: {  	s3 =	simm.s32 $0xC380;
	s25 =	sadd.s32 $0x7D00, s1;
	[dreg:$0x6] =	wrdreg s24  }
0x11: {  	s23 =	simm.s32 $0xC580;
	s26 =	sadd.s32 $0x7E00, s1;
	[dreg:$0x7] =	wrdreg s25  }
0x12: {  	s1 =	sadd.s32 $0x7F00, s1;
	s0 =	simm.s32 $0x19E00;
	[dreg:$0x8] =	wrdreg s26  }
0x13: {  	[dreg:$0x9] =	wrdreg s1;
	s22 =	simm.s32 $0x80;
	s24 =	simm.s32 $0x17600  }
0x14: {  	s25 =	simm.s32 $0x1;
	s26 =	simm.s32 $0x18600;
	s1 =	simm.s32 $0x4  }
.LBB2_1:
0x15: {  	[dreg:$0xb] =	wrdreg s12  }
0x16: {  	s7 =	rddreg [dreg:$0x3];
	s8 =	simm.s32 $0x9  }
0x17: {  	[tilespmem:s16], [sflag:$0x9] =	stream.linear.gather [hbm4b:s7+s16], $0x4000, $0x38;
	[tilespmem:$0x1A600] =	vst v63  }
0x18: {  	_ =	swait.ge [sflag:s8], $0x4000  }
0x19: {  	[sflag:s8] =	ssyncset.done $0x0  }
0x1a: {  	s15 =	simm.s32 $0x4000;
	s14 =	rddreg [dreg:$0x4];
	[sflag:s8] =	ssyncadd.s32 $0xFFFFC000  }
0x1b: {  	[tilespmem:s15], [sflag:$0x9] =	stream.linear.gather [hbm4b:s14+s16], $0x4000, $0x38;
	[tilespmem:$0x1A600] =	vst v63  }
0x1c: {  	_ =	swait.ge [sflag:s8], $0x4000  }
0x1d: {  	[sflag:s8] =	ssyncset.done $0x0  }
0x1e: {  	s21 =	simm.s32 $0x8000;
	s20 =	rddreg [dreg:$0x5];
	[sflag:s8] =	ssyncadd.s32 $0xFFFFC000  }
0x1f: {  	[tilespmem:s21], [sflag:$0x9] =	stream.linear.gather [hbm4b:s20+s16], $0x4000, $0x38;
	[tilespmem:$0x1A600] =	vst v63  }
0x20: {  	_ =	swait.ge [sflag:s8], $0x4000  }
0x21: {  	[sflag:s8] =	ssyncset.done $0x0  }
0x22: {  	p0 =	por $0x1, $0x1;
	s7 =	simm.s32 $0x0;
	[sflag:s8] =	ssyncadd.s32 $0xFFFFC000  }
.LBB2_2:
0x23: {  	v0 =	vld [tilespmem:s7+$0x0];
	s8 =	sor.u32 $0x10, s7  }
0x24: {  	s20 =	sor.u32 $0x20, s7;
	v1 =	vld [tilespmem:s8+$0x0]  }
0x25: {  	s21 =	sor.u32 $0x30, s7;
	v2 =	vld [tilespmem:s20+$0x0]  }
0x26: {  	v3 =	vld [tilespmem:s21+$0x0];
	_ =	sdelay $0x1  }
0x27: {  	v0 =	vmul.f32 $6.553500000e+04, v0  }
0x28: {  	v1 =	vmul.f32 $6.553500000e+04, v1  }
0x29: {  	v2 =	vmul.f32 $6.553500000e+04, v2;
	v0 =	vtrunc.f32 v0  }
0x2a: {  	v3 =	vmul.f32 $6.553500000e+04, v3;
	v0 =	vcvt.f32.s32 v0  }
0x2b: {  	v52 =	vld [tilespmem:s7+$0x4000];
	v1 =	vtrunc.f32 v1;
	v2 =	vtrunc.f32 v2  }
0x2c: {  	v55 =	vld [tilespmem:s7+$0x4010];
	v3 =	vtrunc.f32 v3;
	v1 =	vcvt.f32.s32 v1  }
0x2d: {  	v57 =	vld [tilespmem:s7+$0x4020];
	v2 =	vcvt.f32.s32 v2;
	v3 =	vcvt.f32.s32 v3;
	vm0 =	vgt.s32 v0, $0x0  }
0x2e: {  	v58 =	vld [tilespmem:s7+$0x4030];
	v0 =	vnsel vm0, $0x0, v0  }
0x2f: {  	vm5 =	vgt.s32 v1, $0x0;
	vm6 =	vgt.s32 v2, $0x0;
	vm7 =	vgt.s32 v3, $0x0  }
0x30: {  	v0 =	vmin.u32 v0, $0xFFFF;
	v51 =	vnsel vm6, $0x0, v2;
	v2 =	vmul.f32 $6.553600000e+04, v52  }
0x31: {  	v1 =	vnsel vm5, $0x0, v1;
	v54 =	vnsel vm7, $0x0, v3;
	v3 =	vmul.f32 $6.553600000e+04, v55  }
0x32: {  	v50 =	vmin.u32 v1, $0xFFFF;
	v1 =	vmul.f32 $6.553600000e+04, v57;
	v2 =	vadd.f32 $-1.000000000e+00, v2  }
0x33: {  	[tilespmem:s7+$0xC000] =	vst v0;
	v0 =	vmul.f32 $6.553600000e+04, v58;
	v3 =	vadd.f32 $-1.000000000e+00, v3  }
0x34: {  	v1 =	vadd.f32 $-1.000000000e+00, v1;
	v2 =	vtrunc.f32 v2  }
0x35: {  	v0 =	vadd.f32 $-1.000000000e+00, v0;
	v3 =	vtrunc.f32 v3;
	v2 =	vcvt.f32.s32 v2  }
0x36: {  	v60 =	vld [tilespmem:s7+$0x8000];
	v3 =	vcvt.f32.s32 v3;
	v1 =	vtrunc.f32 v1  }
0x37: {  	v61 =	vld [tilespmem:s7+$0x8010];
	v0 =	vtrunc.f32 v0;
	v1 =	vcvt.f32.s32 v1  }
0x38: {  	v62 =	vld [tilespmem:s7+$0x8020];
	v0 =	vcvt.f32.s32 v0;
	vm8 =	vgt.s32 v2, $0x0;
	vm9 =	vgt.s32 v3, $0x0  }
0x39: {  	v63 =	vld [tilespmem:s7+$0x8030];
	v2 =	vnsel vm8, $0x0, v2;
	v3 =	vnsel vm9, $0x0, v3  }
0x3a: {  	vm10 =	vgt.s32 v1, $0x0;
	vm11 =	vgt.s32 v0, $0x0;
	v2 =	vmin.u32 v2, $0xFFFF  }
0x3b: {  	v59 =	vmin.u32 v3, $0xFFFF;
	v1 =	vnsel vm10, $0x0, v1;
	v3 =	vmul.f32 $6.553600000e+04, v60  }
0x3c: {  	v0 =	vnsel vm11, $0x0, v0;
	[tilespmem:s7+$0xC200] =	vst v2;
	v1 =	vmin.u32 v1, $0xFFFF;
	v2 =	vmul.f32 $6.553600000e+04, v61  }
0x3d: {  	v0 =	vmin.u32 v0, $0xFFFF;
	[tilespmem:s7+$0xC220] =	vst v1;
	v3 =	vadd.f32 $-1.000000000e+00, v3;
	v1 =	vmul.f32 $6.553600000e+04, v62  }
0x3e: {  	[tilespmem:s7+$0xC230] =	vst v0;
	v0 =	vmul.f32 $6.553600000e+04, v63;
	v2 =	vadd.f32 $-1.000000000e+00, v2  }
0x3f: {  	v53 =	vmin.u32 v51, $0xFFFF;
	v3 =	vtrunc.f32 v3;
	v1 =	vadd.f32 $-1.000000000e+00, v1  }
0x40: {  	v0 =	vadd.f32 $-1.000000000e+00, v0;
	v3 =	vcvt.f32.s32 v3;
	v2 =	vtrunc.f32 v2  }
0x41: {  	v56 =	vmin.u32 v54, $0xFFFF;
	[tilespmem:s7+$0xC010] =	vst v50;
	v2 =	vcvt.f32.s32 v2;
	v1 =	vtrunc.f32 v1  }
0x42: {  	[tilespmem:s7+$0xC020] =	vst v53;
	v0 =	vtrunc.f32 v0;
	vm12 =	vgt.s32 v3, $0x0;
	v1 =	vcvt.f32.s32 v1  }
0x43: {  	p1 =	por p0, p0;
	[tilespmem:s7+$0xC030] =	vst v56;
	v0 =	vcvt.f32.s32 v0;
	v3 =	vnsel vm12, $0x0, v3;
	vm13 =	vgt.s32 v2, $0x0  }
.Ltmp0:
0x44: {  	[tilespmem:s7+$0xC210] =	vst v59;
	v3 =	vmin.u32 v3, $0xFFFF;
	v2 =	vnsel vm13, $0x0, v2;
	vm14 =	vgt.s32 v1, $0x0;
	(pc) =	sbr.rel @p1 .LBB2_2-.Ltmp0, $4  }
0x45: {  	vm15 =	vgt.s32 v0, $0x0;
	[tilespmem:s7+$0xC400] =	vst v3;
	v2 =	vmin.u32 v2, $0xFFFF;
	v1 =	vnsel vm14, $0x0, v1  }
0x46: {  	v0 =	vnsel vm15, $0x0, v0;
	[tilespmem:s7+$0xC410] =	vst v2;
	v1 =	vmin.u32 v1, $0xFFFF  }
0x47: {  	v0 =	vmin.u32 v0, $0xFFFF;
	[tilespmem:s7+$0xC420] =	vst v1  }
0x48: {  	p0 =	por $0x0, $0x0;
	[tilespmem:s7+$0xC430] =	vst v0;
	s7 =	simm.s32 $0x40  }
0x49: {  	s7 =	simm.s32 $0xC000;
	s8 =	simm.s32 $0xC600  }
0x4a: {  	[tilespmem:s8], [sflag:$0x1] =	stream.indirect.gather [hbm4b:s2+s22], $0x20, s7, s22, $0xb8;
	[tilespmem:$0x1A600] =	vst v63  }
0x4b: {  	s15 =	simm.s32 $0xC200;
	s16 =	simm.s32 $0x10600;
	s20 =	simm.s32 $0xC400  }
0x4c: {  	[tilespmem:s16], [sflag:$0x1] =	stream.indirect.gather [hbm4b:s4+s22], $0x20, s15, s22, $0xb8;
	[tilespmem:$0x1A600] =	vst v63  }
0x4d: {  	s21 =	simm.s32 $0x14600;
	p0 =	por $0x1, $0x1;
	s7 =	simm.s32 $0x0  }
0x4e: {  	[tilespmem:s21], [sflag:$0x1] =	stream.indirect.gather [hbm4b:s5+s22], $0x20, s20, s22, $0xb8;
	[tilespmem:$0x1A600] =	vst v63  }
.LBB2_4:
0x4f: {  	s8 =	sor.u32 $0x80, s7  }
0x50: {  	s16 =	sor.u32 $0x90, s7;
	v0 =	vld [tilespmem:s8+$0x0]  }
0x51: {  	s20 =	sor.u32 $0xA0, s7;
	v1 =	vld [tilespmem:s16+$0x0]  }
0x52: {  	s21 =	sor.u32 $0xB0, s7;
	v2 =	vld [tilespmem:s20+$0x0]  }
0x53: {  	v3 =	vld [tilespmem:s21+$0x0];
	_ =	sdelay $0x3  }
0x54: {  	v0 =	vmul.f32 $6.553500000e+04, v0;
	v1 =	vmul.f32 $6.553500000e+04, v1  }
0x55: {  	v2 =	vmul.f32 $6.553500000e+04, v2;
	v3 =	vmul.f32 $6.553500000e+04, v3  }
0x56: {  	v0 =	vtrunc.f32 v0;
	v1 =	vtrunc.f32 v1  }
0x57: {  	v52 =	vld [tilespmem:s7+$0x4080];
	v2 =	vtrunc.f32 v2;
	v3 =	vtrunc.f32 v3  }
0x58: {  	v55 =	vld [tilespmem:s7+$0x4090];
	v0 =	vcvt.f32.s32 v0;
	v1 =	vcvt.f32.s32 v1  }
0x59: {  	v57 =	vld [tilespmem:s7+$0x40A0];
	v2 =	vcvt.f32.s32 v2;
	v3 =	vcvt.f32.s32 v3  }
0x5a: {  	vm0 =	vgt.s32 v0, $0x0  }
0x5b: {  	v58 =	vld [tilespmem:s7+$0x40B0];
	vm5 =	vgt.s32 v1, $0x0;
	vm6 =	vgt.s32 v2, $0x0;
	vm7 =	vgt.s32 v3, $0x0  }
0x5c: {  	v0 =	vnsel vm0, $0x0, v0;
	v51 =	vnsel vm6, $0x0, v2;
	v2 =	vmul.f32 $6.553600000e+04, v52  }
0x5d: {  	v1 =	vnsel vm5, $0x0, v1;
	v54 =	vnsel vm7, $0x0, v3;
	v3 =	vmul.f32 $6.553600000e+04, v55  }
0x5e: {  	v50 =	vmin.u32 v1, $0xFFFF;
	v1 =	vmul.f32 $6.553600000e+04, v57;
	v2 =	vadd.f32 $-1.000000000e+00, v2  }
0x5f: {  	v0 =	vmin.u32 v0, $0xFFFF;
	v3 =	vadd.f32 $-1.000000000e+00, v3  }
0x60: {  	[tilespmem:s7+$0xC080] =	vst v0;
	v0 =	vmul.f32 $6.553600000e+04, v58;
	v1 =	vadd.f32 $-1.000000000e+00, v1;
	v2 =	vtrunc.f32 v2  }
0x61: {  	v3 =	vtrunc.f32 v3;
	v2 =	vcvt.f32.s32 v2  }
0x62: {  	v60 =	vld [tilespmem:s7+$0x8080];
	v0 =	vadd.f32 $-1.000000000e+00, v0;
	v3 =	vcvt.f32.s32 v3;
	v1 =	vtrunc.f32 v1  }
0x63: {  	v61 =	vld [tilespmem:s7+$0x8090];
	v1 =	vcvt.f32.s32 v1  }
0x64: {  	v62 =	vld [tilespmem:s7+$0x80A0];
	v0 =	vtrunc.f32 v0;
	vm8 =	vgt.s32 v2, $0x0;
	vm9 =	vgt.s32 v3, $0x0  }
0x65: {  	v63 =	vld [tilespmem:s7+$0x80B0];
	v0 =	vcvt.f32.s32 v0;
	v2 =	vnsel vm8, $0x0, v2;
	v3 =	vnsel vm9, $0x0, v3  }
0x66: {  	vm10 =	vgt.s32 v1, $0x0;
	v2 =	vmin.u32 v2, $0xFFFF;
	v59 =	vmin.u32 v3, $0xFFFF  }
0x67: {  	v1 =	vnsel vm10, $0x0, v1;
	vm11 =	vgt.s32 v0, $0x0;
	v3 =	vmul.f32 $6.553600000e+04, v60  }
0x68: {  	[tilespmem:s7+$0xC280] =	vst v2;
	v1 =	vmin.u32 v1, $0xFFFF;
	v0 =	vnsel vm11, $0x0, v0;
	v2 =	vmul.f32 $6.553600000e+04, v61  }
0x69: {  	[tilespmem:s7+$0xC2A0] =	vst v1;
	v0 =	vmin.u32 v0, $0xFFFF;
	v3 =	vadd.f32 $-1.000000000e+00, v3;
	v1 =	vmul.f32 $6.553600000e+04, v62  }
0x6a: {  	[tilespmem:s7+$0xC2B0] =	vst v0;
	v2 =	vadd.f32 $-1.000000000e+00, v2;
	v0 =	vmul.f32 $6.553600000e+04, v63  }
0x6b: {  	v53 =	vmin.u32 v51, $0xFFFF;
	v3 =	vtrunc.f32 v3;
	v1 =	vadd.f32 $-1.000000000e+00, v1  }
0x6c: {  	v3 =	vcvt.f32.s32 v3;
	v2 =	vtrunc.f32 v2;
	v0 =	vadd.f32 $-1.000000000e+00, v0  }
0x6d: {  	v56 =	vmin.u32 v54, $0xFFFF;
	[tilespmem:s7+$0xC090] =	vst v50;
	v2 =	vcvt.f32.s32 v2;
	v1 =	vtrunc.f32 v1  }
0x6e: {  	[tilespmem:s7+$0xC0A0] =	vst v53;
	vm12 =	vgt.s32 v3, $0x0;
	v1 =	vcvt.f32.s32 v1;
	v0 =	vtrunc.f32 v0  }
0x6f: {  	p1 =	por p0, p0;
	[tilespmem:s7+$0xC0B0] =	vst v56;
	v3 =	vnsel vm12, $0x0, v3;
	vm13 =	vgt.s32 v2, $0x0;
	v0 =	vcvt.f32.s32 v0  }
.Ltmp1:
0x70: {  	[tilespmem:s7+$0xC290] =	vst v59;
	v3 =	vmin.u32 v3, $0xFFFF;
	v2 =	vnsel vm13, $0x0, v2;
	vm14 =	vgt.s32 v1, $0x0;
	(pc) =	sbr.rel @p1 .LBB2_4-.Ltmp1, $4  }
0x71: {  	[tilespmem:s7+$0xC480] =	vst v3;
	v2 =	vmin.u32 v2, $0xFFFF;
	v1 =	vnsel vm14, $0x0, v1;
	vm15 =	vgt.s32 v0, $0x0  }
0x72: {  	[tilespmem:s7+$0xC490] =	vst v2;
	v0 =	vnsel vm15, $0x0, v0;
	v1 =	vmin.u32 v1, $0xFFFF  }
0x73: {  	[tilespmem:s7+$0xC4A0] =	vst v1;
	v0 =	vmin.u32 v0, $0xFFFF  }
0x74: {  	p0 =	por $0x0, $0x0;
	[tilespmem:s7+$0xC4B0] =	vst v0;
	s7 =	simm.s32 $0x40  }
0x75: {  	s7 =	simm.s32 $0xC080;
	s8 =	simm.s32 $0xD600  }
0x76: {  	[tilespmem:s8], [sflag:$0x2] =	stream.indirect.gather [hbm4b:s2+s22], $0x20, s7, s22, $0xb8;
	[tilespmem:$0x1A600] =	vst v63  }
0x77: {  	s15 =	simm.s32 $0xC280;
	s16 =	simm.s32 $0x11600;
	s20 =	simm.s32 $0xC480  }
0x78: {  	[tilespmem:s16], [sflag:$0x2] =	stream.indirect.gather [hbm4b:s4+s22], $0x20, s15, s22, $0xb8;
	[tilespmem:$0x1A600] =	vst v63  }
0x79: {  	s21 =	simm.s32 $0x15600;
	p0 =	por $0x1, $0x1;
	s7 =	simm.s32 $0x0  }
0x7a: {  	[tilespmem:s21], [sflag:$0x2] =	stream.indirect.gather [hbm4b:s5+s22], $0x20, s20, s22, $0xb8;
	[tilespmem:$0x1A600] =	vst v63  }
.LBB2_6:
0x7b: {  	s8 =	sor.u32 $0x100, s7  }
0x7c: {  	s16 =	sor.u32 $0x110, s7;
	v0 =	vld [tilespmem:s8+$0x0]  }
0x7d: {  	s20 =	sor.u32 $0x120, s7;
	v1 =	vld [tilespmem:s16+$0x0]  }
0x7e: {  	s21 =	sor.u32 $0x130, s7;
	v2 =	vld [tilespmem:s20+$0x0]  }
0x7f: {  	v3 =	vld [tilespmem:s21+$0x0];
	_ =	sdelay $0x3  }
0x80: {  	v0 =	vmul.f32 $6.553500000e+04, v0;
	v1 =	vmul.f32 $6.553500000e+04, v1  }
0x81: {  	v2 =	vmul.f32 $6.553500000e+04, v2;
	v3 =	vmul.f32 $6.553500000e+04, v3  }
0x82: {  	v0 =	vtrunc.f32 v0;
	v1 =	vtrunc.f32 v1  }
0x83: {  	v52 =	vld [tilespmem:s7+$0x4100];
	v2 =	vtrunc.f32 v2;
	v3 =	vtrunc.f32 v3  }
0x84: {  	v55 =	vld [tilespmem:s7+$0x4110];
	v0 =	vcvt.f32.s32 v0;
	v1 =	vcvt.f32.s32 v1  }
0x85: {  	v57 =	vld [tilespmem:s7+$0x4120];
	v2 =	vcvt.f32.s32 v2;
	v3 =	vcvt.f32.s32 v3  }
0x86: {  	vm0 =	vgt.s32 v0, $0x0  }
0x87: {  	v58 =	vld [tilespmem:s7+$0x4130];
	vm5 =	vgt.s32 v1, $0x0;
	vm6 =	vgt.s32 v2, $0x0;
	vm7 =	vgt.s32 v3, $0x0  }
0x88: {  	v0 =	vnsel vm0, $0x0, v0;
	v51 =	vnsel vm6, $0x0, v2;
	v2 =	vmul.f32 $6.553600000e+04, v52  }
0x89: {  	v1 =	vnsel vm5, $0x0, v1;
	v54 =	vnsel vm7, $0x0, v3;
	v3 =	vmul.f32 $6.553600000e+04, v55  }
0x8a: {  	v50 =	vmin.u32 v1, $0xFFFF;
	v1 =	vmul.f32 $6.553600000e+04, v57;
	v2 =	vadd.f32 $-1.000000000e+00, v2  }
0x8b: {  	v0 =	vmin.u32 v0, $0xFFFF;
	v3 =	vadd.f32 $-1.000000000e+00, v3  }
0x8c: {  	[tilespmem:s7+$0xC100] =	vst v0;
	v0 =	vmul.f32 $6.553600000e+04, v58;
	v1 =	vadd.f32 $-1.000000000e+00, v1;
	v2 =	vtrunc.f32 v2  }
0x8d: {  	v3 =	vtrunc.f32 v3;
	v2 =	vcvt.f32.s32 v2  }
0x8e: {  	v60 =	vld [tilespmem:s7+$0x8100];
	v0 =	vadd.f32 $-1.000000000e+00, v0;
	v3 =	vcvt.f32.s32 v3;
	v1 =	vtrunc.f32 v1  }
0x8f: {  	v61 =	vld [tilespmem:s7+$0x8110];
	v1 =	vcvt.f32.s32 v1  }
0x90: {  	v62 =	vld [tilespmem:s7+$0x8120];
	v0 =	vtrunc.f32 v0;
	vm8 =	vgt.s32 v2, $0x0;
	vm9 =	vgt.s32 v3, $0x0  }
0x91: {  	v63 =	vld [tilespmem:s7+$0x8130];
	v0 =	vcvt.f32.s32 v0;
	v2 =	vnsel vm8, $0x0, v2;
	v3 =	vnsel vm9, $0x0, v3  }
0x92: {  	vm10 =	vgt.s32 v1, $0x0;
	v2 =	vmin.u32 v2, $0xFFFF;
	v59 =	vmin.u32 v3, $0xFFFF  }
0x93: {  	v1 =	vnsel vm10, $0x0, v1;
	vm11 =	vgt.s32 v0, $0x0;
	v3 =	vmul.f32 $6.553600000e+04, v60  }
0x94: {  	[tilespmem:s7+$0xC300] =	vst v2;
	v1 =	vmin.u32 v1, $0xFFFF;
	v0 =	vnsel vm11, $0x0, v0;
	v2 =	vmul.f32 $6.553600000e+04, v61  }
0x95: {  	[tilespmem:s7+$0xC320] =	vst v1;
	v0 =	vmin.u32 v0, $0xFFFF;
	v3 =	vadd.f32 $-1.000000000e+00, v3;
	v1 =	vmul.f32 $6.553600000e+04, v62  }
0x96: {  	[tilespmem:s7+$0xC330] =	vst v0;
	v2 =	vadd.f32 $-1.000000000e+00, v2;
	v0 =	vmul.f32 $6.553600000e+04, v63  }
0x97: {  	v53 =	vmin.u32 v51, $0xFFFF;
	v3 =	vtrunc.f32 v3;
	v1 =	vadd.f32 $-1.000000000e+00, v1  }
0x98: {  	v3 =	vcvt.f32.s32 v3;
	v2 =	vtrunc.f32 v2;
	v0 =	vadd.f32 $-1.000000000e+00, v0  }
0x99: {  	v56 =	vmin.u32 v54, $0xFFFF;
	[tilespmem:s7+$0xC110] =	vst v50;
	v2 =	vcvt.f32.s32 v2;
	v1 =	vtrunc.f32 v1  }
0x9a: {  	[tilespmem:s7+$0xC120] =	vst v53;
	vm12 =	vgt.s32 v3, $0x0;
	v1 =	vcvt.f32.s32 v1;
	v0 =	vtrunc.f32 v0  }
0x9b: {  	p1 =	por p0, p0;
	[tilespmem:s7+$0xC130] =	vst v56;
	v3 =	vnsel vm12, $0x0, v3;
	vm13 =	vgt.s32 v2, $0x0;
	v0 =	vcvt.f32.s32 v0  }
.Ltmp2:
0x9c: {  	[tilespmem:s7+$0xC310] =	vst v59;
	v3 =	vmin.u32 v3, $0xFFFF;
	v2 =	vnsel vm13, $0x0, v2;
	vm14 =	vgt.s32 v1, $0x0;
	(pc) =	sbr.rel @p1 .LBB2_6-.Ltmp2, $4  }
0x9d: {  	[tilespmem:s7+$0xC500] =	vst v3;
	v2 =	vmin.u32 v2, $0xFFFF;
	v1 =	vnsel vm14, $0x0, v1;
	vm15 =	vgt.s32 v0, $0x0  }
0x9e: {  	[tilespmem:s7+$0xC510] =	vst v2;
	v0 =	vnsel vm15, $0x0, v0;
	v1 =	vmin.u32 v1, $0xFFFF  }
0x9f: {  	[tilespmem:s7+$0xC520] =	vst v1;
	v0 =	vmin.u32 v0, $0xFFFF  }
0xa0: {  	p0 =	por $0x0, $0x0;
	[tilespmem:s7+$0xC530] =	vst v0;
	s7 =	simm.s32 $0x40  }
0xa1: {  	s7 =	simm.s32 $0xC100;
	s8 =	simm.s32 $0xE600  }
0xa2: {  	[tilespmem:s8], [sflag:$0x3] =	stream.indirect.gather [hbm4b:s2+s22], $0x20, s7, s22, $0xb8;
	[tilespmem:$0x1A600] =	vst v63  }
0xa3: {  	s15 =	simm.s32 $0xC300;
	s16 =	simm.s32 $0x12600;
	s20 =	simm.s32 $0xC500  }
0xa4: {  	[tilespmem:s16], [sflag:$0x3] =	stream.indirect.gather [hbm4b:s4+s22], $0x20, s15, s22, $0xb8;
	[tilespmem:$0x1A600] =	vst v63  }
0xa5: {  	s21 =	simm.s32 $0x16600;
	p0 =	por $0x1, $0x1;
	s7 =	simm.s32 $0x0  }
0xa6: {  	[tilespmem:s21], [sflag:$0x3] =	stream.indirect.gather [hbm4b:s5+s22], $0x20, s20, s22, $0xb8;
	[tilespmem:$0x1A600] =	vst v63  }
.LBB2_8:
0xa7: {  	s8 =	sor.u32 $0x180, s7  }
0xa8: {  	s16 =	sor.u32 $0x190, s7;
	v0 =	vld [tilespmem:s8+$0x0]  }
0xa9: {  	s20 =	sor.u32 $0x1A0, s7;
	v1 =	vld [tilespmem:s16+$0x0]  }
0xaa: {  	s21 =	sor.u32 $0x1B0, s7;
	v2 =	vld [tilespmem:s20+$0x0]  }
0xab: {  	v3 =	vld [tilespmem:s21+$0x0];
	_ =	sdelay $0x3  }
0xac: {  	v0 =	vmul.f32 $6.553500000e+04, v0;
	v1 =	vmul.f32 $6.553500000e+04, v1  }
0xad: {  	v2 =	vmul.f32 $6.553500000e+04, v2;
	v3 =	vmul.f32 $6.553500000e+04, v3  }
0xae: {  	v0 =	vtrunc.f32 v0;
	v1 =	vtrunc.f32 v1  }
0xaf: {  	v52 =	vld [tilespmem:s7+$0x4180];
	v2 =	vtrunc.f32 v2;
	v3 =	vtrunc.f32 v3  }
0xb0: {  	v55 =	vld [tilespmem:s7+$0x4190];
	v0 =	vcvt.f32.s32 v0;
	v1 =	vcvt.f32.s32 v1  }
0xb1: {  	v57 =	vld [tilespmem:s7+$0x41A0];
	v2 =	vcvt.f32.s32 v2;
	v3 =	vcvt.f32.s32 v3  }
0xb2: {  	vm0 =	vgt.s32 v0, $0x0  }
0xb3: {  	v58 =	vld [tilespmem:s7+$0x41B0];
	vm5 =	vgt.s32 v1, $0x0;
	vm6 =	vgt.s32 v2, $0x0;
	vm7 =	vgt.s32 v3, $0x0  }
0xb4: {  	v0 =	vnsel vm0, $0x0, v0;
	v51 =	vnsel vm6, $0x0, v2;
	v2 =	vmul.f32 $6.553600000e+04, v52  }
0xb5: {  	v1 =	vnsel vm5, $0x0, v1;
	v54 =	vnsel vm7, $0x0, v3;
	v3 =	vmul.f32 $6.553600000e+04, v55  }
0xb6: {  	v50 =	vmin.u32 v1, $0xFFFF;
	v1 =	vmul.f32 $6.553600000e+04, v57;
	v2 =	vadd.f32 $-1.000000000e+00, v2  }
0xb7: {  	v0 =	vmin.u32 v0, $0xFFFF;
	v3 =	vadd.f32 $-1.000000000e+00, v3  }
0xb8: {  	[tilespmem:s7+$0xC180] =	vst v0;
	v0 =	vmul.f32 $6.553600000e+04, v58;
	v1 =	vadd.f32 $-1.000000000e+00, v1;
	v2 =	vtrunc.f32 v2  }
0xb9: {  	v3 =	vtrunc.f32 v3;
	v2 =	vcvt.f32.s32 v2  }
0xba: {  	v60 =	vld [tilespmem:s7+$0x8180];
	v0 =	vadd.f32 $-1.000000000e+00, v0;
	v3 =	vcvt.f32.s32 v3;
	v1 =	vtrunc.f32 v1  }
0xbb: {  	v61 =	vld [tilespmem:s7+$0x8190];
	v1 =	vcvt.f32.s32 v1  }
0xbc: {  	v62 =	vld [tilespmem:s7+$0x81A0];
	v0 =	vtrunc.f32 v0;
	vm8 =	vgt.s32 v2, $0x0;
	vm9 =	vgt.s32 v3, $0x0  }
0xbd: {  	v63 =	vld [tilespmem:s7+$0x81B0];
	v0 =	vcvt.f32.s32 v0;
	v2 =	vnsel vm8, $0x0, v2;
	v3 =	vnsel vm9, $0x0, v3  }
0xbe: {  	vm10 =	vgt.s32 v1, $0x0;
	v2 =	vmin.u32 v2, $0xFFFF;
	v59 =	vmin.u32 v3, $0xFFFF  }
0xbf: {  	v1 =	vnsel vm10, $0x0, v1;
	vm11 =	vgt.s32 v0, $0x0;
	v3 =	vmul.f32 $6.553600000e+04, v60  }
0xc0: {  	[tilespmem:s7+$0xC380] =	vst v2;
	v1 =	vmin.u32 v1, $0xFFFF;
	v0 =	vnsel vm11, $0x0, v0;
	v2 =	vmul.f32 $6.553600000e+04, v61  }
0xc1: {  	[tilespmem:s7+$0xC3A0] =	vst v1;
	v0 =	vmin.u32 v0, $0xFFFF;
	v3 =	vadd.f32 $-1.000000000e+00, v3;
	v1 =	vmul.f32 $6.553600000e+04, v62  }
0xc2: {  	[tilespmem:s7+$0xC3B0] =	vst v0;
	v2 =	vadd.f32 $-1.000000000e+00, v2;
	v0 =	vmul.f32 $6.553600000e+04, v63  }
0xc3: {  	v53 =	vmin.u32 v51, $0xFFFF;
	v3 =	vtrunc.f32 v3;
	v1 =	vadd.f32 $-1.000000000e+00, v1  }
0xc4: {  	v3 =	vcvt.f32.s32 v3;
	v2 =	vtrunc.f32 v2;
	v0 =	vadd.f32 $-1.000000000e+00, v0  }
0xc5: {  	v56 =	vmin.u32 v54, $0xFFFF;
	[tilespmem:s7+$0xC190] =	vst v50;
	v2 =	vcvt.f32.s32 v2;
	v1 =	vtrunc.f32 v1  }
0xc6: {  	[tilespmem:s7+$0xC1A0] =	vst v53;
	vm12 =	vgt.s32 v3, $0x0;
	v1 =	vcvt.f32.s32 v1;
	v0 =	vtrunc.f32 v0  }
0xc7: {  	p1 =	por p0, p0;
	[tilespmem:s7+$0xC1B0] =	vst v56;
	v3 =	vnsel vm12, $0x0, v3;
	vm13 =	vgt.s32 v2, $0x0;
	v0 =	vcvt.f32.s32 v0  }
.Ltmp3:
0xc8: {  	[tilespmem:s7+$0xC390] =	vst v59;
	v3 =	vmin.u32 v3, $0xFFFF;
	v2 =	vnsel vm13, $0x0, v2;
	vm14 =	vgt.s32 v1, $0x0;
	(pc) =	sbr.rel @p1 .LBB2_8-.Ltmp3, $4  }
0xc9: {  	[tilespmem:s7+$0xC580] =	vst v3;
	v2 =	vmin.u32 v2, $0xFFFF;
	v1 =	vnsel vm14, $0x0, v1;
	vm15 =	vgt.s32 v0, $0x0  }
0xca: {  	[tilespmem:s7+$0xC590] =	vst v2;
	v0 =	vnsel vm15, $0x0, v0;
	v1 =	vmin.u32 v1, $0xFFFF  }
0xcb: {  	[tilespmem:s7+$0xC5A0] =	vst v1;
	v0 =	vmin.u32 v0, $0xFFFF  }
0xcc: {  	p0 =	por $0x0, $0x0;
	[tilespmem:s7+$0xC5B0] =	vst v0;
	s7 =	simm.s32 $0x40  }
0xcd: {  	[tilespmem:s18], [sflag:$0x4] =	stream.indirect.gather [hbm4b:s2+s22], $0x20, s17, s22, $0xb8;
	[tilespmem:$0x1A600] =	vst v63  }
0xce: {  	_ = 	snop  }
0xcf: {  	[tilespmem:s19], [sflag:$0x4] =	stream.indirect.gather [hbm4b:s4+s22], $0x20, s3, s22, $0xb8;
	[tilespmem:$0x1A600] =	vst v63  }
0xd0: {  	s20 =	simm.s32 $0x1  }
0xd1: {  	[tilespmem:s24], [sflag:$0x4] =	stream.indirect.gather [hbm4b:s5+s22], $0x20, s23, s22, $0xb8;
	[tilespmem:$0x1A600] =	vst v63  }
.LBB2_10:
0xd2: {  	_ =	swait.ge [sflag:s25], $0x1000  }
0xd3: {  	[sflag:s25] =	ssyncset.done $0x0  }
0xd4: {  	[sflag:s25] =	ssyncadd.s32 $0xFFFFF000  }
0xd5: {  	_ =	swait.ge [sflag:s25], $0x1000  }
0xd6: {  	[sflag:s25] =	ssyncset.done $0x0  }
0xd7: {  	[sflag:s25] =	ssyncadd.s32 $0xFFFFF000  }
0xd8: {  	_ =	swait.ge [sflag:s25], $0x1000  }
0xd9: {  	p0 =	slt.u32 s20, $0x2;
	[sflag:s25] =	ssyncset.done $0x0  }
0xda: {  	s7 =	simm.s32 @!p0 $0x5;
	[sflag:s25] =	ssyncadd.s32 $0xFFFFF000  }
0xdb: {  	_ =	swait.ge @!p0 [sflag:s7], $0x800  }
0xdc: {  	[sflag:s7] =	ssyncset.done @!p0 $0x0  }
0xdd: {  	s12 =	simm.s32 $0xC680;
	[sflag:s7] =	ssyncadd.s32 @!p0 $0xFFFFF800  }
0xde: {  	s7 =	simm.s32 $0x10680;
	v0 =	vld [tilespmem:s12+$0x60]  }
0xdf: {  	v1 =	vld [tilespmem:s7+$0x60]  }
0xe0: {  	v2 =	vld [tilespmem:s12+$0x70]  }
0xe1: {  	s8 =	simm.s32 $0x14680;
	v3 =	vld [tilespmem:s7+$0x70]  }
0xe2: {  	v4 =	vld [tilespmem:s8+$0x60]  }
0xe3: {  	v5 =	vld [tilespmem:s8+$0x70]  }
0xe4: {  	v6 =	vld [tilespmem:s7+$0xFFFFFF80]  }
0xe5: {  	v7 =	vld [tilespmem:s12+$0xFFFFFF90]  }
0xe6: {  	v8 =	vld [tilespmem:s7+$0xFFFFFF90]  }
0xe7: {  	v9 =	vld [tilespmem:s12+$0xFFFFFFA0]  }
0xe8: {  	v10 =	vld [tilespmem:s7+$0xFFFFFFA0]  }
0xe9: {  	v11 =	vld [tilespmem:s12+$0xFFFFFFB0]  }
0xea: {  	v12 =	vld [tilespmem:s7+$0xFFFFFFB0]  }
0xeb: {  	v13 =	vld [tilespmem:s12+$0xFFFFFFC0]  }
0xec: {  	v14 =	vld [tilespmem:s7+$0xFFFFFFC0]  }
0xed: {  	v15 =	vld [tilespmem:s12+$0xFFFFFFD0]  }
0xee: {  	v16 =	vld [tilespmem:s7+$0xFFFFFFD0]  }
0xef: {  	v17 =	vld [tilespmem:s12+$0xFFFFFFE0]  }
0xf0: {  	v18 =	vld [tilespmem:s7+$0xFFFFFFE0]  }
0xf1: {  	v19 =	vld [tilespmem:s12+$0xFFFFFFF0]  }
0xf2: {  	v20 =	vld [tilespmem:s7+$0xFFFFFFF0]  }
0xf3: {  	v21 =	vld [tilespmem:s12+$0x0]  }
0xf4: {  	v22 =	vld [tilespmem:s7+$0x0]  }
0xf5: {  	v23 =	vld [tilespmem:s12+$0x10]  }
0xf6: {  	v24 =	vld [tilespmem:s7+$0x10]  }
0xf7: {  	v25 =	vld [tilespmem:s12+$0x20]  }
0xf8: {  	v26 =	vld [tilespmem:s7+$0x20]  }
0xf9: {  	v27 =	vld [tilespmem:s12+$0x30]  }
0xfa: {  	v28 =	vld [tilespmem:s7+$0x30]  }
0xfb: {  	v29 =	vld [tilespmem:s12+$0x40]  }
0xfc: {  	v30 =	vld [tilespmem:s7+$0x40]  }
0xfd: {  	v31 =	vld [tilespmem:s12+$0x50]  }
0xfe: {  	v32 =	vld [tilespmem:s7+$0x50]  }
0xff: {  	v33 =	vld [tilespmem:s8+$0xFFFFFF90];
	v0 =	vmul.f32 v1, v0  }
0x100: {  	v1 =	vld [tilespmem:s12+$0xFFFFFF80];
	v2 =	vmul.f32 v3, v2  }
0x101: {  	v3 =	vld [tilespmem:s8+$0xFFFFFF80];
	v59 =	vmul.f32 v22, v21;
	v4 =	vmul.f32 v4, v0  }
0x102: {  	v2 =	vmul.f32 v5, v2;
	v5 =	vmul.f32 v8, v7;
	v7 =	vld [tilespmem:s8+$0xFFFFFFA0]  }
0x103: {  	v8 =	vmul.f32 v10, v9;
	v9 =	vmul.f32 v12, v11;
	v10 =	vld [tilespmem:s8+$0xFFFFFFB0]  }
0x104: {  	v58 =	vld [tilespmem:s8+$0xFFFFFFD0];
	v11 =	vmul.f32 v14, v13;
	v12 =	vmul.f32 v16, v15  }
0x105: {  	v13 =	vld [tilespmem:s8+$0xFFFFFFC0];
	v14 =	vmul.f32 v18, v17;
	v6 =	vmul.f32 v6, v1  }
0x106: {  	v60 =	vld [tilespmem:s8+$0xFFFFFFE0];
	v15 =	vmul.f32 v20, v19;
	v0 =	vmul.f32 v24, v23  }
0x107: {  	v61 =	vld [tilespmem:s8+$0xFFFFFFF0];
	v62 =	vmul.f32 v33, v5;
	v6 =	vmul.f32 v3, v6  }
0x108: {  	v63 =	vld [tilespmem:s8+$0x0];
	v7 =	vmul.f32 v7, v8;
	v8 =	vmul.f32 v10, v9  }
0x109: {  	v4 =	vadd.f32 v2, v4;
	v5 =	vld [tilespmem:s8+$0x10];
	v2 =	vmul.f32 v30, v29;
	v12 =	vmul.f32 v58, v12  }
0x10a: {  	s12 =	simm.s32 $0x18640;
	v11 =	vmul.f32 v13, v11;
	v9 =	vadd.f32 v62, v6;
	v6 =	vld [tilespmem:s8+$0x20];
	v13 =	vadd.f32 v8, v7  }
0x10b: {  	v1 =	vmul.f32 v26, v25;
	[tilespmem:s12+$0x30] =	vst v4;
	v4 =	vmul.f32 v32, v31;
	v7 =	vld [tilespmem:s8+$0x30]  }
0x10c: {  	v10 =	vmul.f32 v60, v14;
	v8 =	vld [tilespmem:s8+$0x40];
	v12 =	vadd.f32 v12, v11;
	[tilespmem:s12+$0xFFFFFFD0] =	vst v13;
	v13 =	vmul.f32 v61, v15  }
0x10d: {  	s21 =	sshll.u32 s20, $0x9;
	s14 =	simm.s32 $0x0;
	s15 =	simm.s32 $0xC780;
	v3 =	vmul.f32 v28, v27;
	v11 =	vmul.f32 v63, v59;
	[tilespmem:s12+$0xFFFFFFC0] =	vst v9;
	v9 =	vld [tilespmem:s8+$0x50]  }
.LBB2_11:
0x10e: {  	v14 =	vld [tilespmem:s15+$0x60];
	[tilespmem:s12+$0xFFFFFFE0] =	vst v12;
	v10 =	vadd.f32 v13, v10;
	v0 =	vmul.f32 v5, v0;
	s7 =	sadd.s32 $0x100, s7  }
0x10f: {  	v5 =	vld [tilespmem:s7+$0x60];
	v1 =	vmul.f32 v6, v1  }
0x110: {  	v6 =	vld [tilespmem:s15+$0x70];
	[tilespmem:s12+$0xFFFFFFF0] =	vst v10;
	v0 =	vadd.f32 v0, v11;
	v3 =	vmul.f32 v7, v3  }
0x111: {  	s14 =	sadd.s32 $0x8, s14;
	s8 =	sadd.s32 $0x100, s8;
	v7 =	vld [tilespmem:s7+$0x70];
	v2 =	vmul.f32 v8, v2  }
0x112: {  	p1 =	slt.u32 s14, $0x78;
	v8 =	vld [tilespmem:s8+$0x60];
	[tilespmem:s12+$0x0] =	vst v0;
	v0 =	vadd.f32 v3, v1;
	v1 =	vmul.f32 v9, v4  }
0x113: {  	v3 =	vld [tilespmem:s8+$0x70]  }
0x114: {  	v9 =	vld [tilespmem:s7+$0xFFFFFF80];
	[tilespmem:s12+$0x10] =	vst v0;
	v0 =	vadd.f32 v1, v2  }
0x115: {  	v1 =	vld [tilespmem:s15+$0xFFFFFF90]  }
0x116: {  	v4 =	vmul.f32 v5, v14;
	v2 =	vld [tilespmem:s7+$0xFFFFFF90];
	v5 =	vmul.f32 v7, v6;
	[tilespmem:s12+$0x20] =	vst v0  }
0x117: {  	v0 =	vld [tilespmem:s15+$0xFFFFFFA0]  }
0x118: {  	v4 =	vmul.f32 v8, v4;
	v6 =	vld [tilespmem:s7+$0xFFFFFFA0];
	v3 =	vmul.f32 v3, v5  }
0x119: {  	v5 =	vld [tilespmem:s15+$0xFFFFFFB0]  }
0x11a: {  	v7 =	vld [tilespmem:s7+$0xFFFFFFB0];
	v3 =	vadd.f32 v3, v4  }
0x11b: {  	s12 =	sadd.s32 $0x80, s12;
	v8 =	vmul.f32 v2, v1;
	v1 =	vld [tilespmem:s15+$0xFFFFFFC0]  }
0x11c: {  	v2 =	vld [tilespmem:s7+$0xFFFFFFC0];
	[tilespmem:s12+$0x30] =	vst v3  }
0x11d: {  	v6 =	vmul.f32 v6, v0;
	v0 =	vld [tilespmem:s15+$0xFFFFFFD0]  }
0x11e: {  	v3 =	vld [tilespmem:s7+$0xFFFFFFD0]  }
0x11f: {  	v5 =	vmul.f32 v7, v5;
	v4 =	vld [tilespmem:s15+$0xFFFFFFE0]  }
0x120: {  	v7 =	vld [tilespmem:s7+$0xFFFFFFE0]  }
0x121: {  	v10 =	vmul.f32 v2, v1;
	v1 =	vld [tilespmem:s15+$0xFFFFFFF0]  }
0x122: {  	v2 =	vld [tilespmem:s7+$0xFFFFFFF0]  }
0x123: {  	v11 =	vmul.f32 v3, v0;
	v0 =	vld [tilespmem:s15+$0x0]  }
0x124: {  	v3 =	vld [tilespmem:s7+$0x0]  }
0x125: {  	v7 =	vmul.f32 v7, v4;
	v4 =	vld [tilespmem:s15+$0x10]  }
0x126: {  	v12 =	vld [tilespmem:s7+$0x10]  }
0x127: {  	v13 =	vmul.f32 v2, v1;
	v1 =	vld [tilespmem:s15+$0x20]  }
0x128: {  	v2 =	vld [tilespmem:s7+$0x20]  }
0x129: {  	v14 =	vmul.f32 v3, v0;
	v3 =	vld [tilespmem:s15+$0x30]  }
0x12a: {  	v15 =	vld [tilespmem:s7+$0x30]  }
0x12b: {  	v0 =	vmul.f32 v12, v4;
	v4 =	vld [tilespmem:s15+$0x40]  }
0x12c: {  	v12 =	vld [tilespmem:s7+$0x40]  }
0x12d: {  	v1 =	vmul.f32 v2, v1;
	v16 =	vld [tilespmem:s15+$0x50]  }
0x12e: {  	v17 =	vld [tilespmem:s7+$0x50]  }
0x12f: {  	v18 =	vld [tilespmem:s15+$0xFFFFFF80];
	v3 =	vmul.f32 v15, v3  }
0x130: {  	v15 =	vld [tilespmem:s8+$0xFFFFFF80]  }
0x131: {  	v19 =	vld [tilespmem:s8+$0xFFFFFF90];
	v2 =	vmul.f32 v12, v4  }
0x132: {  	v12 =	vld [tilespmem:s8+$0xFFFFFFA0]  }
0x133: {  	v20 =	vld [tilespmem:s8+$0xFFFFFFB0];
	v4 =	vmul.f32 v17, v16  }
0x134: {  	v9 =	vmul.f32 v9, v18;
	v16 =	vld [tilespmem:s8+$0xFFFFFFC0]  }
0x135: {  	v17 =	vld [tilespmem:s8+$0xFFFFFFD0]  }
0x136: {  	v9 =	vmul.f32 v15, v9;
	v8 =	vmul.f32 v19, v8;
	v15 =	vld [tilespmem:s8+$0xFFFFFFE0]  }
0x137: {  	v6 =	vmul.f32 v12, v6;
	v18 =	vld [tilespmem:s8+$0xFFFFFFF0]  }
0x138: {  	v8 =	vadd.f32 v8, v9;
	v9 =	vmul.f32 v20, v5;
	v19 =	vld [tilespmem:s8+$0x0]  }
.Ltmp4:
0x139: {  	v12 =	vmul.f32 v16, v10;
	v5 =	vld [tilespmem:s8+$0x10];
	(pc) =	sbr.rel @p1 .LBB2_11-.Ltmp4, $4  }
0x13a: {  	[tilespmem:s12+$0xFFFFFFC0] =	vst v8;
	v8 =	vadd.f32 v9, v6;
	v9 =	vmul.f32 v17, v11;
	v6 =	vld [tilespmem:s8+$0x20]  }
0x13b: {  	v10 =	vmul.f32 v15, v7;
	v7 =	vld [tilespmem:s8+$0x30]  }
0x13c: {  	[tilespmem:s12+$0xFFFFFFD0] =	vst v8;
	v12 =	vadd.f32 v9, v12;
	v13 =	vmul.f32 v18, v13;
	v8 =	vld [tilespmem:s8+$0x40]  }
0x13d: {  	s15 =	sadd.s32 $0x100, s15;
	v11 =	vmul.f32 v19, v14;
	v9 =	vld [tilespmem:s8+$0x50]  }
0x13e: {  	_ =	sdelay $0x1  }
0x13f: {  	v0 =	vmul.f32 v5, v0  }
0x140: {  	v62 =	vadd.f32 v13, v10;
	v1 =	vmul.f32 v6, v1;
	v3 =	vmul.f32 v7, v3  }
0x141: {  	[tilespmem:s12+$0xFFFFFFE0] =	vst v12;
	v0 =	vadd.f32 v0, v11;
	v2 =	vmul.f32 v8, v2;
	v4 =	vmul.f32 v9, v4  }
0x142: {  	s7 =	sadd.s32 s21, s9;
	[tilespmem:s12+$0xFFFFFFF0] =	vst v62;
	v1 =	vadd.f32 v3, v1  }
0x143: {  	s7 =	sshll.u32 s7, $0x1;
	[tilespmem:s12+$0x0] =	vst v0;
	v63 =	vadd.f32 v4, v2  }
0x144: {  	s7 =	sand.u32 $0x1FFFFC00, s7;
	[tilespmem:s12+$0x10] =	vst v1  }
0x145: {  	p1 =	por $0x1, $0x1;
	s8 =	sadd.s32 s6, s7;
	s7 =	simm.s32 $0x0;
	[tilespmem:s12+$0x20] =	vst v63  }
0x146: {  	[hbm4b:s8+s7] =	stream.linear.scatter [tilespmem:s26], [sflag:$0x5], $0x800, $0x38;
	[tilespmem:$0x1A600] =	vst v63  }
.LBB2_13:
0x147: {  	s15 =	sor.u32 s21, s7  }
0x148: {  	v0 =	vld [tilespmem:s15+$0x0];
	s14 =	sor.u32 $0x10, s15  }
0x149: {  	s8 =	sor.u32 $0x20, s15;
	v1 =	vld [tilespmem:s14+$0x0]  }
0x14a: {  	s12 =	sor.u32 $0x30, s15;
	v2 =	vld [tilespmem:s8+$0x0]  }
0x14b: {  	v3 =	vld [tilespmem:s12+$0x0];
	_ =	sdelay $0x2  }
0x14c: {  	v0 =	vmul.f32 $6.553500000e+04, v0  }
0x14d: {  	v1 =	vmul.f32 $6.553500000e+04, v1;
	v2 =	vmul.f32 $6.553500000e+04, v2  }
0x14e: {  	v3 =	vmul.f32 $6.553500000e+04, v3;
	v0 =	vtrunc.f32 v0  }
0x14f: {  	v0 =	vcvt.f32.s32 v0;
	v1 =	vtrunc.f32 v1  }
0x150: {  	v2 =	vtrunc.f32 v2;
	v1 =	vcvt.f32.s32 v1  }
0x151: {  	v3 =	vtrunc.f32 v3;
	v2 =	vcvt.f32.s32 v2;
	vm0 =	vgt.s32 v0, $0x0  }
0x152: {  	v3 =	vcvt.f32.s32 v3;
	v0 =	vnsel vm0, $0x0, v0;
	vm5 =	vgt.s32 v1, $0x0  }
0x153: {  	vm6 =	vgt.s32 v2, $0x0;
	v0 =	vmin.u32 v0, $0xFFFF;
	v1 =	vnsel vm5, $0x0, v1  }
0x154: {  	vm7 =	vgt.s32 v3, $0x0;
	v55 =	vnsel vm6, $0x0, v2;
	[tilespmem:s7+$0xC000] =	vst v0;
	v54 =	vmin.u32 v1, $0xFFFF  }
0x155: {  	v58 =	vnsel vm7, $0x0, v3;
	v57 =	vmin.u32 v55, $0xFFFF;
	v56 =	vld [tilespmem:s15+$0x4000];
	[tilespmem:s7+$0xC010] =	vst v54  }
0x156: {  	v60 =	vmin.u32 v58, $0xFFFF;
	[tilespmem:s7+$0xC020] =	vst v57;
	v59 =	vld [tilespmem:s14+$0x4000]  }
0x157: {  	[tilespmem:s7+$0xC030] =	vst v60;
	v61 =	vld [tilespmem:s8+$0x4000]  }
0x158: {  	v0 =	vld [tilespmem:s12+$0x4000];
	_ =	sdelay $0x1  }
0x159: {  	v2 =	vmul.f32 $6.553600000e+04, v56  }
0x15a: {  	v3 =	vmul.f32 $6.553600000e+04, v59  }
0x15b: {  	v1 =	vmul.f32 $6.553600000e+04, v61;
	v2 =	vadd.f32 $-1.000000000e+00, v2  }
0x15c: {  	v0 =	vmul.f32 $6.553600000e+04, v0;
	v3 =	vadd.f32 $-1.000000000e+00, v3  }
0x15d: {  	v1 =	vadd.f32 $-1.000000000e+00, v1;
	v2 =	vtrunc.f32 v2  }
0x15e: {  	v0 =	vadd.f32 $-1.000000000e+00, v0;
	v2 =	vcvt.f32.s32 v2;
	v3 =	vtrunc.f32 v3  }
0x15f: {  	v1 =	vtrunc.f32 v1;
	v3 =	vcvt.f32.s32 v3  }
0x160: {  	v0 =	vtrunc.f32 v0;
	v1 =	vcvt.f32.s32 v1;
	vm8 =	vgt.s32 v2, $0x0  }
0x161: {  	v0 =	vcvt.f32.s32 v0;
	v2 =	vnsel vm8, $0x0, v2;
	vm9 =	vgt.s32 v3, $0x0  }
0x162: {  	vm10 =	vgt.s32 v1, $0x0;
	v2 =	vmin.u32 v2, $0xFFFF;
	v3 =	vnsel vm9, $0x0, v3  }
0x163: {  	vm11 =	vgt.s32 v0, $0x0;
	v1 =	vnsel vm10, $0x0, v1;
	[tilespmem:s7+$0xC200] =	vst v2;
	v62 =	vmin.u32 v3, $0xFFFF  }
0x164: {  	v0 =	vnsel vm11, $0x0, v0;
	v1 =	vmin.u32 v1, $0xFFFF;
	v63 =	vld [tilespmem:s15+$0x8000];
	[tilespmem:s7+$0xC210] =	vst v62  }
0x165: {  	v0 =	vmin.u32 v0, $0xFFFF;
	[tilespmem:s7+$0xC220] =	vst v1;
	v2 =	vld [tilespmem:s14+$0x8000]  }
0x166: {  	[tilespmem:s7+$0xC230] =	vst v0;
	v1 =	vld [tilespmem:s8+$0x8000]  }
0x167: {  	v0 =	vld [tilespmem:s12+$0x8000];
	_ =	sdelay $0x1  }
0x168: {  	v3 =	vmul.f32 $6.553600000e+04, v63  }
0x169: {  	v2 =	vmul.f32 $6.553600000e+04, v2  }
0x16a: {  	v1 =	vmul.f32 $6.553600000e+04, v1;
	v3 =	vadd.f32 $-1.000000000e+00, v3  }
0x16b: {  	v0 =	vmul.f32 $6.553600000e+04, v0;
	v2 =	vadd.f32 $-1.000000000e+00, v2  }
0x16c: {  	v1 =	vadd.f32 $-1.000000000e+00, v1;
	v3 =	vtrunc.f32 v3  }
0x16d: {  	v0 =	vadd.f32 $-1.000000000e+00, v0;
	v3 =	vcvt.f32.s32 v3;
	v2 =	vtrunc.f32 v2  }
0x16e: {  	v1 =	vtrunc.f32 v1;
	v2 =	vcvt.f32.s32 v2  }
0x16f: {  	v0 =	vtrunc.f32 v0;
	v1 =	vcvt.f32.s32 v1;
	vm12 =	vgt.s32 v3, $0x0  }
0x170: {  	p2 =	por p1, p1;
	v0 =	vcvt.f32.s32 v0;
	v3 =	vnsel vm12, $0x0, v3;
	vm13 =	vgt.s32 v2, $0x0  }
.Ltmp5:
0x171: {  	vm14 =	vgt.s32 v1, $0x0;
	v3 =	vmin.u32 v3, $0xFFFF;
	v2 =	vnsel vm13, $0x0, v2;
	(pc) =	sbr.rel @p2 .LBB2_13-.Ltmp5, $4  }
0x172: {  	vm15 =	vgt.s32 v0, $0x0;
	v1 =	vnsel vm14, $0x0, v1;
	[tilespmem:s7+$0xC400] =	vst v3;
	v2 =	vmin.u32 v2, $0xFFFF  }
0x173: {  	v0 =	vnsel vm15, $0x0, v0;
	v1 =	vmin.u32 v1, $0xFFFF;
	[tilespmem:s7+$0xC410] =	vst v2  }
0x174: {  	v0 =	vmin.u32 v0, $0xFFFF;
	[tilespmem:s7+$0xC420] =	vst v1  }
0x175: {  	p1 =	por $0x0, $0x0;
	[tilespmem:s7+$0xC430] =	vst v0;
	s7 =	simm.s32 $0x40  }
0x176: {  	s7 =	simm.s32 $0xC000;
	s8 =	simm.s32 $0xC600  }
0x177: {  	[tilespmem:s8], [sflag:$0x1] =	stream.indirect.gather [hbm4b:s2+s22], $0x20, s7, s22, $0xb8;
	[tilespmem:$0x1A600] =	vst v63  }
0x178: {  	s12 =	simm.s32 $0xC200;
	s14 =	simm.s32 $0x10600  }
0x179: {  	[tilespmem:s14], [sflag:$0x1] =	stream.indirect.gather [hbm4b:s4+s22], $0x20, s12, s22, $0xb8;
	[tilespmem:$0x1A600] =	vst v63  }
0x17a: {  	s15 =	simm.s32 $0xC400;
	s16 =	simm.s32 $0x14600  }
0x17b: {  	[tilespmem:s16], [sflag:$0x1] =	stream.indirect.gather [hbm4b:s5+s22], $0x20, s15, s22, $0xb8;
	[tilespmem:$0x1A600] =	vst v63  }
0x17c: {  	_ =	swait.ge [sflag:s28], $0x1000  }
0x17d: {  	[sflag:s28] =	ssyncset.done $0x0  }
0x17e: {  	[sflag:s28] =	ssyncadd.s32 $0xFFFFF000  }
0x17f: {  	_ =	swait.ge [sflag:s28], $0x1000  }
0x180: {  	[sflag:s28] =	ssyncset.done $0x0  }
0x181: {  	[sflag:s28] =	ssyncadd.s32 $0xFFFFF000  }
0x182: {  	_ =	swait.ge [sflag:s28], $0x1000  }
0x183: {  	[sflag:s28] =	ssyncset.done $0x0  }
0x184: {  	s7 =	simm.s32 @!p0 $0x6;
	[sflag:s28] =	ssyncadd.s32 $0xFFFFF000  }
0x185: {  	_ =	swait.ge @!p0 [sflag:s7], $0x800  }
0x186: {  	[sflag:s7] =	ssyncset.done @!p0 $0x0  }
0x187: {  	s12 =	simm.s32 $0xD680;
	[sflag:s7] =	ssyncadd.s32 @!p0 $0xFFFFF800  }
0x188: {  	s7 =	simm.s32 $0x11680;
	v0 =	vld [tilespmem:s12+$0x60]  }
0x189: {  	v1 =	vld [tilespmem:s7+$0x60]  }
0x18a: {  	v2 =	vld [tilespmem:s12+$0x70]  }
0x18b: {  	s8 =	simm.s32 $0x15680;
	v3 =	vld [tilespmem:s7+$0x70]  }
0x18c: {  	v4 =	vld [tilespmem:s8+$0x60]  }
0x18d: {  	v5 =	vld [tilespmem:s8+$0x70]  }
0x18e: {  	v6 =	vld [tilespmem:s7+$0xFFFFFF80]  }
0x18f: {  	v7 =	vld [tilespmem:s12+$0xFFFFFF90]  }
0x190: {  	v8 =	vld [tilespmem:s7+$0xFFFFFF90]  }
0x191: {  	v9 =	vld [tilespmem:s12+$0xFFFFFFA0]  }
0x192: {  	v10 =	vld [tilespmem:s7+$0xFFFFFFA0]  }
0x193: {  	v11 =	vld [tilespmem:s12+$0xFFFFFFB0]  }
0x194: {  	v12 =	vld [tilespmem:s7+$0xFFFFFFB0]  }
0x195: {  	v13 =	vld [tilespmem:s12+$0xFFFFFFC0]  }
0x196: {  	v14 =	vld [tilespmem:s7+$0xFFFFFFC0]  }
0x197: {  	v15 =	vld [tilespmem:s12+$0xFFFFFFD0]  }
0x198: {  	v16 =	vld [tilespmem:s7+$0xFFFFFFD0]  }
0x199: {  	v17 =	vld [tilespmem:s12+$0xFFFFFFE0]  }
0x19a: {  	v18 =	vld [tilespmem:s7+$0xFFFFFFE0]  }
0x19b: {  	v19 =	vld [tilespmem:s12+$0xFFFFFFF0]  }
0x19c: {  	v20 =	vld [tilespmem:s7+$0xFFFFFFF0]  }
0x19d: {  	v21 =	vld [tilespmem:s12+$0x0]  }
0x19e: {  	v22 =	vld [tilespmem:s7+$0x0]  }
0x19f: {  	v23 =	vld [tilespmem:s12+$0x10]  }
0x1a0: {  	v24 =	vld [tilespmem:s7+$0x10]  }
0x1a1: {  	v25 =	vld [tilespmem:s12+$0x20]  }
0x1a2: {  	v26 =	vld [tilespmem:s7+$0x20]  }
0x1a3: {  	v27 =	vld [tilespmem:s12+$0x30]  }
0x1a4: {  	v28 =	vld [tilespmem:s7+$0x30]  }
0x1a5: {  	v29 =	vld [tilespmem:s12+$0x40]  }
0x1a6: {  	v30 =	vld [tilespmem:s7+$0x40]  }
0x1a7: {  	v31 =	vld [tilespmem:s12+$0x50]  }
0x1a8: {  	v32 =	vld [tilespmem:s7+$0x50]  }
0x1a9: {  	v33 =	vld [tilespmem:s8+$0xFFFFFF90];
	v0 =	vmul.f32 v1, v0  }
0x1aa: {  	v1 =	vld [tilespmem:s12+$0xFFFFFF80];
	v2 =	vmul.f32 v3, v2  }
0x1ab: {  	v3 =	vld [tilespmem:s8+$0xFFFFFF80];
	v59 =	vmul.f32 v22, v21;
	v4 =	vmul.f32 v4, v0  }
0x1ac: {  	v2 =	vmul.f32 v5, v2;
	v5 =	vmul.f32 v8, v7;
	v7 =	vld [tilespmem:s8+$0xFFFFFFA0]  }
0x1ad: {  	v8 =	vmul.f32 v10, v9;
	v9 =	vmul.f32 v12, v11;
	v10 =	vld [tilespmem:s8+$0xFFFFFFB0]  }
0x1ae: {  	v58 =	vld [tilespmem:s8+$0xFFFFFFD0];
	v11 =	vmul.f32 v14, v13;
	v12 =	vmul.f32 v16, v15  }
0x1af: {  	v13 =	vld [tilespmem:s8+$0xFFFFFFC0];
	v14 =	vmul.f32 v18, v17;
	v6 =	vmul.f32 v6, v1  }
0x1b0: {  	v60 =	vld [tilespmem:s8+$0xFFFFFFE0];
	v15 =	vmul.f32 v20, v19;
	v0 =	vmul.f32 v24, v23  }
0x1b1: {  	v61 =	vld [tilespmem:s8+$0xFFFFFFF0];
	v62 =	vmul.f32 v33, v5;
	v6 =	vmul.f32 v3, v6  }
0x1b2: {  	v63 =	vld [tilespmem:s8+$0x0];
	v7 =	vmul.f32 v7, v8;
	v8 =	vmul.f32 v10, v9  }
0x1b3: {  	v4 =	vadd.f32 v2, v4;
	v5 =	vld [tilespmem:s8+$0x10];
	v2 =	vmul.f32 v30, v29;
	v12 =	vmul.f32 v58, v12  }
0x1b4: {  	s12 =	simm.s32 $0x18E40;
	v11 =	vmul.f32 v13, v11;
	v9 =	vadd.f32 v62, v6;
	v6 =	vld [tilespmem:s8+$0x20];
	v13 =	vadd.f32 v8, v7  }
0x1b5: {  	v1 =	vmul.f32 v26, v25;
	[tilespmem:s12+$0x30] =	vst v4;
	v4 =	vmul.f32 v32, v31;
	v7 =	vld [tilespmem:s8+$0x30]  }
0x1b6: {  	v10 =	vmul.f32 v60, v14;
	v8 =	vld [tilespmem:s8+$0x40];
	v12 =	vadd.f32 v12, v11;
	[tilespmem:s12+$0xFFFFFFD0] =	vst v13;
	v13 =	vmul.f32 v61, v15  }
0x1b7: {  	s14 =	simm.s32 $0x0;
	s15 =	simm.s32 $0xD780;
	v3 =	vmul.f32 v28, v27;
	v11 =	vmul.f32 v63, v59;
	[tilespmem:s12+$0xFFFFFFC0] =	vst v9;
	v9 =	vld [tilespmem:s8+$0x50]  }
.LBB2_15:
0x1b8: {  	v14 =	vld [tilespmem:s15+$0x60];
	[tilespmem:s12+$0xFFFFFFE0] =	vst v12;
	v10 =	vadd.f32 v13, v10;
	v0 =	vmul.f32 v5, v0;
	s7 =	sadd.s32 $0x100, s7  }
0x1b9: {  	v5 =	vld [tilespmem:s7+$0x60];
	v1 =	vmul.f32 v6, v1  }
0x1ba: {  	v6 =	vld [tilespmem:s15+$0x70];
	[tilespmem:s12+$0xFFFFFFF0] =	vst v10;
	v0 =	vadd.f32 v0, v11;
	v3 =	vmul.f32 v7, v3  }
0x1bb: {  	s14 =	sadd.s32 $0x8, s14;
	s8 =	sadd.s32 $0x100, s8;
	v7 =	vld [tilespmem:s7+$0x70];
	v2 =	vmul.f32 v8, v2  }
0x1bc: {  	p1 =	slt.u32 s14, $0x78;
	v8 =	vld [tilespmem:s8+$0x60];
	[tilespmem:s12+$0x0] =	vst v0;
	v0 =	vadd.f32 v3, v1;
	v1 =	vmul.f32 v9, v4  }
0x1bd: {  	v3 =	vld [tilespmem:s8+$0x70]  }
0x1be: {  	v9 =	vld [tilespmem:s7+$0xFFFFFF80];
	[tilespmem:s12+$0x10] =	vst v0;
	v0 =	vadd.f32 v1, v2  }
0x1bf: {  	v1 =	vld [tilespmem:s15+$0xFFFFFF90]  }
0x1c0: {  	v4 =	vmul.f32 v5, v14;
	v2 =	vld [tilespmem:s7+$0xFFFFFF90];
	v5 =	vmul.f32 v7, v6;
	[tilespmem:s12+$0x20] =	vst v0  }
0x1c1: {  	v0 =	vld [tilespmem:s15+$0xFFFFFFA0]  }
0x1c2: {  	v4 =	vmul.f32 v8, v4;
	v6 =	vld [tilespmem:s7+$0xFFFFFFA0];
	v3 =	vmul.f32 v3, v5  }
0x1c3: {  	v5 =	vld [tilespmem:s15+$0xFFFFFFB0]  }
0x1c4: {  	v7 =	vld [tilespmem:s7+$0xFFFFFFB0];
	v3 =	vadd.f32 v3, v4  }
0x1c5: {  	s12 =	sadd.s32 $0x80, s12;
	v8 =	vmul.f32 v2, v1;
	v1 =	vld [tilespmem:s15+$0xFFFFFFC0]  }
0x1c6: {  	v2 =	vld [tilespmem:s7+$0xFFFFFFC0];
	[tilespmem:s12+$0x30] =	vst v3  }
0x1c7: {  	v6 =	vmul.f32 v6, v0;
	v0 =	vld [tilespmem:s15+$0xFFFFFFD0]  }
0x1c8: {  	v3 =	vld [tilespmem:s7+$0xFFFFFFD0]  }
0x1c9: {  	v5 =	vmul.f32 v7, v5;
	v4 =	vld [tilespmem:s15+$0xFFFFFFE0]  }
0x1ca: {  	v7 =	vld [tilespmem:s7+$0xFFFFFFE0]  }
0x1cb: {  	v10 =	vmul.f32 v2, v1;
	v1 =	vld [tilespmem:s15+$0xFFFFFFF0]  }
0x1cc: {  	v2 =	vld [tilespmem:s7+$0xFFFFFFF0]  }
0x1cd: {  	v11 =	vmul.f32 v3, v0;
	v0 =	vld [tilespmem:s15+$0x0]  }
0x1ce: {  	v3 =	vld [tilespmem:s7+$0x0]  }
0x1cf: {  	v7 =	vmul.f32 v7, v4;
	v4 =	vld [tilespmem:s15+$0x10]  }
0x1d0: {  	v12 =	vld [tilespmem:s7+$0x10]  }
0x1d1: {  	v13 =	vmul.f32 v2, v1;
	v1 =	vld [tilespmem:s15+$0x20]  }
0x1d2: {  	v2 =	vld [tilespmem:s7+$0x20]  }
0x1d3: {  	v14 =	vmul.f32 v3, v0;
	v3 =	vld [tilespmem:s15+$0x30]  }
0x1d4: {  	v15 =	vld [tilespmem:s7+$0x30]  }
0x1d5: {  	v0 =	vmul.f32 v12, v4;
	v4 =	vld [tilespmem:s15+$0x40]  }
0x1d6: {  	v12 =	vld [tilespmem:s7+$0x40]  }
0x1d7: {  	v1 =	vmul.f32 v2, v1;
	v16 =	vld [tilespmem:s15+$0x50]  }
0x1d8: {  	v17 =	vld [tilespmem:s7+$0x50]  }
0x1d9: {  	v18 =	vld [tilespmem:s15+$0xFFFFFF80];
	v3 =	vmul.f32 v15, v3  }
0x1da: {  	v15 =	vld [tilespmem:s8+$0xFFFFFF80]  }
0x1db: {  	v19 =	vld [tilespmem:s8+$0xFFFFFF90];
	v2 =	vmul.f32 v12, v4  }
0x1dc: {  	v12 =	vld [tilespmem:s8+$0xFFFFFFA0]  }
0x1dd: {  	v20 =	vld [tilespmem:s8+$0xFFFFFFB0];
	v4 =	vmul.f32 v17, v16  }
0x1de: {  	v9 =	vmul.f32 v9, v18;
	v16 =	vld [tilespmem:s8+$0xFFFFFFC0]  }
0x1df: {  	v17 =	vld [tilespmem:s8+$0xFFFFFFD0]  }
0x1e0: {  	v9 =	vmul.f32 v15, v9;
	v8 =	vmul.f32 v19, v8;
	v15 =	vld [tilespmem:s8+$0xFFFFFFE0]  }
0x1e1: {  	v6 =	vmul.f32 v12, v6;
	v18 =	vld [tilespmem:s8+$0xFFFFFFF0]  }
0x1e2: {  	v8 =	vadd.f32 v8, v9;
	v9 =	vmul.f32 v20, v5;
	v19 =	vld [tilespmem:s8+$0x0]  }
.Ltmp6:
0x1e3: {  	v12 =	vmul.f32 v16, v10;
	v5 =	vld [tilespmem:s8+$0x10];
	(pc) =	sbr.rel @p1 .LBB2_15-.Ltmp6, $4  }
0x1e4: {  	[tilespmem:s12+$0xFFFFFFC0] =	vst v8;
	v8 =	vadd.f32 v9, v6;
	v9 =	vmul.f32 v17, v11;
	v6 =	vld [tilespmem:s8+$0x20]  }
0x1e5: {  	v10 =	vmul.f32 v15, v7;
	v7 =	vld [tilespmem:s8+$0x30]  }
0x1e6: {  	[tilespmem:s12+$0xFFFFFFD0] =	vst v8;
	v12 =	vadd.f32 v9, v12;
	v13 =	vmul.f32 v18, v13;
	v8 =	vld [tilespmem:s8+$0x40]  }
0x1e7: {  	s15 =	sadd.s32 $0x100, s15;
	v11 =	vmul.f32 v19, v14;
	v9 =	vld [tilespmem:s8+$0x50]  }
0x1e8: {  	_ =	sdelay $0x1  }
0x1e9: {  	v0 =	vmul.f32 v5, v0  }
0x1ea: {  	v62 =	vadd.f32 v13, v10;
	v1 =	vmul.f32 v6, v1;
	v3 =	vmul.f32 v7, v3  }
0x1eb: {  	[tilespmem:s12+$0xFFFFFFE0] =	vst v12;
	v0 =	vadd.f32 v0, v11;
	v2 =	vmul.f32 v8, v2;
	v4 =	vmul.f32 v9, v4  }
0x1ec: {  	s7 =	sadd.s32 s21, s10;
	[tilespmem:s12+$0xFFFFFFF0] =	vst v62;
	v1 =	vadd.f32 v3, v1  }
0x1ed: {  	s7 =	sshll.u32 s7, $0x1;
	[tilespmem:s12+$0x0] =	vst v0;
	v63 =	vadd.f32 v4, v2  }
0x1ee: {  	s7 =	sand.u32 $0x1FFFFD00, s7;
	[tilespmem:s12+$0x10] =	vst v1  }
0x1ef: {  	s8 =	sadd.s32 s6, s7;
	s7 =	simm.s32 $0x0;
	[tilespmem:s12+$0x20] =	vst v63  }
0x1f0: {  	[hbm4b:s8+s7] =	stream.linear.scatter [tilespmem:s29], [sflag:$0x6], $0x800, $0x38;
	[tilespmem:$0x1A600] =	vst v63  }
0x1f1: {  	p1 =	por $0x1, $0x1;
	s8 =	sor.u32 $0x80, s21  }
.LBB2_17:
0x1f2: {  	s16 =	sor.u32 s8, s7  }
0x1f3: {  	v0 =	vld [tilespmem:s16+$0x0];
	s15 =	sor.u32 $0x10, s16  }
0x1f4: {  	s12 =	sor.u32 $0x20, s16;
	v1 =	vld [tilespmem:s15+$0x0]  }
0x1f5: {  	s14 =	sor.u32 $0x30, s16;
	v2 =	vld [tilespmem:s12+$0x0]  }
0x1f6: {  	v3 =	vld [tilespmem:s14+$0x0];
	_ =	sdelay $0x2  }
0x1f7: {  	v0 =	vmul.f32 $6.553500000e+04, v0  }
0x1f8: {  	v1 =	vmul.f32 $6.553500000e+04, v1;
	v2 =	vmul.f32 $6.553500000e+04, v2  }
0x1f9: {  	v3 =	vmul.f32 $6.553500000e+04, v3;
	v0 =	vtrunc.f32 v0  }
0x1fa: {  	v0 =	vcvt.f32.s32 v0;
	v1 =	vtrunc.f32 v1  }
0x1fb: {  	v2 =	vtrunc.f32 v2;
	v1 =	vcvt.f32.s32 v1  }
0x1fc: {  	v3 =	vtrunc.f32 v3;
	v2 =	vcvt.f32.s32 v2;
	vm0 =	vgt.s32 v0, $0x0  }
0x1fd: {  	v3 =	vcvt.f32.s32 v3;
	v0 =	vnsel vm0, $0x0, v0;
	vm5 =	vgt.s32 v1, $0x0  }
0x1fe: {  	vm6 =	vgt.s32 v2, $0x0;
	v0 =	vmin.u32 v0, $0xFFFF;
	v1 =	vnsel vm5, $0x0, v1  }
0x1ff: {  	vm7 =	vgt.s32 v3, $0x0;
	v55 =	vnsel vm6, $0x0, v2;
	[tilespmem:s7+$0xC080] =	vst v0;
	v54 =	vmin.u32 v1, $0xFFFF  }
0x200: {  	v58 =	vnsel vm7, $0x0, v3;
	v57 =	vmin.u32 v55, $0xFFFF;
	v56 =	vld [tilespmem:s16+$0x4000];
	[tilespmem:s7+$0xC090] =	vst v54  }
0x201: {  	v60 =	vmin.u32 v58, $0xFFFF;
	[tilespmem:s7+$0xC0A0] =	vst v57;
	v59 =	vld [tilespmem:s15+$0x4000]  }
0x202: {  	[tilespmem:s7+$0xC0B0] =	vst v60;
	v61 =	vld [tilespmem:s12+$0x4000]  }
0x203: {  	v0 =	vld [tilespmem:s14+$0x4000];
	_ =	sdelay $0x1  }
0x204: {  	v2 =	vmul.f32 $6.553600000e+04, v56  }
0x205: {  	v3 =	vmul.f32 $6.553600000e+04, v59  }
0x206: {  	v1 =	vmul.f32 $6.553600000e+04, v61;
	v2 =	vadd.f32 $-1.000000000e+00, v2  }
0x207: {  	v0 =	vmul.f32 $6.553600000e+04, v0;
	v3 =	vadd.f32 $-1.000000000e+00, v3  }
0x208: {  	v1 =	vadd.f32 $-1.000000000e+00, v1;
	v2 =	vtrunc.f32 v2  }
0x209: {  	v0 =	vadd.f32 $-1.000000000e+00, v0;
	v2 =	vcvt.f32.s32 v2;
	v3 =	vtrunc.f32 v3  }
0x20a: {  	v1 =	vtrunc.f32 v1;
	v3 =	vcvt.f32.s32 v3  }
0x20b: {  	v0 =	vtrunc.f32 v0;
	v1 =	vcvt.f32.s32 v1;
	vm8 =	vgt.s32 v2, $0x0  }
0x20c: {  	v0 =	vcvt.f32.s32 v0;
	v2 =	vnsel vm8, $0x0, v2;
	vm9 =	vgt.s32 v3, $0x0  }
0x20d: {  	vm10 =	vgt.s32 v1, $0x0;
	v2 =	vmin.u32 v2, $0xFFFF;
	v3 =	vnsel vm9, $0x0, v3  }
0x20e: {  	vm11 =	vgt.s32 v0, $0x0;
	v1 =	vnsel vm10, $0x0, v1;
	[tilespmem:s7+$0xC280] =	vst v2;
	v62 =	vmin.u32 v3, $0xFFFF  }
0x20f: {  	v0 =	vnsel vm11, $0x0, v0;
	v1 =	vmin.u32 v1, $0xFFFF;
	v63 =	vld [tilespmem:s16+$0x8000];
	[tilespmem:s7+$0xC290] =	vst v62  }
0x210: {  	v0 =	vmin.u32 v0, $0xFFFF;
	[tilespmem:s7+$0xC2A0] =	vst v1;
	v2 =	vld [tilespmem:s15+$0x8000]  }
0x211: {  	[tilespmem:s7+$0xC2B0] =	vst v0;
	v1 =	vld [tilespmem:s12+$0x8000]  }
0x212: {  	v0 =	vld [tilespmem:s14+$0x8000];
	_ =	sdelay $0x1  }
0x213: {  	v3 =	vmul.f32 $6.553600000e+04, v63  }
0x214: {  	v2 =	vmul.f32 $6.553600000e+04, v2  }
0x215: {  	v1 =	vmul.f32 $6.553600000e+04, v1;
	v3 =	vadd.f32 $-1.000000000e+00, v3  }
0x216: {  	v0 =	vmul.f32 $6.553600000e+04, v0;
	v2 =	vadd.f32 $-1.000000000e+00, v2  }
0x217: {  	v1 =	vadd.f32 $-1.000000000e+00, v1;
	v3 =	vtrunc.f32 v3  }
0x218: {  	v0 =	vadd.f32 $-1.000000000e+00, v0;
	v3 =	vcvt.f32.s32 v3;
	v2 =	vtrunc.f32 v2  }
0x219: {  	v1 =	vtrunc.f32 v1;
	v2 =	vcvt.f32.s32 v2  }
0x21a: {  	v0 =	vtrunc.f32 v0;
	v1 =	vcvt.f32.s32 v1;
	vm12 =	vgt.s32 v3, $0x0  }
0x21b: {  	p2 =	por p1, p1;
	v0 =	vcvt.f32.s32 v0;
	v3 =	vnsel vm12, $0x0, v3;
	vm13 =	vgt.s32 v2, $0x0  }
.Ltmp7:
0x21c: {  	vm14 =	vgt.s32 v1, $0x0;
	v3 =	vmin.u32 v3, $0xFFFF;
	v2 =	vnsel vm13, $0x0, v2;
	(pc) =	sbr.rel @p2 .LBB2_17-.Ltmp7, $4  }
0x21d: {  	vm15 =	vgt.s32 v0, $0x0;
	v1 =	vnsel vm14, $0x0, v1;
	[tilespmem:s7+$0xC480] =	vst v3;
	v2 =	vmin.u32 v2, $0xFFFF  }
0x21e: {  	v0 =	vnsel vm15, $0x0, v0;
	v1 =	vmin.u32 v1, $0xFFFF;
	[tilespmem:s7+$0xC490] =	vst v2  }
0x21f: {  	v0 =	vmin.u32 v0, $0xFFFF;
	[tilespmem:s7+$0xC4A0] =	vst v1  }
0x220: {  	p1 =	por $0x0, $0x0;
	[tilespmem:s7+$0xC4B0] =	vst v0;
	s7 =	simm.s32 $0x40  }
0x221: {  	s7 =	simm.s32 $0xC080;
	s8 =	simm.s32 $0xD600  }
0x222: {  	[tilespmem:s8], [sflag:$0x2] =	stream.indirect.gather [hbm4b:s2+s22], $0x20, s7, s22, $0xb8;
	[tilespmem:$0x1A600] =	vst v63  }
0x223: {  	s12 =	simm.s32 $0xC280;
	s14 =	simm.s32 $0x11600  }
0x224: {  	[tilespmem:s14], [sflag:$0x2] =	stream.indirect.gather [hbm4b:s4+s22], $0x20, s12, s22, $0xb8;
	[tilespmem:$0x1A600] =	vst v63  }
0x225: {  	s15 =	simm.s32 $0xC480;
	s16 =	simm.s32 $0x15600  }
0x226: {  	[tilespmem:s16], [sflag:$0x2] =	stream.indirect.gather [hbm4b:s5+s22], $0x20, s15, s22, $0xb8;
	[tilespmem:$0x1A600] =	vst v63  }
0x227: {  	_ =	swait.ge [sflag:s30], $0x1000  }
0x228: {  	[sflag:s30] =	ssyncset.done $0x0  }
0x229: {  	[sflag:s30] =	ssyncadd.s32 $0xFFFFF000  }
0x22a: {  	_ =	swait.ge [sflag:s30], $0x1000  }
0x22b: {  	[sflag:s30] =	ssyncset.done $0x0  }
0x22c: {  	[sflag:s30] =	ssyncadd.s32 $0xFFFFF000  }
0x22d: {  	_ =	swait.ge [sflag:s30], $0x1000  }
0x22e: {  	[sflag:s30] =	ssyncset.done $0x0  }
0x22f: {  	s7 =	simm.s32 @!p0 $0x7;
	[sflag:s30] =	ssyncadd.s32 $0xFFFFF000  }
0x230: {  	_ =	swait.ge @!p0 [sflag:s7], $0x800  }
0x231: {  	[sflag:s7] =	ssyncset.done @!p0 $0x0  }
0x232: {  	s12 =	simm.s32 $0xE680;
	[sflag:s7] =	ssyncadd.s32 @!p0 $0xFFFFF800  }
0x233: {  	s7 =	simm.s32 $0x12680;
	v0 =	vld [tilespmem:s12+$0x60]  }
0x234: {  	v1 =	vld [tilespmem:s7+$0x60]  }
0x235: {  	v2 =	vld [tilespmem:s12+$0x70]  }
0x236: {  	s8 =	simm.s32 $0x16680;
	v3 =	vld [tilespmem:s7+$0x70]  }
0x237: {  	v4 =	vld [tilespmem:s8+$0x60]  }
0x238: {  	v5 =	vld [tilespmem:s8+$0x70]  }
0x239: {  	v6 =	vld [tilespmem:s7+$0xFFFFFF80]  }
0x23a: {  	v7 =	vld [tilespmem:s12+$0xFFFFFF90]  }
0x23b: {  	v8 =	vld [tilespmem:s7+$0xFFFFFF90]  }
0x23c: {  	v9 =	vld [tilespmem:s12+$0xFFFFFFA0]  }
0x23d: {  	v10 =	vld [tilespmem:s7+$0xFFFFFFA0]  }
0x23e: {  	v11 =	vld [tilespmem:s12+$0xFFFFFFB0]  }
0x23f: {  	v12 =	vld [tilespmem:s7+$0xFFFFFFB0]  }
0x240: {  	v13 =	vld [tilespmem:s12+$0xFFFFFFC0]  }
0x241: {  	v14 =	vld [tilespmem:s7+$0xFFFFFFC0]  }
0x242: {  	v15 =	vld [tilespmem:s12+$0xFFFFFFD0]  }
0x243: {  	v16 =	vld [tilespmem:s7+$0xFFFFFFD0]  }
0x244: {  	v17 =	vld [tilespmem:s12+$0xFFFFFFE0]  }
0x245: {  	v18 =	vld [tilespmem:s7+$0xFFFFFFE0]  }
0x246: {  	v19 =	vld [tilespmem:s12+$0xFFFFFFF0]  }
0x247: {  	v20 =	vld [tilespmem:s7+$0xFFFFFFF0]  }
0x248: {  	v21 =	vld [tilespmem:s12+$0x0]  }
0x249: {  	v22 =	vld [tilespmem:s7+$0x0]  }
0x24a: {  	v23 =	vld [tilespmem:s12+$0x10]  }
0x24b: {  	v24 =	vld [tilespmem:s7+$0x10]  }
0x24c: {  	v25 =	vld [tilespmem:s12+$0x20]  }
0x24d: {  	v26 =	vld [tilespmem:s7+$0x20]  }
0x24e: {  	v27 =	vld [tilespmem:s12+$0x30]  }
0x24f: {  	v28 =	vld [tilespmem:s7+$0x30]  }
0x250: {  	v29 =	vld [tilespmem:s12+$0x40]  }
0x251: {  	v30 =	vld [tilespmem:s7+$0x40]  }
0x252: {  	v31 =	vld [tilespmem:s12+$0x50]  }
0x253: {  	v32 =	vld [tilespmem:s7+$0x50]  }
0x254: {  	v33 =	vld [tilespmem:s8+$0xFFFFFF90];
	v0 =	vmul.f32 v1, v0  }
0x255: {  	v1 =	vld [tilespmem:s12+$0xFFFFFF80];
	v2 =	vmul.f32 v3, v2  }
0x256: {  	v3 =	vld [tilespmem:s8+$0xFFFFFF80];
	v59 =	vmul.f32 v22, v21;
	v4 =	vmul.f32 v4, v0  }
0x257: {  	v2 =	vmul.f32 v5, v2;
	v5 =	vmul.f32 v8, v7;
	v7 =	vld [tilespmem:s8+$0xFFFFFFA0]  }
0x258: {  	v8 =	vmul.f32 v10, v9;
	v9 =	vmul.f32 v12, v11;
	v10 =	vld [tilespmem:s8+$0xFFFFFFB0]  }
0x259: {  	v58 =	vld [tilespmem:s8+$0xFFFFFFD0];
	v11 =	vmul.f32 v14, v13;
	v12 =	vmul.f32 v16, v15  }
0x25a: {  	v13 =	vld [tilespmem:s8+$0xFFFFFFC0];
	v14 =	vmul.f32 v18, v17;
	v6 =	vmul.f32 v6, v1  }
0x25b: {  	v60 =	vld [tilespmem:s8+$0xFFFFFFE0];
	v15 =	vmul.f32 v20, v19;
	v0 =	vmul.f32 v24, v23  }
0x25c: {  	v61 =	vld [tilespmem:s8+$0xFFFFFFF0];
	v62 =	vmul.f32 v33, v5;
	v6 =	vmul.f32 v3, v6  }
0x25d: {  	v63 =	vld [tilespmem:s8+$0x0];
	v7 =	vmul.f32 v7, v8;
	v8 =	vmul.f32 v10, v9  }
0x25e: {  	v4 =	vadd.f32 v2, v4;
	v5 =	vld [tilespmem:s8+$0x10];
	v2 =	vmul.f32 v30, v29;
	v12 =	vmul.f32 v58, v12  }
0x25f: {  	s12 =	simm.s32 $0x19640;
	v11 =	vmul.f32 v13, v11;
	v9 =	vadd.f32 v62, v6;
	v6 =	vld [tilespmem:s8+$0x20];
	v13 =	vadd.f32 v8, v7  }
0x260: {  	v1 =	vmul.f32 v26, v25;
	[tilespmem:s12+$0x30] =	vst v4;
	v4 =	vmul.f32 v32, v31;
	v7 =	vld [tilespmem:s8+$0x30]  }
0x261: {  	v10 =	vmul.f32 v60, v14;
	v8 =	vld [tilespmem:s8+$0x40];
	v12 =	vadd.f32 v12, v11;
	[tilespmem:s12+$0xFFFFFFD0] =	vst v13;
	v13 =	vmul.f32 v61, v15  }
0x262: {  	s14 =	simm.s32 $0x0;
	s15 =	simm.s32 $0xE780;
	v3 =	vmul.f32 v28, v27;
	v11 =	vmul.f32 v63, v59;
	[tilespmem:s12+$0xFFFFFFC0] =	vst v9;
	v9 =	vld [tilespmem:s8+$0x50]  }
.LBB2_19:
0x263: {  	v14 =	vld [tilespmem:s15+$0x60];
	[tilespmem:s12+$0xFFFFFFE0] =	vst v12;
	v10 =	vadd.f32 v13, v10;
	v0 =	vmul.f32 v5, v0;
	s7 =	sadd.s32 $0x100, s7  }
0x264: {  	v5 =	vld [tilespmem:s7+$0x60];
	v1 =	vmul.f32 v6, v1  }
0x265: {  	v6 =	vld [tilespmem:s15+$0x70];
	[tilespmem:s12+$0xFFFFFFF0] =	vst v10;
	v0 =	vadd.f32 v0, v11;
	v3 =	vmul.f32 v7, v3  }
0x266: {  	s14 =	sadd.s32 $0x8, s14;
	s8 =	sadd.s32 $0x100, s8;
	v7 =	vld [tilespmem:s7+$0x70];
	v2 =	vmul.f32 v8, v2  }
0x267: {  	p1 =	slt.u32 s14, $0x78;
	v8 =	vld [tilespmem:s8+$0x60];
	[tilespmem:s12+$0x0] =	vst v0;
	v0 =	vadd.f32 v3, v1;
	v1 =	vmul.f32 v9, v4  }
0x268: {  	v3 =	vld [tilespmem:s8+$0x70]  }
0x269: {  	v9 =	vld [tilespmem:s7+$0xFFFFFF80];
	[tilespmem:s12+$0x10] =	vst v0;
	v0 =	vadd.f32 v1, v2  }
0x26a: {  	v1 =	vld [tilespmem:s15+$0xFFFFFF90]  }
0x26b: {  	v4 =	vmul.f32 v5, v14;
	v2 =	vld [tilespmem:s7+$0xFFFFFF90];
	v5 =	vmul.f32 v7, v6;
	[tilespmem:s12+$0x20] =	vst v0  }
0x26c: {  	v0 =	vld [tilespmem:s15+$0xFFFFFFA0]  }
0x26d: {  	v4 =	vmul.f32 v8, v4;
	v6 =	vld [tilespmem:s7+$0xFFFFFFA0];
	v3 =	vmul.f32 v3, v5  }
0x26e: {  	v5 =	vld [tilespmem:s15+$0xFFFFFFB0]  }
0x26f: {  	v7 =	vld [tilespmem:s7+$0xFFFFFFB0];
	v3 =	vadd.f32 v3, v4  }
0x270: {  	s12 =	sadd.s32 $0x80, s12;
	v8 =	vmul.f32 v2, v1;
	v1 =	vld [tilespmem:s15+$0xFFFFFFC0]  }
0x271: {  	v2 =	vld [tilespmem:s7+$0xFFFFFFC0];
	[tilespmem:s12+$0x30] =	vst v3  }
0x272: {  	v6 =	vmul.f32 v6, v0;
	v0 =	vld [tilespmem:s15+$0xFFFFFFD0]  }
0x273: {  	v3 =	vld [tilespmem:s7+$0xFFFFFFD0]  }
0x274: {  	v5 =	vmul.f32 v7, v5;
	v4 =	vld [tilespmem:s15+$0xFFFFFFE0]  }
0x275: {  	v7 =	vld [tilespmem:s7+$0xFFFFFFE0]  }
0x276: {  	v10 =	vmul.f32 v2, v1;
	v1 =	vld [tilespmem:s15+$0xFFFFFFF0]  }
0x277: {  	v2 =	vld [tilespmem:s7+$0xFFFFFFF0]  }
0x278: {  	v11 =	vmul.f32 v3, v0;
	v0 =	vld [tilespmem:s15+$0x0]  }
0x279: {  	v3 =	vld [tilespmem:s7+$0x0]  }
0x27a: {  	v7 =	vmul.f32 v7, v4;
	v4 =	vld [tilespmem:s15+$0x10]  }
0x27b: {  	v12 =	vld [tilespmem:s7+$0x10]  }
0x27c: {  	v13 =	vmul.f32 v2, v1;
	v1 =	vld [tilespmem:s15+$0x20]  }
0x27d: {  	v2 =	vld [tilespmem:s7+$0x20]  }
0x27e: {  	v14 =	vmul.f32 v3, v0;
	v3 =	vld [tilespmem:s15+$0x30]  }
0x27f: {  	v15 =	vld [tilespmem:s7+$0x30]  }
0x280: {  	v0 =	vmul.f32 v12, v4;
	v4 =	vld [tilespmem:s15+$0x40]  }
0x281: {  	v12 =	vld [tilespmem:s7+$0x40]  }
0x282: {  	v1 =	vmul.f32 v2, v1;
	v16 =	vld [tilespmem:s15+$0x50]  }
0x283: {  	v17 =	vld [tilespmem:s7+$0x50]  }
0x284: {  	v18 =	vld [tilespmem:s15+$0xFFFFFF80];
	v3 =	vmul.f32 v15, v3  }
0x285: {  	v15 =	vld [tilespmem:s8+$0xFFFFFF80]  }
0x286: {  	v19 =	vld [tilespmem:s8+$0xFFFFFF90];
	v2 =	vmul.f32 v12, v4  }
0x287: {  	v12 =	vld [tilespmem:s8+$0xFFFFFFA0]  }
0x288: {  	v20 =	vld [tilespmem:s8+$0xFFFFFFB0];
	v4 =	vmul.f32 v17, v16  }
0x289: {  	v9 =	vmul.f32 v9, v18;
	v16 =	vld [tilespmem:s8+$0xFFFFFFC0]  }
0x28a: {  	v17 =	vld [tilespmem:s8+$0xFFFFFFD0]  }
0x28b: {  	v9 =	vmul.f32 v15, v9;
	v8 =	vmul.f32 v19, v8;
	v15 =	vld [tilespmem:s8+$0xFFFFFFE0]  }
0x28c: {  	v6 =	vmul.f32 v12, v6;
	v18 =	vld [tilespmem:s8+$0xFFFFFFF0]  }
0x28d: {  	v8 =	vadd.f32 v8, v9;
	v9 =	vmul.f32 v20, v5;
	v19 =	vld [tilespmem:s8+$0x0]  }
.Ltmp8:
0x28e: {  	v12 =	vmul.f32 v16, v10;
	v5 =	vld [tilespmem:s8+$0x10];
	(pc) =	sbr.rel @p1 .LBB2_19-.Ltmp8, $4  }
0x28f: {  	[tilespmem:s12+$0xFFFFFFC0] =	vst v8;
	v8 =	vadd.f32 v9, v6;
	v9 =	vmul.f32 v17, v11;
	v6 =	vld [tilespmem:s8+$0x20]  }
0x290: {  	v10 =	vmul.f32 v15, v7;
	v7 =	vld [tilespmem:s8+$0x30]  }
0x291: {  	[tilespmem:s12+$0xFFFFFFD0] =	vst v8;
	v12 =	vadd.f32 v9, v12;
	v13 =	vmul.f32 v18, v13;
	v8 =	vld [tilespmem:s8+$0x40]  }
0x292: {  	s15 =	sadd.s32 $0x100, s15;
	v11 =	vmul.f32 v19, v14;
	v9 =	vld [tilespmem:s8+$0x50]  }
0x293: {  	_ =	sdelay $0x1  }
0x294: {  	v0 =	vmul.f32 v5, v0  }
0x295: {  	v62 =	vadd.f32 v13, v10;
	v1 =	vmul.f32 v6, v1;
	v3 =	vmul.f32 v7, v3  }
0x296: {  	[tilespmem:s12+$0xFFFFFFE0] =	vst v12;
	v0 =	vadd.f32 v0, v11;
	v2 =	vmul.f32 v8, v2;
	v4 =	vmul.f32 v9, v4  }
0x297: {  	s7 =	sadd.s32 s21, s11;
	[tilespmem:s12+$0xFFFFFFF0] =	vst v62;
	v1 =	vadd.f32 v3, v1  }
0x298: {  	s7 =	sshll.u32 s7, $0x1;
	[tilespmem:s12+$0x0] =	vst v0;
	v63 =	vadd.f32 v4, v2  }
0x299: {  	s7 =	sand.u32 $0x1FFFFE00, s7;
	[tilespmem:s12+$0x10] =	vst v1  }
0x29a: {  	s8 =	sadd.s32 s6, s7;
	s7 =	simm.s32 $0x0;
	[tilespmem:s12+$0x20] =	vst v63  }
0x29b: {  	[hbm4b:s8+s7] =	stream.linear.scatter [tilespmem:s31], [sflag:$0x7], $0x800, $0x38;
	[tilespmem:$0x1A600] =	vst v63  }
0x29c: {  	p1 =	por $0x1, $0x1;
	s8 =	sor.u32 $0x100, s21  }
.LBB2_21:
0x29d: {  	s16 =	sor.u32 s8, s7  }
0x29e: {  	v0 =	vld [tilespmem:s16+$0x0];
	s15 =	sor.u32 $0x10, s16  }
0x29f: {  	s12 =	sor.u32 $0x20, s16;
	v1 =	vld [tilespmem:s15+$0x0]  }
0x2a0: {  	s14 =	sor.u32 $0x30, s16;
	v2 =	vld [tilespmem:s12+$0x0]  }
0x2a1: {  	v3 =	vld [tilespmem:s14+$0x0];
	_ =	sdelay $0x2  }
0x2a2: {  	v0 =	vmul.f32 $6.553500000e+04, v0  }
0x2a3: {  	v1 =	vmul.f32 $6.553500000e+04, v1;
	v2 =	vmul.f32 $6.553500000e+04, v2  }
0x2a4: {  	v3 =	vmul.f32 $6.553500000e+04, v3;
	v0 =	vtrunc.f32 v0  }
0x2a5: {  	v0 =	vcvt.f32.s32 v0;
	v1 =	vtrunc.f32 v1  }
0x2a6: {  	v2 =	vtrunc.f32 v2;
	v1 =	vcvt.f32.s32 v1  }
0x2a7: {  	v3 =	vtrunc.f32 v3;
	v2 =	vcvt.f32.s32 v2;
	vm0 =	vgt.s32 v0, $0x0  }
0x2a8: {  	v3 =	vcvt.f32.s32 v3;
	v0 =	vnsel vm0, $0x0, v0;
	vm5 =	vgt.s32 v1, $0x0  }
0x2a9: {  	vm6 =	vgt.s32 v2, $0x0;
	v0 =	vmin.u32 v0, $0xFFFF;
	v1 =	vnsel vm5, $0x0, v1  }
0x2aa: {  	vm7 =	vgt.s32 v3, $0x0;
	v55 =	vnsel vm6, $0x0, v2;
	[tilespmem:s7+$0xC100] =	vst v0;
	v54 =	vmin.u32 v1, $0xFFFF  }
0x2ab: {  	v58 =	vnsel vm7, $0x0, v3;
	v57 =	vmin.u32 v55, $0xFFFF;
	v56 =	vld [tilespmem:s16+$0x4000];
	[tilespmem:s7+$0xC110] =	vst v54  }
0x2ac: {  	v60 =	vmin.u32 v58, $0xFFFF;
	[tilespmem:s7+$0xC120] =	vst v57;
	v59 =	vld [tilespmem:s15+$0x4000]  }
0x2ad: {  	[tilespmem:s7+$0xC130] =	vst v60;
	v61 =	vld [tilespmem:s12+$0x4000]  }
0x2ae: {  	v0 =	vld [tilespmem:s14+$0x4000];
	_ =	sdelay $0x1  }
0x2af: {  	v2 =	vmul.f32 $6.553600000e+04, v56  }
0x2b0: {  	v3 =	vmul.f32 $6.553600000e+04, v59  }
0x2b1: {  	v1 =	vmul.f32 $6.553600000e+04, v61;
	v2 =	vadd.f32 $-1.000000000e+00, v2  }
0x2b2: {  	v0 =	vmul.f32 $6.553600000e+04, v0;
	v3 =	vadd.f32 $-1.000000000e+00, v3  }
0x2b3: {  	v1 =	vadd.f32 $-1.000000000e+00, v1;
	v2 =	vtrunc.f32 v2  }
0x2b4: {  	v0 =	vadd.f32 $-1.000000000e+00, v0;
	v2 =	vcvt.f32.s32 v2;
	v3 =	vtrunc.f32 v3  }
0x2b5: {  	v1 =	vtrunc.f32 v1;
	v3 =	vcvt.f32.s32 v3  }
0x2b6: {  	v0 =	vtrunc.f32 v0;
	v1 =	vcvt.f32.s32 v1;
	vm8 =	vgt.s32 v2, $0x0  }
0x2b7: {  	v0 =	vcvt.f32.s32 v0;
	v2 =	vnsel vm8, $0x0, v2;
	vm9 =	vgt.s32 v3, $0x0  }
0x2b8: {  	vm10 =	vgt.s32 v1, $0x0;
	v2 =	vmin.u32 v2, $0xFFFF;
	v3 =	vnsel vm9, $0x0, v3  }
0x2b9: {  	vm11 =	vgt.s32 v0, $0x0;
	v1 =	vnsel vm10, $0x0, v1;
	[tilespmem:s7+$0xC300] =	vst v2;
	v62 =	vmin.u32 v3, $0xFFFF  }
0x2ba: {  	v0 =	vnsel vm11, $0x0, v0;
	v1 =	vmin.u32 v1, $0xFFFF;
	v63 =	vld [tilespmem:s16+$0x8000];
	[tilespmem:s7+$0xC310] =	vst v62  }
0x2bb: {  	v0 =	vmin.u32 v0, $0xFFFF;
	[tilespmem:s7+$0xC320] =	vst v1;
	v2 =	vld [tilespmem:s15+$0x8000]  }
0x2bc: {  	[tilespmem:s7+$0xC330] =	vst v0;
	v1 =	vld [tilespmem:s12+$0x8000]  }
0x2bd: {  	v0 =	vld [tilespmem:s14+$0x8000];
	_ =	sdelay $0x1  }
0x2be: {  	v3 =	vmul.f32 $6.553600000e+04, v63  }
0x2bf: {  	v2 =	vmul.f32 $6.553600000e+04, v2  }
0x2c0: {  	v1 =	vmul.f32 $6.553600000e+04, v1;
	v3 =	vadd.f32 $-1.000000000e+00, v3  }
0x2c1: {  	v0 =	vmul.f32 $6.553600000e+04, v0;
	v2 =	vadd.f32 $-1.000000000e+00, v2  }
0x2c2: {  	v1 =	vadd.f32 $-1.000000000e+00, v1;
	v3 =	vtrunc.f32 v3  }
0x2c3: {  	v0 =	vadd.f32 $-1.000000000e+00, v0;
	v3 =	vcvt.f32.s32 v3;
	v2 =	vtrunc.f32 v2  }
0x2c4: {  	v1 =	vtrunc.f32 v1;
	v2 =	vcvt.f32.s32 v2  }
0x2c5: {  	v0 =	vtrunc.f32 v0;
	v1 =	vcvt.f32.s32 v1;
	vm12 =	vgt.s32 v3, $0x0  }
0x2c6: {  	p2 =	por p1, p1;
	v0 =	vcvt.f32.s32 v0;
	v3 =	vnsel vm12, $0x0, v3;
	vm13 =	vgt.s32 v2, $0x0  }
.Ltmp9:
0x2c7: {  	vm14 =	vgt.s32 v1, $0x0;
	v3 =	vmin.u32 v3, $0xFFFF;
	v2 =	vnsel vm13, $0x0, v2;
	(pc) =	sbr.rel @p2 .LBB2_21-.Ltmp9, $4  }
0x2c8: {  	vm15 =	vgt.s32 v0, $0x0;
	v1 =	vnsel vm14, $0x0, v1;
	[tilespmem:s7+$0xC500] =	vst v3;
	v2 =	vmin.u32 v2, $0xFFFF  }
0x2c9: {  	v0 =	vnsel vm15, $0x0, v0;
	v1 =	vmin.u32 v1, $0xFFFF;
	[tilespmem:s7+$0xC510] =	vst v2  }
0x2ca: {  	v0 =	vmin.u32 v0, $0xFFFF;
	[tilespmem:s7+$0xC520] =	vst v1  }
0x2cb: {  	p1 =	por $0x0, $0x0;
	[tilespmem:s7+$0xC530] =	vst v0;
	s7 =	simm.s32 $0x40  }
0x2cc: {  	s7 =	simm.s32 $0xC100;
	s8 =	simm.s32 $0xE600  }
0x2cd: {  	[tilespmem:s8], [sflag:$0x3] =	stream.indirect.gather [hbm4b:s2+s22], $0x20, s7, s22, $0xb8;
	[tilespmem:$0x1A600] =	vst v63  }
0x2ce: {  	s12 =	simm.s32 $0x12600;
	s8 =	simm.s32 $0xC300  }
0x2cf: {  	[tilespmem:s12], [sflag:$0x3] =	stream.indirect.gather [hbm4b:s4+s22], $0x20, s8, s22, $0xb8;
	[tilespmem:$0x1A600] =	vst v63  }
0x2d0: {  	s14 =	simm.s32 $0xC500;
	s15 =	simm.s32 $0x16600  }
0x2d1: {  	[tilespmem:s15], [sflag:$0x3] =	stream.indirect.gather [hbm4b:s5+s22], $0x20, s14, s22, $0xb8;
	[tilespmem:$0x1A600] =	vst v63  }
0x2d2: {  	_ =	swait.ge [sflag:s1], $0x1000  }
0x2d3: {  	[sflag:s1] =	ssyncset.done $0x0  }
0x2d4: {  	[sflag:s1] =	ssyncadd.s32 $0xFFFFF000  }
0x2d5: {  	_ =	swait.ge [sflag:s1], $0x1000  }
0x2d6: {  	[sflag:s1] =	ssyncset.done $0x0  }
0x2d7: {  	[sflag:s1] =	ssyncadd.s32 $0xFFFFF000  }
0x2d8: {  	_ =	swait.ge [sflag:s1], $0x1000  }
0x2d9: {  	[sflag:s1] =	ssyncset.done $0x0  }
0x2da: {  	s7 =	simm.s32 @!p0 $0x8;
	[sflag:s1] =	ssyncadd.s32 $0xFFFFF000  }
0x2db: {  	_ =	swait.ge @!p0 [sflag:s7], $0x800  }
0x2dc: {  	[sflag:s7] =	ssyncset.done @!p0 $0x0  }
0x2dd: {  	s16 =	simm.s32 $0xF680;
	[sflag:s7] =	ssyncadd.s32 @!p0 $0xFFFFF800  }
0x2de: {  	s8 =	simm.s32 $0x13680;
	v0 =	vld [tilespmem:s16+$0x60]  }
0x2df: {  	v1 =	vld [tilespmem:s8+$0x60]  }
0x2e0: {  	v2 =	vld [tilespmem:s16+$0x70]  }
0x2e1: {  	s12 =	simm.s32 $0x17680;
	v3 =	vld [tilespmem:s8+$0x70]  }
0x2e2: {  	v4 =	vld [tilespmem:s12+$0x60]  }
0x2e3: {  	v5 =	vld [tilespmem:s12+$0x70]  }
0x2e4: {  	v6 =	vld [tilespmem:s8+$0xFFFFFF80]  }
0x2e5: {  	v7 =	vld [tilespmem:s16+$0xFFFFFF90]  }
0x2e6: {  	v8 =	vld [tilespmem:s8+$0xFFFFFF90]  }
0x2e7: {  	v9 =	vld [tilespmem:s16+$0xFFFFFFA0]  }
0x2e8: {  	v10 =	vld [tilespmem:s8+$0xFFFFFFA0]  }
0x2e9: {  	v11 =	vld [tilespmem:s16+$0xFFFFFFB0]  }
0x2ea: {  	v12 =	vld [tilespmem:s8+$0xFFFFFFB0]  }
0x2eb: {  	v13 =	vld [tilespmem:s16+$0xFFFFFFC0]  }
0x2ec: {  	v14 =	vld [tilespmem:s8+$0xFFFFFFC0]  }
0x2ed: {  	v15 =	vld [tilespmem:s16+$0xFFFFFFD0]  }
0x2ee: {  	v16 =	vld [tilespmem:s8+$0xFFFFFFD0]  }
0x2ef: {  	v17 =	vld [tilespmem:s16+$0xFFFFFFE0]  }
0x2f0: {  	v18 =	vld [tilespmem:s8+$0xFFFFFFE0]  }
0x2f1: {  	v19 =	vld [tilespmem:s16+$0xFFFFFFF0]  }
0x2f2: {  	v20 =	vld [tilespmem:s8+$0xFFFFFFF0]  }
0x2f3: {  	v21 =	vld [tilespmem:s16+$0x0]  }
0x2f4: {  	v22 =	vld [tilespmem:s8+$0x0]  }
0x2f5: {  	v23 =	vld [tilespmem:s16+$0x10]  }
0x2f6: {  	v24 =	vld [tilespmem:s8+$0x10]  }
0x2f7: {  	v25 =	vld [tilespmem:s16+$0x20]  }
0x2f8: {  	v26 =	vld [tilespmem:s8+$0x20]  }
0x2f9: {  	v27 =	vld [tilespmem:s16+$0x30]  }
0x2fa: {  	v28 =	vld [tilespmem:s8+$0x30]  }
0x2fb: {  	v29 =	vld [tilespmem:s16+$0x40]  }
0x2fc: {  	v30 =	vld [tilespmem:s8+$0x40]  }
0x2fd: {  	v31 =	vld [tilespmem:s16+$0x50]  }
0x2fe: {  	v32 =	vld [tilespmem:s8+$0x50]  }
0x2ff: {  	v33 =	vld [tilespmem:s12+$0xFFFFFF90];
	v0 =	vmul.f32 v1, v0  }
0x300: {  	v1 =	vld [tilespmem:s16+$0xFFFFFF80];
	v2 =	vmul.f32 v3, v2  }
0x301: {  	v3 =	vld [tilespmem:s12+$0xFFFFFF80];
	v59 =	vmul.f32 v22, v21;
	v4 =	vmul.f32 v4, v0  }
0x302: {  	v2 =	vmul.f32 v5, v2;
	v5 =	vmul.f32 v8, v7;
	v7 =	vld [tilespmem:s12+$0xFFFFFFA0]  }
0x303: {  	v8 =	vmul.f32 v10, v9;
	v9 =	vmul.f32 v12, v11;
	v10 =	vld [tilespmem:s12+$0xFFFFFFB0]  }
0x304: {  	v58 =	vld [tilespmem:s12+$0xFFFFFFD0];
	v11 =	vmul.f32 v14, v13;
	v12 =	vmul.f32 v16, v15  }
0x305: {  	v13 =	vld [tilespmem:s12+$0xFFFFFFC0];
	v14 =	vmul.f32 v18, v17;
	v6 =	vmul.f32 v6, v1  }
0x306: {  	v60 =	vld [tilespmem:s12+$0xFFFFFFE0];
	v15 =	vmul.f32 v20, v19;
	v0 =	vmul.f32 v24, v23  }
0x307: {  	v61 =	vld [tilespmem:s12+$0xFFFFFFF0];
	v62 =	vmul.f32 v33, v5;
	v6 =	vmul.f32 v3, v6  }
0x308: {  	v63 =	vld [tilespmem:s12+$0x0];
	v7 =	vmul.f32 v7, v8;
	v8 =	vmul.f32 v10, v9  }
0x309: {  	v4 =	vadd.f32 v2, v4;
	v5 =	vld [tilespmem:s12+$0x10];
	v2 =	vmul.f32 v30, v29;
	v12 =	vmul.f32 v58, v12  }
0x30a: {  	s14 =	simm.s32 $0x19E40;
	v11 =	vmul.f32 v13, v11;
	v9 =	vadd.f32 v62, v6;
	v6 =	vld [tilespmem:s12+$0x20];
	v13 =	vadd.f32 v8, v7  }
0x30b: {  	v1 =	vmul.f32 v26, v25;
	[tilespmem:s14+$0x30] =	vst v4;
	v4 =	vmul.f32 v32, v31;
	v7 =	vld [tilespmem:s12+$0x30]  }
0x30c: {  	v10 =	vmul.f32 v60, v14;
	v8 =	vld [tilespmem:s12+$0x40];
	v12 =	vadd.f32 v12, v11;
	[tilespmem:s14+$0xFFFFFFD0] =	vst v13;
	v13 =	vmul.f32 v61, v15  }
0x30d: {  	s15 =	simm.s32 $0x0;
	s7 =	sor.u32 $0x180, s21;
	s16 =	simm.s32 $0xF780;
	v3 =	vmul.f32 v28, v27;
	v11 =	vmul.f32 v63, v59;
	[tilespmem:s14+$0xFFFFFFC0] =	vst v9;
	v9 =	vld [tilespmem:s12+$0x50]  }
.LBB2_23:
0x30e: {  	v14 =	vld [tilespmem:s16+$0x60];
	[tilespmem:s14+$0xFFFFFFE0] =	vst v12;
	v10 =	vadd.f32 v13, v10;
	v0 =	vmul.f32 v5, v0;
	s8 =	sadd.s32 $0x100, s8  }
0x30f: {  	v5 =	vld [tilespmem:s8+$0x60];
	v1 =	vmul.f32 v6, v1  }
0x310: {  	v6 =	vld [tilespmem:s16+$0x70];
	[tilespmem:s14+$0xFFFFFFF0] =	vst v10;
	v0 =	vadd.f32 v0, v11;
	v3 =	vmul.f32 v7, v3  }
0x311: {  	s15 =	sadd.s32 $0x8, s15;
	s12 =	sadd.s32 $0x100, s12;
	v7 =	vld [tilespmem:s8+$0x70];
	v2 =	vmul.f32 v8, v2  }
0x312: {  	p0 =	slt.u32 s15, $0x78;
	v8 =	vld [tilespmem:s12+$0x60];
	[tilespmem:s14+$0x0] =	vst v0;
	v0 =	vadd.f32 v3, v1;
	v1 =	vmul.f32 v9, v4  }
0x313: {  	v3 =	vld [tilespmem:s12+$0x70]  }
0x314: {  	v9 =	vld [tilespmem:s8+$0xFFFFFF80];
	[tilespmem:s14+$0x10] =	vst v0;
	v0 =	vadd.f32 v1, v2  }
0x315: {  	v1 =	vld [tilespmem:s16+$0xFFFFFF90]  }
0x316: {  	v4 =	vmul.f32 v5, v14;
	v2 =	vld [tilespmem:s8+$0xFFFFFF90];
	v5 =	vmul.f32 v7, v6;
	[tilespmem:s14+$0x20] =	vst v0  }
0x317: {  	v0 =	vld [tilespmem:s16+$0xFFFFFFA0]  }
0x318: {  	v4 =	vmul.f32 v8, v4;
	v6 =	vld [tilespmem:s8+$0xFFFFFFA0];
	v3 =	vmul.f32 v3, v5  }
0x319: {  	v5 =	vld [tilespmem:s16+$0xFFFFFFB0]  }
0x31a: {  	v7 =	vld [tilespmem:s8+$0xFFFFFFB0];
	v3 =	vadd.f32 v3, v4  }
0x31b: {  	s14 =	sadd.s32 $0x80, s14;
	v8 =	vmul.f32 v2, v1;
	v1 =	vld [tilespmem:s16+$0xFFFFFFC0]  }
0x31c: {  	v2 =	vld [tilespmem:s8+$0xFFFFFFC0];
	[tilespmem:s14+$0x30] =	vst v3  }
0x31d: {  	v6 =	vmul.f32 v6, v0;
	v0 =	vld [tilespmem:s16+$0xFFFFFFD0]  }
0x31e: {  	v3 =	vld [tilespmem:s8+$0xFFFFFFD0]  }
0x31f: {  	v5 =	vmul.f32 v7, v5;
	v4 =	vld [tilespmem:s16+$0xFFFFFFE0]  }
0x320: {  	v7 =	vld [tilespmem:s8+$0xFFFFFFE0]  }
0x321: {  	v10 =	vmul.f32 v2, v1;
	v1 =	vld [tilespmem:s16+$0xFFFFFFF0]  }
0x322: {  	v2 =	vld [tilespmem:s8+$0xFFFFFFF0]  }
0x323: {  	v11 =	vmul.f32 v3, v0;
	v0 =	vld [tilespmem:s16+$0x0]  }
0x324: {  	v3 =	vld [tilespmem:s8+$0x0]  }
0x325: {  	v7 =	vmul.f32 v7, v4;
	v4 =	vld [tilespmem:s16+$0x10]  }
0x326: {  	v12 =	vld [tilespmem:s8+$0x10]  }
0x327: {  	v13 =	vmul.f32 v2, v1;
	v1 =	vld [tilespmem:s16+$0x20]  }
0x328: {  	v2 =	vld [tilespmem:s8+$0x20]  }
0x329: {  	v14 =	vmul.f32 v3, v0;
	v3 =	vld [tilespmem:s16+$0x30]  }
0x32a: {  	v15 =	vld [tilespmem:s8+$0x30]  }
0x32b: {  	v0 =	vmul.f32 v12, v4;
	v4 =	vld [tilespmem:s16+$0x40]  }
0x32c: {  	v12 =	vld [tilespmem:s8+$0x40]  }
0x32d: {  	v1 =	vmul.f32 v2, v1;
	v16 =	vld [tilespmem:s16+$0x50]  }
0x32e: {  	v17 =	vld [tilespmem:s8+$0x50]  }
0x32f: {  	v18 =	vld [tilespmem:s16+$0xFFFFFF80];
	v3 =	vmul.f32 v15, v3  }
0x330: {  	v15 =	vld [tilespmem:s12+$0xFFFFFF80]  }
0x331: {  	v19 =	vld [tilespmem:s12+$0xFFFFFF90];
	v2 =	vmul.f32 v12, v4  }
0x332: {  	v12 =	vld [tilespmem:s12+$0xFFFFFFA0]  }
0x333: {  	v20 =	vld [tilespmem:s12+$0xFFFFFFB0];
	v4 =	vmul.f32 v17, v16  }
0x334: {  	v9 =	vmul.f32 v9, v18;
	v16 =	vld [tilespmem:s12+$0xFFFFFFC0]  }
0x335: {  	v17 =	vld [tilespmem:s12+$0xFFFFFFD0]  }
0x336: {  	v9 =	vmul.f32 v15, v9;
	v8 =	vmul.f32 v19, v8;
	v15 =	vld [tilespmem:s12+$0xFFFFFFE0]  }
0x337: {  	v6 =	vmul.f32 v12, v6;
	v18 =	vld [tilespmem:s12+$0xFFFFFFF0]  }
0x338: {  	v8 =	vadd.f32 v8, v9;
	v9 =	vmul.f32 v20, v5;
	v19 =	vld [tilespmem:s12+$0x0]  }
.Ltmp10:
0x339: {  	v12 =	vmul.f32 v16, v10;
	v5 =	vld [tilespmem:s12+$0x10];
	(pc) =	sbr.rel @p0 .LBB2_23-.Ltmp10, $4  }
0x33a: {  	[tilespmem:s14+$0xFFFFFFC0] =	vst v8;
	v8 =	vadd.f32 v9, v6;
	v9 =	vmul.f32 v17, v11;
	v6 =	vld [tilespmem:s12+$0x20]  }
0x33b: {  	v10 =	vmul.f32 v15, v7;
	v7 =	vld [tilespmem:s12+$0x30]  }
0x33c: {  	[tilespmem:s14+$0xFFFFFFD0] =	vst v8;
	v12 =	vadd.f32 v9, v12;
	v13 =	vmul.f32 v18, v13;
	v8 =	vld [tilespmem:s12+$0x40]  }
0x33d: {  	s16 =	sadd.s32 $0x100, s16;
	v11 =	vmul.f32 v19, v14;
	v9 =	vld [tilespmem:s12+$0x50]  }
0x33e: {  	_ =	sdelay $0x1  }
0x33f: {  	v0 =	vmul.f32 v5, v0  }
0x340: {  	v62 =	vadd.f32 v13, v10;
	v1 =	vmul.f32 v6, v1;
	v3 =	vmul.f32 v7, v3  }
0x341: {  	[tilespmem:s14+$0xFFFFFFE0] =	vst v12;
	v0 =	vadd.f32 v0, v11;
	v2 =	vmul.f32 v8, v2;
	v4 =	vmul.f32 v9, v4  }
0x342: {  	s8 =	sadd.s32 s21, s13;
	[tilespmem:s14+$0xFFFFFFF0] =	vst v62;
	v1 =	vadd.f32 v3, v1  }
0x343: {  	s8 =	sshll.u32 s8, $0x1;
	[tilespmem:s14+$0x0] =	vst v0;
	v63 =	vadd.f32 v4, v2  }
0x344: {  	s8 =	sand.u32 $0x1FFFFF00, s8;
	[tilespmem:s14+$0x10] =	vst v1  }
0x345: {  	p0 =	por $0x1, $0x1;
	s12 =	sadd.s32 s6, s8;
	s8 =	simm.s32 $0x0;
	[tilespmem:s14+$0x20] =	vst v63  }
0x346: {  	[hbm4b:s12+s8] =	stream.linear.scatter [tilespmem:s0], [sflag:$0x8], $0x800, $0x38;
	[tilespmem:$0x1A600] =	vst v63  }
.LBB2_25:
0x347: {  	s16 =	sor.u32 s7, s8  }
0x348: {  	v0 =	vld [tilespmem:s16+$0x0];
	s15 =	sor.u32 $0x10, s16  }
0x349: {  	s12 =	sor.u32 $0x20, s16;
	v1 =	vld [tilespmem:s15+$0x0]  }
0x34a: {  	s14 =	sor.u32 $0x30, s16;
	v2 =	vld [tilespmem:s12+$0x0]  }
0x34b: {  	v3 =	vld [tilespmem:s14+$0x0];
	_ =	sdelay $0x2  }
0x34c: {  	v0 =	vmul.f32 $6.553500000e+04, v0  }
0x34d: {  	v1 =	vmul.f32 $6.553500000e+04, v1;
	v2 =	vmul.f32 $6.553500000e+04, v2  }
0x34e: {  	v3 =	vmul.f32 $6.553500000e+04, v3;
	v0 =	vtrunc.f32 v0  }
0x34f: {  	v0 =	vcvt.f32.s32 v0;
	v1 =	vtrunc.f32 v1  }
0x350: {  	v2 =	vtrunc.f32 v2;
	v1 =	vcvt.f32.s32 v1  }
0x351: {  	v3 =	vtrunc.f32 v3;
	v2 =	vcvt.f32.s32 v2;
	vm0 =	vgt.s32 v0, $0x0  }
0x352: {  	v3 =	vcvt.f32.s32 v3;
	v0 =	vnsel vm0, $0x0, v0;
	vm5 =	vgt.s32 v1, $0x0  }
0x353: {  	vm6 =	vgt.s32 v2, $0x0;
	v0 =	vmin.u32 v0, $0xFFFF;
	v1 =	vnsel vm5, $0x0, v1  }
0x354: {  	vm7 =	vgt.s32 v3, $0x0;
	v55 =	vnsel vm6, $0x0, v2;
	[tilespmem:s8+$0xC180] =	vst v0;
	v54 =	vmin.u32 v1, $0xFFFF  }
0x355: {  	v58 =	vnsel vm7, $0x0, v3;
	v57 =	vmin.u32 v55, $0xFFFF;
	v56 =	vld [tilespmem:s16+$0x4000];
	[tilespmem:s8+$0xC190] =	vst v54  }
0x356: {  	v60 =	vmin.u32 v58, $0xFFFF;
	[tilespmem:s8+$0xC1A0] =	vst v57;
	v59 =	vld [tilespmem:s15+$0x4000]  }
0x357: {  	[tilespmem:s8+$0xC1B0] =	vst v60;
	v61 =	vld [tilespmem:s12+$0x4000]  }
0x358: {  	v0 =	vld [tilespmem:s14+$0x4000];
	_ =	sdelay $0x1  }
0x359: {  	v2 =	vmul.f32 $6.553600000e+04, v56  }
0x35a: {  	v3 =	vmul.f32 $6.553600000e+04, v59  }
0x35b: {  	v1 =	vmul.f32 $6.553600000e+04, v61;
	v2 =	vadd.f32 $-1.000000000e+00, v2  }
0x35c: {  	v0 =	vmul.f32 $6.553600000e+04, v0;
	v3 =	vadd.f32 $-1.000000000e+00, v3  }
0x35d: {  	v1 =	vadd.f32 $-1.000000000e+00, v1;
	v2 =	vtrunc.f32 v2  }
0x35e: {  	v0 =	vadd.f32 $-1.000000000e+00, v0;
	v2 =	vcvt.f32.s32 v2;
	v3 =	vtrunc.f32 v3  }
0x35f: {  	v1 =	vtrunc.f32 v1;
	v3 =	vcvt.f32.s32 v3  }
0x360: {  	v0 =	vtrunc.f32 v0;
	v1 =	vcvt.f32.s32 v1;
	vm8 =	vgt.s32 v2, $0x0  }
0x361: {  	v0 =	vcvt.f32.s32 v0;
	v2 =	vnsel vm8, $0x0, v2;
	vm9 =	vgt.s32 v3, $0x0  }
0x362: {  	vm10 =	vgt.s32 v1, $0x0;
	v2 =	vmin.u32 v2, $0xFFFF;
	v3 =	vnsel vm9, $0x0, v3  }
0x363: {  	vm11 =	vgt.s32 v0, $0x0;
	v1 =	vnsel vm10, $0x0, v1;
	[tilespmem:s8+$0xC380] =	vst v2;
	v62 =	vmin.u32 v3, $0xFFFF  }
0x364: {  	v0 =	vnsel vm11, $0x0, v0;
	v1 =	vmin.u32 v1, $0xFFFF;
	v63 =	vld [tilespmem:s16+$0x8000];
	[tilespmem:s8+$0xC390] =	vst v62  }
0x365: {  	v0 =	vmin.u32 v0, $0xFFFF;
	[tilespmem:s8+$0xC3A0] =	vst v1;
	v2 =	vld [tilespmem:s15+$0x8000]  }
0x366: {  	[tilespmem:s8+$0xC3B0] =	vst v0;
	v1 =	vld [tilespmem:s12+$0x8000]  }
0x367: {  	v0 =	vld [tilespmem:s14+$0x8000];
	_ =	sdelay $0x1  }
0x368: {  	v3 =	vmul.f32 $6.553600000e+04, v63  }
0x369: {  	v2 =	vmul.f32 $6.553600000e+04, v2  }
0x36a: {  	v1 =	vmul.f32 $6.553600000e+04, v1;
	v3 =	vadd.f32 $-1.000000000e+00, v3  }
0x36b: {  	v0 =	vmul.f32 $6.553600000e+04, v0;
	v2 =	vadd.f32 $-1.000000000e+00, v2  }
0x36c: {  	v1 =	vadd.f32 $-1.000000000e+00, v1;
	v3 =	vtrunc.f32 v3  }
0x36d: {  	v0 =	vadd.f32 $-1.000000000e+00, v0;
	v3 =	vcvt.f32.s32 v3;
	v2 =	vtrunc.f32 v2  }
0x36e: {  	v1 =	vtrunc.f32 v1;
	v2 =	vcvt.f32.s32 v2  }
0x36f: {  	v0 =	vtrunc.f32 v0;
	v1 =	vcvt.f32.s32 v1;
	vm12 =	vgt.s32 v3, $0x0  }
0x370: {  	p1 =	por p0, p0;
	v0 =	vcvt.f32.s32 v0;
	v3 =	vnsel vm12, $0x0, v3;
	vm13 =	vgt.s32 v2, $0x0  }
.Ltmp11:
0x371: {  	vm14 =	vgt.s32 v1, $0x0;
	v3 =	vmin.u32 v3, $0xFFFF;
	v2 =	vnsel vm13, $0x0, v2;
	(pc) =	sbr.rel @p1 .LBB2_25-.Ltmp11, $4  }
0x372: {  	vm15 =	vgt.s32 v0, $0x0;
	v1 =	vnsel vm14, $0x0, v1;
	[tilespmem:s8+$0xC580] =	vst v3;
	v2 =	vmin.u32 v2, $0xFFFF  }
0x373: {  	v0 =	vnsel vm15, $0x0, v0;
	v1 =	vmin.u32 v1, $0xFFFF;
	[tilespmem:s8+$0xC590] =	vst v2  }
0x374: {  	v0 =	vmin.u32 v0, $0xFFFF;
	[tilespmem:s8+$0xC5A0] =	vst v1  }
0x375: {  	p0 =	por $0x0, $0x0;
	[tilespmem:s8+$0xC5B0] =	vst v0;
	s8 =	simm.s32 $0x40  }
0x376: {  	[tilespmem:s18], [sflag:$0x4] =	stream.indirect.gather [hbm4b:s2+s22], $0x20, s17, s22, $0xb8;
	[tilespmem:$0x1A600] =	vst v63  }
0x377: {  	s20 =	sadd.s32 $0x1, s20  }
0x378: {  	p0 =	sne.s32 s20, $0x20  }
.Ltmp12:
0x379: {  	_ = 	snop;
	(pc) =	sbr.rel @p0 .LBB2_10-.Ltmp12, $4  }
0x37a: {  	_ = 	snop  }
0x37b: {  	[tilespmem:s19], [sflag:$0x4] =	stream.indirect.gather [hbm4b:s4+s22], $0x20, s3, s22, $0xb8;
	[tilespmem:$0x1A600] =	vst v63  }
0x37c: {  	_ = 	snop  }
0x37d: {  	[tilespmem:s24], [sflag:$0x4] =	stream.indirect.gather [hbm4b:s5+s22], $0x20, s23, s22, $0xb8;
	[tilespmem:$0x1A600] =	vst v63  }
0x37e: {  	_ =	swait.ge [sflag:s25], $0x1000  }
0x37f: {  	[sflag:s25] =	ssyncset.done $0x0  }
0x380: {  	[sflag:s25] =	ssyncadd.s32 $0xFFFFF000  }
0x381: {  	_ =	swait.ge [sflag:s25], $0x1000  }
0x382: {  	[sflag:s25] =	ssyncset.done $0x0  }
0x383: {  	[sflag:s25] =	ssyncadd.s32 $0xFFFFF000  }
0x384: {  	_ =	swait.ge [sflag:s25], $0x1000  }
0x385: {  	[sflag:s25] =	ssyncset.done $0x0  }
0x386: {  	s20 =	simm.s32 $0x5;
	[sflag:s25] =	ssyncadd.s32 $0xFFFFF000  }
0x387: {  	_ =	swait.ge [sflag:s20], $0x800  }
0x388: {  	[sflag:s20] =	ssyncset.done $0x0  }
0x389: {  	s12 =	simm.s32 $0xC680;
	[sflag:s20] =	ssyncadd.s32 $0xFFFFF800  }
0x38a: {  	s7 =	simm.s32 $0x10680;
	v0 =	vld [tilespmem:s12+$0x60]  }
0x38b: {  	v1 =	vld [tilespmem:s7+$0x60]  }
0x38c: {  	v2 =	vld [tilespmem:s12+$0x70]  }
0x38d: {  	s8 =	simm.s32 $0x14680;
	v3 =	vld [tilespmem:s7+$0x70]  }
0x38e: {  	v4 =	vld [tilespmem:s8+$0x60]  }
0x38f: {  	v5 =	vld [tilespmem:s8+$0x70]  }
0x390: {  	v6 =	vld [tilespmem:s7+$0xFFFFFF80]  }
0x391: {  	v7 =	vld [tilespmem:s12+$0xFFFFFF90]  }
0x392: {  	v8 =	vld [tilespmem:s7+$0xFFFFFF90]  }
0x393: {  	v9 =	vld [tilespmem:s12+$0xFFFFFFA0]  }
0x394: {  	v10 =	vld [tilespmem:s7+$0xFFFFFFA0]  }
0x395: {  	v11 =	vld [tilespmem:s12+$0xFFFFFFB0]  }
0x396: {  	v12 =	vld [tilespmem:s7+$0xFFFFFFB0]  }
0x397: {  	v13 =	vld [tilespmem:s12+$0xFFFFFFC0]  }
0x398: {  	v14 =	vld [tilespmem:s7+$0xFFFFFFC0]  }
0x399: {  	v15 =	vld [tilespmem:s12+$0xFFFFFFD0]  }
0x39a: {  	v16 =	vld [tilespmem:s7+$0xFFFFFFD0]  }
0x39b: {  	v17 =	vld [tilespmem:s12+$0xFFFFFFE0]  }
0x39c: {  	v18 =	vld [tilespmem:s7+$0xFFFFFFE0]  }
0x39d: {  	v19 =	vld [tilespmem:s12+$0xFFFFFFF0]  }
0x39e: {  	v20 =	vld [tilespmem:s7+$0xFFFFFFF0]  }
0x39f: {  	v21 =	vld [tilespmem:s12+$0x0]  }
0x3a0: {  	v22 =	vld [tilespmem:s7+$0x0]  }
0x3a1: {  	v23 =	vld [tilespmem:s12+$0x10]  }
0x3a2: {  	v24 =	vld [tilespmem:s7+$0x10]  }
0x3a3: {  	v25 =	vld [tilespmem:s12+$0x20]  }
0x3a4: {  	v26 =	vld [tilespmem:s7+$0x20]  }
0x3a5: {  	v27 =	vld [tilespmem:s12+$0x30]  }
0x3a6: {  	v28 =	vld [tilespmem:s7+$0x30]  }
0x3a7: {  	v29 =	vld [tilespmem:s12+$0x40]  }
0x3a8: {  	v30 =	vld [tilespmem:s7+$0x40]  }
0x3a9: {  	v31 =	vld [tilespmem:s12+$0x50]  }
0x3aa: {  	v32 =	vld [tilespmem:s7+$0x50]  }
0x3ab: {  	v33 =	vld [tilespmem:s8+$0xFFFFFF90];
	v0 =	vmul.f32 v1, v0  }
0x3ac: {  	v1 =	vld [tilespmem:s12+$0xFFFFFF80];
	v2 =	vmul.f32 v3, v2  }
0x3ad: {  	v3 =	vld [tilespmem:s8+$0xFFFFFF80];
	v59 =	vmul.f32 v22, v21;
	v4 =	vmul.f32 v4, v0  }
0x3ae: {  	v2 =	vmul.f32 v5, v2;
	v5 =	vmul.f32 v8, v7;
	v7 =	vld [tilespmem:s8+$0xFFFFFFA0]  }
0x3af: {  	v8 =	vmul.f32 v10, v9;
	v9 =	vmul.f32 v12, v11;
	v10 =	vld [tilespmem:s8+$0xFFFFFFB0]  }
0x3b0: {  	v58 =	vld [tilespmem:s8+$0xFFFFFFD0];
	v11 =	vmul.f32 v14, v13;
	v12 =	vmul.f32 v16, v15  }
0x3b1: {  	v13 =	vld [tilespmem:s8+$0xFFFFFFC0];
	v14 =	vmul.f32 v18, v17;
	v6 =	vmul.f32 v6, v1  }
0x3b2: {  	v60 =	vld [tilespmem:s8+$0xFFFFFFE0];
	v15 =	vmul.f32 v20, v19;
	v0 =	vmul.f32 v24, v23  }
0x3b3: {  	v61 =	vld [tilespmem:s8+$0xFFFFFFF0];
	v62 =	vmul.f32 v33, v5;
	v6 =	vmul.f32 v3, v6  }
0x3b4: {  	v63 =	vld [tilespmem:s8+$0x0];
	v7 =	vmul.f32 v7, v8;
	v8 =	vmul.f32 v10, v9  }
0x3b5: {  	v4 =	vadd.f32 v2, v4;
	v5 =	vld [tilespmem:s8+$0x10];
	v2 =	vmul.f32 v30, v29;
	v12 =	vmul.f32 v58, v12  }
0x3b6: {  	s12 =	simm.s32 $0x18640;
	v11 =	vmul.f32 v13, v11;
	v9 =	vadd.f32 v62, v6;
	v6 =	vld [tilespmem:s8+$0x20];
	v13 =	vadd.f32 v8, v7  }
0x3b7: {  	v1 =	vmul.f32 v26, v25;
	[tilespmem:s12+$0x30] =	vst v4;
	v4 =	vmul.f32 v32, v31;
	v7 =	vld [tilespmem:s8+$0x30]  }
0x3b8: {  	v10 =	vmul.f32 v60, v14;
	v8 =	vld [tilespmem:s8+$0x40];
	v12 =	vadd.f32 v12, v11;
	[tilespmem:s12+$0xFFFFFFD0] =	vst v13;
	v13 =	vmul.f32 v61, v15  }
0x3b9: {  	s14 =	simm.s32 $0x0;
	s15 =	simm.s32 $0xC780;
	v3 =	vmul.f32 v28, v27;
	v11 =	vmul.f32 v63, v59;
	[tilespmem:s12+$0xFFFFFFC0] =	vst v9;
	v9 =	vld [tilespmem:s8+$0x50]  }
.LBB2_28:
0x3ba: {  	v14 =	vld [tilespmem:s15+$0x60];
	[tilespmem:s12+$0xFFFFFFE0] =	vst v12;
	v10 =	vadd.f32 v13, v10;
	v0 =	vmul.f32 v5, v0;
	s7 =	sadd.s32 $0x100, s7  }
0x3bb: {  	v5 =	vld [tilespmem:s7+$0x60];
	v1 =	vmul.f32 v6, v1  }
0x3bc: {  	v6 =	vld [tilespmem:s15+$0x70];
	[tilespmem:s12+$0xFFFFFFF0] =	vst v10;
	v0 =	vadd.f32 v0, v11;
	v3 =	vmul.f32 v7, v3  }
0x3bd: {  	s14 =	sadd.s32 $0x8, s14;
	s8 =	sadd.s32 $0x100, s8;
	v7 =	vld [tilespmem:s7+$0x70];
	v2 =	vmul.f32 v8, v2  }
0x3be: {  	p0 =	slt.u32 s14, $0x78;
	v8 =	vld [tilespmem:s8+$0x60];
	[tilespmem:s12+$0x0] =	vst v0;
	v0 =	vadd.f32 v3, v1;
	v1 =	vmul.f32 v9, v4  }
0x3bf: {  	v3 =	vld [tilespmem:s8+$0x70]  }
0x3c0: {  	v9 =	vld [tilespmem:s7+$0xFFFFFF80];
	[tilespmem:s12+$0x10] =	vst v0;
	v0 =	vadd.f32 v1, v2  }
0x3c1: {  	v1 =	vld [tilespmem:s15+$0xFFFFFF90]  }
0x3c2: {  	v4 =	vmul.f32 v5, v14;
	v2 =	vld [tilespmem:s7+$0xFFFFFF90];
	v5 =	vmul.f32 v7, v6;
	[tilespmem:s12+$0x20] =	vst v0  }
0x3c3: {  	v0 =	vld [tilespmem:s15+$0xFFFFFFA0]  }
0x3c4: {  	v4 =	vmul.f32 v8, v4;
	v6 =	vld [tilespmem:s7+$0xFFFFFFA0];
	v3 =	vmul.f32 v3, v5  }
0x3c5: {  	v5 =	vld [tilespmem:s15+$0xFFFFFFB0]  }
0x3c6: {  	v7 =	vld [tilespmem:s7+$0xFFFFFFB0];
	v3 =	vadd.f32 v3, v4  }
0x3c7: {  	s12 =	sadd.s32 $0x80, s12;
	v8 =	vmul.f32 v2, v1;
	v1 =	vld [tilespmem:s15+$0xFFFFFFC0]  }
0x3c8: {  	v2 =	vld [tilespmem:s7+$0xFFFFFFC0];
	[tilespmem:s12+$0x30] =	vst v3  }
0x3c9: {  	v6 =	vmul.f32 v6, v0;
	v0 =	vld [tilespmem:s15+$0xFFFFFFD0]  }
0x3ca: {  	v3 =	vld [tilespmem:s7+$0xFFFFFFD0]  }
0x3cb: {  	v5 =	vmul.f32 v7, v5;
	v4 =	vld [tilespmem:s15+$0xFFFFFFE0]  }
0x3cc: {  	v7 =	vld [tilespmem:s7+$0xFFFFFFE0]  }
0x3cd: {  	v10 =	vmul.f32 v2, v1;
	v1 =	vld [tilespmem:s15+$0xFFFFFFF0]  }
0x3ce: {  	v2 =	vld [tilespmem:s7+$0xFFFFFFF0]  }
0x3cf: {  	v11 =	vmul.f32 v3, v0;
	v0 =	vld [tilespmem:s15+$0x0]  }
0x3d0: {  	v3 =	vld [tilespmem:s7+$0x0]  }
0x3d1: {  	v7 =	vmul.f32 v7, v4;
	v4 =	vld [tilespmem:s15+$0x10]  }
0x3d2: {  	v12 =	vld [tilespmem:s7+$0x10]  }
0x3d3: {  	v13 =	vmul.f32 v2, v1;
	v1 =	vld [tilespmem:s15+$0x20]  }
0x3d4: {  	v2 =	vld [tilespmem:s7+$0x20]  }
0x3d5: {  	v14 =	vmul.f32 v3, v0;
	v3 =	vld [tilespmem:s15+$0x30]  }
0x3d6: {  	v15 =	vld [tilespmem:s7+$0x30]  }
0x3d7: {  	v0 =	vmul.f32 v12, v4;
	v4 =	vld [tilespmem:s15+$0x40]  }
0x3d8: {  	v12 =	vld [tilespmem:s7+$0x40]  }
0x3d9: {  	v1 =	vmul.f32 v2, v1;
	v16 =	vld [tilespmem:s15+$0x50]  }
0x3da: {  	v17 =	vld [tilespmem:s7+$0x50]  }
0x3db: {  	v18 =	vld [tilespmem:s15+$0xFFFFFF80];
	v3 =	vmul.f32 v15, v3  }
0x3dc: {  	v15 =	vld [tilespmem:s8+$0xFFFFFF80]  }
0x3dd: {  	v19 =	vld [tilespmem:s8+$0xFFFFFF90];
	v2 =	vmul.f32 v12, v4  }
0x3de: {  	v12 =	vld [tilespmem:s8+$0xFFFFFFA0]  }
0x3df: {  	v20 =	vld [tilespmem:s8+$0xFFFFFFB0];
	v4 =	vmul.f32 v17, v16  }
0x3e0: {  	v9 =	vmul.f32 v9, v18;
	v16 =	vld [tilespmem:s8+$0xFFFFFFC0]  }
0x3e1: {  	v17 =	vld [tilespmem:s8+$0xFFFFFFD0]  }
0x3e2: {  	v9 =	vmul.f32 v15, v9;
	v8 =	vmul.f32 v19, v8;
	v15 =	vld [tilespmem:s8+$0xFFFFFFE0]  }
0x3e3: {  	v6 =	vmul.f32 v12, v6;
	v18 =	vld [tilespmem:s8+$0xFFFFFFF0]  }
0x3e4: {  	v8 =	vadd.f32 v8, v9;
	v9 =	vmul.f32 v20, v5;
	v19 =	vld [tilespmem:s8+$0x0]  }
.Ltmp13:
0x3e5: {  	v12 =	vmul.f32 v16, v10;
	v5 =	vld [tilespmem:s8+$0x10];
	(pc) =	sbr.rel @p0 .LBB2_28-.Ltmp13, $4  }
0x3e6: {  	[tilespmem:s12+$0xFFFFFFC0] =	vst v8;
	v8 =	vadd.f32 v9, v6;
	v9 =	vmul.f32 v17, v11;
	v6 =	vld [tilespmem:s8+$0x20]  }
0x3e7: {  	v10 =	vmul.f32 v15, v7;
	v7 =	vld [tilespmem:s8+$0x30]  }
0x3e8: {  	[tilespmem:s12+$0xFFFFFFD0] =	vst v8;
	v12 =	vadd.f32 v9, v12;
	v13 =	vmul.f32 v18, v13;
	v8 =	vld [tilespmem:s8+$0x40]  }
0x3e9: {  	s15 =	sadd.s32 $0x100, s15;
	v11 =	vmul.f32 v19, v14;
	v9 =	vld [tilespmem:s8+$0x50]  }
0x3ea: {  	_ =	sdelay $0x1  }
0x3eb: {  	v0 =	vmul.f32 v5, v0  }
0x3ec: {  	v5 =	vadd.f32 v13, v10;
	v1 =	vmul.f32 v6, v1;
	v3 =	vmul.f32 v7, v3  }
0x3ed: {  	[tilespmem:s12+$0xFFFFFFE0] =	vst v12;
	v0 =	vadd.f32 v0, v11;
	v2 =	vmul.f32 v8, v2;
	v4 =	vmul.f32 v9, v4  }
0x3ee: {  	[tilespmem:s12+$0xFFFFFFF0] =	vst v5;
	v1 =	vadd.f32 v3, v1  }
0x3ef: {  	[tilespmem:s12+$0x0] =	vst v0;
	v0 =	vadd.f32 v4, v2  }
0x3f0: {  	[tilespmem:s12+$0x10] =	vst v1  }
0x3f1: {  	[tilespmem:s12+$0x20] =	vst v0  }
0x3f2: {  	s16 =	simm.s32 $0x0;
	s7 =	rddreg [dreg:$0x6]  }
0x3f3: {  	[hbm4b:s7+s16] =	stream.linear.scatter [tilespmem:s26], [sflag:$0x5], $0x800, $0x38;
	[tilespmem:$0x1A600] =	vst v63  }
0x3f4: {  	_ =	swait.ge [sflag:s28], $0x1000  }
0x3f5: {  	[sflag:s28] =	ssyncset.done $0x0  }
0x3f6: {  	[sflag:s28] =	ssyncadd.s32 $0xFFFFF000  }
0x3f7: {  	_ =	swait.ge [sflag:s28], $0x1000  }
0x3f8: {  	[sflag:s28] =	ssyncset.done $0x0  }
0x3f9: {  	[sflag:s28] =	ssyncadd.s32 $0xFFFFF000  }
0x3fa: {  	_ =	swait.ge [sflag:s28], $0x1000  }
0x3fb: {  	[sflag:s28] =	ssyncset.done $0x0  }
0x3fc: {  	s21 =	simm.s32 $0x6;
	[sflag:s28] =	ssyncadd.s32 $0xFFFFF000  }
0x3fd: {  	_ =	swait.ge [sflag:s21], $0x800  }
0x3fe: {  	[sflag:s21] =	ssyncset.done $0x0  }
0x3ff: {  	s15 =	simm.s32 $0xD680;
	[sflag:s21] =	ssyncadd.s32 $0xFFFFF800  }
0x400: {  	s7 =	simm.s32 $0x11680;
	v0 =	vld [tilespmem:s15+$0x60]  }
0x401: {  	v1 =	vld [tilespmem:s7+$0x60]  }
0x402: {  	v2 =	vld [tilespmem:s15+$0x70]  }
0x403: {  	s8 =	simm.s32 $0x15680;
	v3 =	vld [tilespmem:s7+$0x70]  }
0x404: {  	v4 =	vld [tilespmem:s8+$0x60]  }
0x405: {  	v5 =	vld [tilespmem:s8+$0x70]  }
0x406: {  	v6 =	vld [tilespmem:s7+$0xFFFFFF80]  }
0x407: {  	v7 =	vld [tilespmem:s15+$0xFFFFFF90]  }
0x408: {  	v8 =	vld [tilespmem:s7+$0xFFFFFF90]  }
0x409: {  	v9 =	vld [tilespmem:s15+$0xFFFFFFA0]  }
0x40a: {  	v10 =	vld [tilespmem:s7+$0xFFFFFFA0]  }
0x40b: {  	v11 =	vld [tilespmem:s15+$0xFFFFFFB0]  }
0x40c: {  	v12 =	vld [tilespmem:s7+$0xFFFFFFB0]  }
0x40d: {  	v13 =	vld [tilespmem:s15+$0xFFFFFFC0]  }
0x40e: {  	v14 =	vld [tilespmem:s7+$0xFFFFFFC0]  }
0x40f: {  	v15 =	vld [tilespmem:s15+$0xFFFFFFD0]  }
0x410: {  	v16 =	vld [tilespmem:s7+$0xFFFFFFD0]  }
0x411: {  	v17 =	vld [tilespmem:s15+$0xFFFFFFE0]  }
0x412: {  	v18 =	vld [tilespmem:s7+$0xFFFFFFE0]  }
0x413: {  	v19 =	vld [tilespmem:s15+$0xFFFFFFF0]  }
0x414: {  	v20 =	vld [tilespmem:s7+$0xFFFFFFF0]  }
0x415: {  	v21 =	vld [tilespmem:s15+$0x0]  }
0x416: {  	v22 =	vld [tilespmem:s7+$0x0]  }
0x417: {  	v23 =	vld [tilespmem:s15+$0x10]  }
0x418: {  	v24 =	vld [tilespmem:s7+$0x10]  }
0x419: {  	v25 =	vld [tilespmem:s15+$0x20]  }
0x41a: {  	v26 =	vld [tilespmem:s7+$0x20]  }
0x41b: {  	v27 =	vld [tilespmem:s15+$0x30]  }
0x41c: {  	v28 =	vld [tilespmem:s7+$0x30]  }
0x41d: {  	v29 =	vld [tilespmem:s15+$0x40]  }
0x41e: {  	v30 =	vld [tilespmem:s7+$0x40]  }
0x41f: {  	v31 =	vld [tilespmem:s15+$0x50]  }
0x420: {  	v32 =	vld [tilespmem:s7+$0x50]  }
0x421: {  	v33 =	vld [tilespmem:s8+$0xFFFFFF90];
	v0 =	vmul.f32 v1, v0  }
0x422: {  	v1 =	vld [tilespmem:s15+$0xFFFFFF80];
	v2 =	vmul.f32 v3, v2  }
0x423: {  	v3 =	vld [tilespmem:s8+$0xFFFFFF80];
	v59 =	vmul.f32 v22, v21;
	v4 =	vmul.f32 v4, v0  }
0x424: {  	v2 =	vmul.f32 v5, v2;
	v5 =	vmul.f32 v8, v7;
	v7 =	vld [tilespmem:s8+$0xFFFFFFA0]  }
0x425: {  	v8 =	vmul.f32 v10, v9;
	v9 =	vmul.f32 v12, v11;
	v10 =	vld [tilespmem:s8+$0xFFFFFFB0]  }
0x426: {  	v58 =	vld [tilespmem:s8+$0xFFFFFFD0];
	v11 =	vmul.f32 v14, v13;
	v12 =	vmul.f32 v16, v15  }
0x427: {  	v13 =	vld [tilespmem:s8+$0xFFFFFFC0];
	v14 =	vmul.f32 v18, v17;
	v6 =	vmul.f32 v6, v1  }
0x428: {  	v60 =	vld [tilespmem:s8+$0xFFFFFFE0];
	v15 =	vmul.f32 v20, v19;
	v0 =	vmul.f32 v24, v23  }
0x429: {  	v61 =	vld [tilespmem:s8+$0xFFFFFFF0];
	v62 =	vmul.f32 v33, v5;
	v6 =	vmul.f32 v3, v6  }
0x42a: {  	v63 =	vld [tilespmem:s8+$0x0];
	v7 =	vmul.f32 v7, v8;
	v8 =	vmul.f32 v10, v9  }
0x42b: {  	v4 =	vadd.f32 v2, v4;
	v5 =	vld [tilespmem:s8+$0x10];
	v2 =	vmul.f32 v30, v29;
	v12 =	vmul.f32 v58, v12  }
0x42c: {  	s12 =	simm.s32 $0x18E40;
	v11 =	vmul.f32 v13, v11;
	v9 =	vadd.f32 v62, v6;
	v6 =	vld [tilespmem:s8+$0x20];
	v13 =	vadd.f32 v8, v7  }
0x42d: {  	v1 =	vmul.f32 v26, v25;
	[tilespmem:s12+$0x30] =	vst v4;
	v4 =	vmul.f32 v32, v31;
	v7 =	vld [tilespmem:s8+$0x30]  }
0x42e: {  	v10 =	vmul.f32 v60, v14;
	v8 =	vld [tilespmem:s8+$0x40];
	v12 =	vadd.f32 v12, v11;
	[tilespmem:s12+$0xFFFFFFD0] =	vst v13;
	v13 =	vmul.f32 v61, v15  }
0x42f: {  	s14 =	simm.s32 $0x0;
	s15 =	simm.s32 $0xD780;
	v3 =	vmul.f32 v28, v27;
	v11 =	vmul.f32 v63, v59;
	[tilespmem:s12+$0xFFFFFFC0] =	vst v9;
	v9 =	vld [tilespmem:s8+$0x50]  }
.LBB2_30:
0x430: {  	v14 =	vld [tilespmem:s15+$0x60];
	[tilespmem:s12+$0xFFFFFFE0] =	vst v12;
	v10 =	vadd.f32 v13, v10;
	v0 =	vmul.f32 v5, v0;
	s7 =	sadd.s32 $0x100, s7  }
0x431: {  	v5 =	vld [tilespmem:s7+$0x60];
	v1 =	vmul.f32 v6, v1  }
0x432: {  	v6 =	vld [tilespmem:s15+$0x70];
	[tilespmem:s12+$0xFFFFFFF0] =	vst v10;
	v0 =	vadd.f32 v0, v11;
	v3 =	vmul.f32 v7, v3  }
0x433: {  	s14 =	sadd.s32 $0x8, s14;
	s8 =	sadd.s32 $0x100, s8;
	v7 =	vld [tilespmem:s7+$0x70];
	v2 =	vmul.f32 v8, v2  }
0x434: {  	p0 =	slt.u32 s14, $0x78;
	v8 =	vld [tilespmem:s8+$0x60];
	[tilespmem:s12+$0x0] =	vst v0;
	v0 =	vadd.f32 v3, v1;
	v1 =	vmul.f32 v9, v4  }
0x435: {  	v3 =	vld [tilespmem:s8+$0x70]  }
0x436: {  	v9 =	vld [tilespmem:s7+$0xFFFFFF80];
	[tilespmem:s12+$0x10] =	vst v0;
	v0 =	vadd.f32 v1, v2  }
0x437: {  	v1 =	vld [tilespmem:s15+$0xFFFFFF90]  }
0x438: {  	v4 =	vmul.f32 v5, v14;
	v2 =	vld [tilespmem:s7+$0xFFFFFF90];
	v5 =	vmul.f32 v7, v6;
	[tilespmem:s12+$0x20] =	vst v0  }
0x439: {  	v0 =	vld [tilespmem:s15+$0xFFFFFFA0]  }
0x43a: {  	v4 =	vmul.f32 v8, v4;
	v6 =	vld [tilespmem:s7+$0xFFFFFFA0];
	v3 =	vmul.f32 v3, v5  }
0x43b: {  	v5 =	vld [tilespmem:s15+$0xFFFFFFB0]  }
0x43c: {  	v7 =	vld [tilespmem:s7+$0xFFFFFFB0];
	v3 =	vadd.f32 v3, v4  }
0x43d: {  	s12 =	sadd.s32 $0x80, s12;
	v8 =	vmul.f32 v2, v1;
	v1 =	vld [tilespmem:s15+$0xFFFFFFC0]  }
0x43e: {  	v2 =	vld [tilespmem:s7+$0xFFFFFFC0];
	[tilespmem:s12+$0x30] =	vst v3  }
0x43f: {  	v6 =	vmul.f32 v6, v0;
	v0 =	vld [tilespmem:s15+$0xFFFFFFD0]  }
0x440: {  	v3 =	vld [tilespmem:s7+$0xFFFFFFD0]  }
0x441: {  	v5 =	vmul.f32 v7, v5;
	v4 =	vld [tilespmem:s15+$0xFFFFFFE0]  }
0x442: {  	v7 =	vld [tilespmem:s7+$0xFFFFFFE0]  }
0x443: {  	v10 =	vmul.f32 v2, v1;
	v1 =	vld [tilespmem:s15+$0xFFFFFFF0]  }
0x444: {  	v2 =	vld [tilespmem:s7+$0xFFFFFFF0]  }
0x445: {  	v11 =	vmul.f32 v3, v0;
	v0 =	vld [tilespmem:s15+$0x0]  }
0x446: {  	v3 =	vld [tilespmem:s7+$0x0]  }
0x447: {  	v7 =	vmul.f32 v7, v4;
	v4 =	vld [tilespmem:s15+$0x10]  }
0x448: {  	v12 =	vld [tilespmem:s7+$0x10]  }
0x449: {  	v13 =	vmul.f32 v2, v1;
	v1 =	vld [tilespmem:s15+$0x20]  }
0x44a: {  	v2 =	vld [tilespmem:s7+$0x20]  }
0x44b: {  	v14 =	vmul.f32 v3, v0;
	v3 =	vld [tilespmem:s15+$0x30]  }
0x44c: {  	v15 =	vld [tilespmem:s7+$0x30]  }
0x44d: {  	v0 =	vmul.f32 v12, v4;
	v4 =	vld [tilespmem:s15+$0x40]  }
0x44e: {  	v12 =	vld [tilespmem:s7+$0x40]  }
0x44f: {  	v1 =	vmul.f32 v2, v1;
	v16 =	vld [tilespmem:s15+$0x50]  }
0x450: {  	v17 =	vld [tilespmem:s7+$0x50]  }
0x451: {  	v18 =	vld [tilespmem:s15+$0xFFFFFF80];
	v3 =	vmul.f32 v15, v3  }
0x452: {  	v15 =	vld [tilespmem:s8+$0xFFFFFF80]  }
0x453: {  	v19 =	vld [tilespmem:s8+$0xFFFFFF90];
	v2 =	vmul.f32 v12, v4  }
0x454: {  	v12 =	vld [tilespmem:s8+$0xFFFFFFA0]  }
0x455: {  	v20 =	vld [tilespmem:s8+$0xFFFFFFB0];
	v4 =	vmul.f32 v17, v16  }
0x456: {  	v9 =	vmul.f32 v9, v18;
	v16 =	vld [tilespmem:s8+$0xFFFFFFC0]  }
0x457: {  	v17 =	vld [tilespmem:s8+$0xFFFFFFD0]  }
0x458: {  	v9 =	vmul.f32 v15, v9;
	v8 =	vmul.f32 v19, v8;
	v15 =	vld [tilespmem:s8+$0xFFFFFFE0]  }
0x459: {  	v6 =	vmul.f32 v12, v6;
	v18 =	vld [tilespmem:s8+$0xFFFFFFF0]  }
0x45a: {  	v8 =	vadd.f32 v8, v9;
	v9 =	vmul.f32 v20, v5;
	v19 =	vld [tilespmem:s8+$0x0]  }
.Ltmp14:
0x45b: {  	v12 =	vmul.f32 v16, v10;
	v5 =	vld [tilespmem:s8+$0x10];
	(pc) =	sbr.rel @p0 .LBB2_30-.Ltmp14, $4  }
0x45c: {  	[tilespmem:s12+$0xFFFFFFC0] =	vst v8;
	v8 =	vadd.f32 v9, v6;
	v9 =	vmul.f32 v17, v11;
	v6 =	vld [tilespmem:s8+$0x20]  }
0x45d: {  	v10 =	vmul.f32 v15, v7;
	v7 =	vld [tilespmem:s8+$0x30]  }
0x45e: {  	[tilespmem:s12+$0xFFFFFFD0] =	vst v8;
	v12 =	vadd.f32 v9, v12;
	v13 =	vmul.f32 v18, v13;
	v8 =	vld [tilespmem:s8+$0x40]  }
0x45f: {  	s15 =	sadd.s32 $0x100, s15;
	v11 =	vmul.f32 v19, v14;
	v9 =	vld [tilespmem:s8+$0x50]  }
0x460: {  	_ =	sdelay $0x1  }
0x461: {  	v0 =	vmul.f32 v5, v0  }
0x462: {  	v5 =	vadd.f32 v13, v10;
	v1 =	vmul.f32 v6, v1;
	v3 =	vmul.f32 v7, v3  }
0x463: {  	[tilespmem:s12+$0xFFFFFFE0] =	vst v12;
	v0 =	vadd.f32 v0, v11;
	v2 =	vmul.f32 v8, v2;
	v4 =	vmul.f32 v9, v4  }
0x464: {  	[tilespmem:s12+$0xFFFFFFF0] =	vst v5;
	v1 =	vadd.f32 v3, v1  }
0x465: {  	[tilespmem:s12+$0x0] =	vst v0;
	v0 =	vadd.f32 v4, v2  }
0x466: {  	[tilespmem:s12+$0x10] =	vst v1  }
0x467: {  	[tilespmem:s12+$0x20] =	vst v0  }
0x468: {  	s7 =	rddreg [dreg:$0x7]  }
0x469: {  	[hbm4b:s7+s16] =	stream.linear.scatter [tilespmem:s29], [sflag:$0x6], $0x800, $0x38;
	[tilespmem:$0x1A600] =	vst v63  }
0x46a: {  	_ =	swait.ge [sflag:s30], $0x1000  }
0x46b: {  	[sflag:s30] =	ssyncset.done $0x0  }
0x46c: {  	[sflag:s30] =	ssyncadd.s32 $0xFFFFF000  }
0x46d: {  	_ =	swait.ge [sflag:s30], $0x1000  }
0x46e: {  	[sflag:s30] =	ssyncset.done $0x0  }
0x46f: {  	[sflag:s30] =	ssyncadd.s32 $0xFFFFF000  }
0x470: {  	_ =	swait.ge [sflag:s30], $0x1000  }
0x471: {  	[sflag:s30] =	ssyncset.done $0x0  }
0x472: {  	s14 =	simm.s32 $0x7;
	[sflag:s30] =	ssyncadd.s32 $0xFFFFF000  }
0x473: {  	_ =	swait.ge [sflag:s14], $0x800  }
0x474: {  	[sflag:s14] =	ssyncset.done $0x0  }
0x475: {  	s15 =	simm.s32 $0xE680;
	[sflag:s14] =	ssyncadd.s32 $0xFFFFF800  }
0x476: {  	s7 =	simm.s32 $0x12680;
	v0 =	vld [tilespmem:s15+$0x60]  }
0x477: {  	v1 =	vld [tilespmem:s7+$0x60]  }
0x478: {  	v2 =	vld [tilespmem:s15+$0x70]  }
0x479: {  	s8 =	simm.s32 $0x16680;
	v3 =	vld [tilespmem:s7+$0x70]  }
0x47a: {  	v4 =	vld [tilespmem:s8+$0x60]  }
0x47b: {  	v5 =	vld [tilespmem:s8+$0x70]  }
0x47c: {  	v6 =	vld [tilespmem:s7+$0xFFFFFF80]  }
0x47d: {  	v7 =	vld [tilespmem:s15+$0xFFFFFF90]  }
0x47e: {  	v8 =	vld [tilespmem:s7+$0xFFFFFF90]  }
0x47f: {  	v9 =	vld [tilespmem:s15+$0xFFFFFFA0]  }
0x480: {  	v10 =	vld [tilespmem:s7+$0xFFFFFFA0]  }
0x481: {  	v11 =	vld [tilespmem:s15+$0xFFFFFFB0]  }
0x482: {  	v12 =	vld [tilespmem:s7+$0xFFFFFFB0]  }
0x483: {  	v13 =	vld [tilespmem:s15+$0xFFFFFFC0]  }
0x484: {  	v14 =	vld [tilespmem:s7+$0xFFFFFFC0]  }
0x485: {  	v15 =	vld [tilespmem:s15+$0xFFFFFFD0]  }
0x486: {  	v16 =	vld [tilespmem:s7+$0xFFFFFFD0]  }
0x487: {  	v17 =	vld [tilespmem:s15+$0xFFFFFFE0]  }
0x488: {  	v18 =	vld [tilespmem:s7+$0xFFFFFFE0]  }
0x489: {  	v19 =	vld [tilespmem:s15+$0xFFFFFFF0]  }
0x48a: {  	v20 =	vld [tilespmem:s7+$0xFFFFFFF0]  }
0x48b: {  	v21 =	vld [tilespmem:s15+$0x0]  }
0x48c: {  	v22 =	vld [tilespmem:s7+$0x0]  }
0x48d: {  	v23 =	vld [tilespmem:s15+$0x10]  }
0x48e: {  	v24 =	vld [tilespmem:s7+$0x10]  }
0x48f: {  	v25 =	vld [tilespmem:s15+$0x20]  }
0x490: {  	v26 =	vld [tilespmem:s7+$0x20]  }
0x491: {  	v27 =	vld [tilespmem:s15+$0x30]  }
0x492: {  	v28 =	vld [tilespmem:s7+$0x30]  }
0x493: {  	v29 =	vld [tilespmem:s15+$0x40]  }
0x494: {  	v30 =	vld [tilespmem:s7+$0x40]  }
0x495: {  	v31 =	vld [tilespmem:s15+$0x50]  }
0x496: {  	v32 =	vld [tilespmem:s7+$0x50]  }
0x497: {  	v33 =	vld [tilespmem:s8+$0xFFFFFF90];
	v0 =	vmul.f32 v1, v0  }
0x498: {  	v1 =	vld [tilespmem:s15+$0xFFFFFF80];
	v2 =	vmul.f32 v3, v2  }
0x499: {  	v3 =	vld [tilespmem:s8+$0xFFFFFF80];
	v59 =	vmul.f32 v22, v21;
	v4 =	vmul.f32 v4, v0  }
0x49a: {  	v2 =	vmul.f32 v5, v2;
	v5 =	vmul.f32 v8, v7;
	v7 =	vld [tilespmem:s8+$0xFFFFFFA0]  }
0x49b: {  	v8 =	vmul.f32 v10, v9;
	v9 =	vmul.f32 v12, v11;
	v10 =	vld [tilespmem:s8+$0xFFFFFFB0]  }
0x49c: {  	v58 =	vld [tilespmem:s8+$0xFFFFFFD0];
	v11 =	vmul.f32 v14, v13;
	v12 =	vmul.f32 v16, v15  }
0x49d: {  	v13 =	vld [tilespmem:s8+$0xFFFFFFC0];
	v14 =	vmul.f32 v18, v17;
	v6 =	vmul.f32 v6, v1  }
0x49e: {  	v60 =	vld [tilespmem:s8+$0xFFFFFFE0];
	v15 =	vmul.f32 v20, v19;
	v0 =	vmul.f32 v24, v23  }
0x49f: {  	v61 =	vld [tilespmem:s8+$0xFFFFFFF0];
	v62 =	vmul.f32 v33, v5;
	v6 =	vmul.f32 v3, v6  }
0x4a0: {  	v63 =	vld [tilespmem:s8+$0x0];
	v7 =	vmul.f32 v7, v8;
	v8 =	vmul.f32 v10, v9  }
0x4a1: {  	v4 =	vadd.f32 v2, v4;
	v5 =	vld [tilespmem:s8+$0x10];
	v2 =	vmul.f32 v30, v29;
	v12 =	vmul.f32 v58, v12  }
0x4a2: {  	s12 =	simm.s32 $0x19640;
	v11 =	vmul.f32 v13, v11;
	v9 =	vadd.f32 v62, v6;
	v6 =	vld [tilespmem:s8+$0x20];
	v13 =	vadd.f32 v8, v7  }
0x4a3: {  	v1 =	vmul.f32 v26, v25;
	[tilespmem:s12+$0x30] =	vst v4;
	v4 =	vmul.f32 v32, v31;
	v7 =	vld [tilespmem:s8+$0x30]  }
0x4a4: {  	v10 =	vmul.f32 v60, v14;
	v8 =	vld [tilespmem:s8+$0x40];
	v12 =	vadd.f32 v12, v11;
	[tilespmem:s12+$0xFFFFFFD0] =	vst v13;
	v13 =	vmul.f32 v61, v15  }
0x4a5: {  	s14 =	simm.s32 $0x0;
	s15 =	simm.s32 $0xE780;
	v3 =	vmul.f32 v28, v27;
	v11 =	vmul.f32 v63, v59;
	[tilespmem:s12+$0xFFFFFFC0] =	vst v9;
	v9 =	vld [tilespmem:s8+$0x50]  }
.LBB2_32:
0x4a6: {  	v14 =	vld [tilespmem:s15+$0x60];
	[tilespmem:s12+$0xFFFFFFE0] =	vst v12;
	v10 =	vadd.f32 v13, v10;
	v0 =	vmul.f32 v5, v0;
	s7 =	sadd.s32 $0x100, s7  }
0x4a7: {  	v5 =	vld [tilespmem:s7+$0x60];
	v1 =	vmul.f32 v6, v1  }
0x4a8: {  	v6 =	vld [tilespmem:s15+$0x70];
	[tilespmem:s12+$0xFFFFFFF0] =	vst v10;
	v0 =	vadd.f32 v0, v11;
	v3 =	vmul.f32 v7, v3  }
0x4a9: {  	s14 =	sadd.s32 $0x8, s14;
	s8 =	sadd.s32 $0x100, s8;
	v7 =	vld [tilespmem:s7+$0x70];
	v2 =	vmul.f32 v8, v2  }
0x4aa: {  	p0 =	slt.u32 s14, $0x78;
	v8 =	vld [tilespmem:s8+$0x60];
	[tilespmem:s12+$0x0] =	vst v0;
	v0 =	vadd.f32 v3, v1;
	v1 =	vmul.f32 v9, v4  }
0x4ab: {  	v3 =	vld [tilespmem:s8+$0x70]  }
0x4ac: {  	v9 =	vld [tilespmem:s7+$0xFFFFFF80];
	[tilespmem:s12+$0x10] =	vst v0;
	v0 =	vadd.f32 v1, v2  }
0x4ad: {  	v1 =	vld [tilespmem:s15+$0xFFFFFF90]  }
0x4ae: {  	v4 =	vmul.f32 v5, v14;
	v2 =	vld [tilespmem:s7+$0xFFFFFF90];
	v5 =	vmul.f32 v7, v6;
	[tilespmem:s12+$0x20] =	vst v0  }
0x4af: {  	v0 =	vld [tilespmem:s15+$0xFFFFFFA0]  }
0x4b0: {  	v4 =	vmul.f32 v8, v4;
	v6 =	vld [tilespmem:s7+$0xFFFFFFA0];
	v3 =	vmul.f32 v3, v5  }
0x4b1: {  	v5 =	vld [tilespmem:s15+$0xFFFFFFB0]  }
0x4b2: {  	v7 =	vld [tilespmem:s7+$0xFFFFFFB0];
	v3 =	vadd.f32 v3, v4  }
0x4b3: {  	s12 =	sadd.s32 $0x80, s12;
	v8 =	vmul.f32 v2, v1;
	v1 =	vld [tilespmem:s15+$0xFFFFFFC0]  }
0x4b4: {  	v2 =	vld [tilespmem:s7+$0xFFFFFFC0];
	[tilespmem:s12+$0x30] =	vst v3  }
0x4b5: {  	v6 =	vmul.f32 v6, v0;
	v0 =	vld [tilespmem:s15+$0xFFFFFFD0]  }
0x4b6: {  	v3 =	vld [tilespmem:s7+$0xFFFFFFD0]  }
0x4b7: {  	v5 =	vmul.f32 v7, v5;
	v4 =	vld [tilespmem:s15+$0xFFFFFFE0]  }
0x4b8: {  	v7 =	vld [tilespmem:s7+$0xFFFFFFE0]  }
0x4b9: {  	v10 =	vmul.f32 v2, v1;
	v1 =	vld [tilespmem:s15+$0xFFFFFFF0]  }
0x4ba: {  	v2 =	vld [tilespmem:s7+$0xFFFFFFF0]  }
0x4bb: {  	v11 =	vmul.f32 v3, v0;
	v0 =	vld [tilespmem:s15+$0x0]  }
0x4bc: {  	v3 =	vld [tilespmem:s7+$0x0]  }
0x4bd: {  	v7 =	vmul.f32 v7, v4;
	v4 =	vld [tilespmem:s15+$0x10]  }
0x4be: {  	v12 =	vld [tilespmem:s7+$0x10]  }
0x4bf: {  	v13 =	vmul.f32 v2, v1;
	v1 =	vld [tilespmem:s15+$0x20]  }
0x4c0: {  	v2 =	vld [tilespmem:s7+$0x20]  }
0x4c1: {  	v14 =	vmul.f32 v3, v0;
	v3 =	vld [tilespmem:s15+$0x30]  }
0x4c2: {  	v15 =	vld [tilespmem:s7+$0x30]  }
0x4c3: {  	v0 =	vmul.f32 v12, v4;
	v4 =	vld [tilespmem:s15+$0x40]  }
0x4c4: {  	v12 =	vld [tilespmem:s7+$0x40]  }
0x4c5: {  	v1 =	vmul.f32 v2, v1;
	v16 =	vld [tilespmem:s15+$0x50]  }
0x4c6: {  	v17 =	vld [tilespmem:s7+$0x50]  }
0x4c7: {  	v18 =	vld [tilespmem:s15+$0xFFFFFF80];
	v3 =	vmul.f32 v15, v3  }
0x4c8: {  	v15 =	vld [tilespmem:s8+$0xFFFFFF80]  }
0x4c9: {  	v19 =	vld [tilespmem:s8+$0xFFFFFF90];
	v2 =	vmul.f32 v12, v4  }
0x4ca: {  	v12 =	vld [tilespmem:s8+$0xFFFFFFA0]  }
0x4cb: {  	v20 =	vld [tilespmem:s8+$0xFFFFFFB0];
	v4 =	vmul.f32 v17, v16  }
0x4cc: {  	v9 =	vmul.f32 v9, v18;
	v16 =	vld [tilespmem:s8+$0xFFFFFFC0]  }
0x4cd: {  	v17 =	vld [tilespmem:s8+$0xFFFFFFD0]  }
0x4ce: {  	v9 =	vmul.f32 v15, v9;
	v8 =	vmul.f32 v19, v8;
	v15 =	vld [tilespmem:s8+$0xFFFFFFE0]  }
0x4cf: {  	v6 =	vmul.f32 v12, v6;
	v18 =	vld [tilespmem:s8+$0xFFFFFFF0]  }
0x4d0: {  	v8 =	vadd.f32 v8, v9;
	v9 =	vmul.f32 v20, v5;
	v19 =	vld [tilespmem:s8+$0x0]  }
.Ltmp15:
0x4d1: {  	v12 =	vmul.f32 v16, v10;
	v5 =	vld [tilespmem:s8+$0x10];
	(pc) =	sbr.rel @p0 .LBB2_32-.Ltmp15, $4  }
0x4d2: {  	[tilespmem:s12+$0xFFFFFFC0] =	vst v8;
	v8 =	vadd.f32 v9, v6;
	v9 =	vmul.f32 v17, v11;
	v6 =	vld [tilespmem:s8+$0x20]  }
0x4d3: {  	v10 =	vmul.f32 v15, v7;
	v7 =	vld [tilespmem:s8+$0x30]  }
0x4d4: {  	[tilespmem:s12+$0xFFFFFFD0] =	vst v8;
	v12 =	vadd.f32 v9, v12;
	v13 =	vmul.f32 v18, v13;
	v8 =	vld [tilespmem:s8+$0x40]  }
0x4d5: {  	s15 =	sadd.s32 $0x100, s15;
	v11 =	vmul.f32 v19, v14;
	v9 =	vld [tilespmem:s8+$0x50]  }
0x4d6: {  	_ =	sdelay $0x1  }
0x4d7: {  	v0 =	vmul.f32 v5, v0  }
0x4d8: {  	v5 =	vadd.f32 v13, v10;
	v1 =	vmul.f32 v6, v1;
	v3 =	vmul.f32 v7, v3  }
0x4d9: {  	[tilespmem:s12+$0xFFFFFFE0] =	vst v12;
	v0 =	vadd.f32 v0, v11;
	v2 =	vmul.f32 v8, v2;
	v4 =	vmul.f32 v9, v4  }
0x4da: {  	[tilespmem:s12+$0xFFFFFFF0] =	vst v5;
	v1 =	vadd.f32 v3, v1  }
0x4db: {  	[tilespmem:s12+$0x0] =	vst v0;
	v0 =	vadd.f32 v4, v2  }
0x4dc: {  	[tilespmem:s12+$0x10] =	vst v1  }
0x4dd: {  	[tilespmem:s12+$0x20] =	vst v0  }
0x4de: {  	s7 =	rddreg [dreg:$0x8]  }
0x4df: {  	[hbm4b:s7+s16] =	stream.linear.scatter [tilespmem:s31], [sflag:$0x7], $0x800, $0x38;
	[tilespmem:$0x1A600] =	vst v63  }
0x4e0: {  	_ =	swait.ge [sflag:s1], $0x1000  }
0x4e1: {  	[sflag:s1] =	ssyncset.done $0x0  }
0x4e2: {  	[sflag:s1] =	ssyncadd.s32 $0xFFFFF000  }
0x4e3: {  	_ =	swait.ge [sflag:s1], $0x1000  }
0x4e4: {  	[sflag:s1] =	ssyncset.done $0x0  }
0x4e5: {  	[sflag:s1] =	ssyncadd.s32 $0xFFFFF000  }
0x4e6: {  	_ =	swait.ge [sflag:s1], $0x1000  }
0x4e7: {  	[sflag:s1] =	ssyncset.done $0x0  }
0x4e8: {  	s14 =	simm.s32 $0x8;
	[sflag:s1] =	ssyncadd.s32 $0xFFFFF000  }
0x4e9: {  	_ =	swait.ge [sflag:s14], $0x800  }
0x4ea: {  	[sflag:s14] =	ssyncset.done $0x0  }
0x4eb: {  	s15 =	simm.s32 $0xF680;
	[sflag:s14] =	ssyncadd.s32 $0xFFFFF800  }
0x4ec: {  	s7 =	simm.s32 $0x13680;
	v0 =	vld [tilespmem:s15+$0x60]  }
0x4ed: {  	v1 =	vld [tilespmem:s7+$0x60]  }
0x4ee: {  	v2 =	vld [tilespmem:s15+$0x70]  }
0x4ef: {  	s8 =	simm.s32 $0x17680;
	v3 =	vld [tilespmem:s7+$0x70]  }
0x4f0: {  	v4 =	vld [tilespmem:s8+$0x60]  }
0x4f1: {  	v5 =	vld [tilespmem:s8+$0x70]  }
0x4f2: {  	v6 =	vld [tilespmem:s7+$0xFFFFFF80]  }
0x4f3: {  	v7 =	vld [tilespmem:s15+$0xFFFFFF90]  }
0x4f4: {  	v8 =	vld [tilespmem:s7+$0xFFFFFF90]  }
0x4f5: {  	v9 =	vld [tilespmem:s15+$0xFFFFFFA0]  }
0x4f6: {  	v10 =	vld [tilespmem:s7+$0xFFFFFFA0]  }
0x4f7: {  	v11 =	vld [tilespmem:s15+$0xFFFFFFB0]  }
0x4f8: {  	v12 =	vld [tilespmem:s7+$0xFFFFFFB0]  }
0x4f9: {  	v13 =	vld [tilespmem:s15+$0xFFFFFFC0]  }
0x4fa: {  	v14 =	vld [tilespmem:s7+$0xFFFFFFC0]  }
0x4fb: {  	v15 =	vld [tilespmem:s15+$0xFFFFFFD0]  }
0x4fc: {  	v16 =	vld [tilespmem:s7+$0xFFFFFFD0]  }
0x4fd: {  	v17 =	vld [tilespmem:s15+$0xFFFFFFE0]  }
0x4fe: {  	v18 =	vld [tilespmem:s7+$0xFFFFFFE0]  }
0x4ff: {  	v19 =	vld [tilespmem:s15+$0xFFFFFFF0]  }
0x500: {  	v20 =	vld [tilespmem:s7+$0xFFFFFFF0]  }
0x501: {  	v21 =	vld [tilespmem:s15+$0x0]  }
0x502: {  	v22 =	vld [tilespmem:s7+$0x0]  }
0x503: {  	v23 =	vld [tilespmem:s15+$0x10]  }
0x504: {  	v24 =	vld [tilespmem:s7+$0x10]  }
0x505: {  	v25 =	vld [tilespmem:s15+$0x20]  }
0x506: {  	v26 =	vld [tilespmem:s7+$0x20]  }
0x507: {  	v27 =	vld [tilespmem:s15+$0x30]  }
0x508: {  	v28 =	vld [tilespmem:s7+$0x30]  }
0x509: {  	v29 =	vld [tilespmem:s15+$0x40]  }
0x50a: {  	v30 =	vld [tilespmem:s7+$0x40]  }
0x50b: {  	v31 =	vld [tilespmem:s15+$0x50]  }
0x50c: {  	v32 =	vld [tilespmem:s7+$0x50]  }
0x50d: {  	v33 =	vld [tilespmem:s8+$0xFFFFFF90];
	v0 =	vmul.f32 v1, v0  }
0x50e: {  	v1 =	vld [tilespmem:s15+$0xFFFFFF80];
	v2 =	vmul.f32 v3, v2  }
0x50f: {  	v3 =	vld [tilespmem:s8+$0xFFFFFF80];
	v59 =	vmul.f32 v22, v21;
	v4 =	vmul.f32 v4, v0  }
0x510: {  	v2 =	vmul.f32 v5, v2;
	v5 =	vmul.f32 v8, v7;
	v7 =	vld [tilespmem:s8+$0xFFFFFFA0]  }
0x511: {  	v8 =	vmul.f32 v10, v9;
	v9 =	vmul.f32 v12, v11;
	v10 =	vld [tilespmem:s8+$0xFFFFFFB0]  }
0x512: {  	v58 =	vld [tilespmem:s8+$0xFFFFFFD0];
	v11 =	vmul.f32 v14, v13;
	v12 =	vmul.f32 v16, v15  }
0x513: {  	v13 =	vld [tilespmem:s8+$0xFFFFFFC0];
	v14 =	vmul.f32 v18, v17;
	v6 =	vmul.f32 v6, v1  }
0x514: {  	v60 =	vld [tilespmem:s8+$0xFFFFFFE0];
	v15 =	vmul.f32 v20, v19;
	v0 =	vmul.f32 v24, v23  }
0x515: {  	v61 =	vld [tilespmem:s8+$0xFFFFFFF0];
	v62 =	vmul.f32 v33, v5;
	v6 =	vmul.f32 v3, v6  }
0x516: {  	v63 =	vld [tilespmem:s8+$0x0];
	v7 =	vmul.f32 v7, v8;
	v8 =	vmul.f32 v10, v9  }
0x517: {  	v4 =	vadd.f32 v2, v4;
	v5 =	vld [tilespmem:s8+$0x10];
	v2 =	vmul.f32 v30, v29;
	v12 =	vmul.f32 v58, v12  }
0x518: {  	s12 =	simm.s32 $0x19E40;
	v11 =	vmul.f32 v13, v11;
	v9 =	vadd.f32 v62, v6;
	v6 =	vld [tilespmem:s8+$0x20];
	v13 =	vadd.f32 v8, v7  }
0x519: {  	v1 =	vmul.f32 v26, v25;
	[tilespmem:s12+$0x30] =	vst v4;
	v4 =	vmul.f32 v32, v31;
	v7 =	vld [tilespmem:s8+$0x30]  }
0x51a: {  	v10 =	vmul.f32 v60, v14;
	v8 =	vld [tilespmem:s8+$0x40];
	v12 =	vadd.f32 v12, v11;
	[tilespmem:s12+$0xFFFFFFD0] =	vst v13;
	v13 =	vmul.f32 v61, v15  }
0x51b: {  	s14 =	simm.s32 $0x0;
	s15 =	simm.s32 $0xF780;
	v3 =	vmul.f32 v28, v27;
	v11 =	vmul.f32 v63, v59;
	[tilespmem:s12+$0xFFFFFFC0] =	vst v9;
	v9 =	vld [tilespmem:s8+$0x50]  }
.LBB2_34:
0x51c: {  	v14 =	vld [tilespmem:s15+$0x60];
	[tilespmem:s12+$0xFFFFFFE0] =	vst v12;
	v10 =	vadd.f32 v13, v10;
	v0 =	vmul.f32 v5, v0;
	s7 =	sadd.s32 $0x100, s7  }
0x51d: {  	v5 =	vld [tilespmem:s7+$0x60];
	v1 =	vmul.f32 v6, v1  }
0x51e: {  	v6 =	vld [tilespmem:s15+$0x70];
	[tilespmem:s12+$0xFFFFFFF0] =	vst v10;
	v0 =	vadd.f32 v0, v11;
	v3 =	vmul.f32 v7, v3  }
0x51f: {  	s14 =	sadd.s32 $0x8, s14;
	s8 =	sadd.s32 $0x100, s8;
	v7 =	vld [tilespmem:s7+$0x70];
	v2 =	vmul.f32 v8, v2  }
0x520: {  	p0 =	slt.u32 s14, $0x78;
	v8 =	vld [tilespmem:s8+$0x60];
	[tilespmem:s12+$0x0] =	vst v0;
	v0 =	vadd.f32 v3, v1;
	v1 =	vmul.f32 v9, v4  }
0x521: {  	v3 =	vld [tilespmem:s8+$0x70]  }
0x522: {  	v9 =	vld [tilespmem:s7+$0xFFFFFF80];
	[tilespmem:s12+$0x10] =	vst v0;
	v0 =	vadd.f32 v1, v2  }
0x523: {  	v1 =	vld [tilespmem:s15+$0xFFFFFF90]  }
0x524: {  	v4 =	vmul.f32 v5, v14;
	v2 =	vld [tilespmem:s7+$0xFFFFFF90];
	v5 =	vmul.f32 v7, v6;
	[tilespmem:s12+$0x20] =	vst v0  }
0x525: {  	v0 =	vld [tilespmem:s15+$0xFFFFFFA0]  }
0x526: {  	v4 =	vmul.f32 v8, v4;
	v6 =	vld [tilespmem:s7+$0xFFFFFFA0];
	v3 =	vmul.f32 v3, v5  }
0x527: {  	v5 =	vld [tilespmem:s15+$0xFFFFFFB0]  }
0x528: {  	v7 =	vld [tilespmem:s7+$0xFFFFFFB0];
	v3 =	vadd.f32 v3, v4  }
0x529: {  	s12 =	sadd.s32 $0x80, s12;
	v8 =	vmul.f32 v2, v1;
	v1 =	vld [tilespmem:s15+$0xFFFFFFC0]  }
0x52a: {  	v2 =	vld [tilespmem:s7+$0xFFFFFFC0];
	[tilespmem:s12+$0x30] =	vst v3  }
0x52b: {  	v6 =	vmul.f32 v6, v0;
	v0 =	vld [tilespmem:s15+$0xFFFFFFD0]  }
0x52c: {  	v3 =	vld [tilespmem:s7+$0xFFFFFFD0]  }
0x52d: {  	v5 =	vmul.f32 v7, v5;
	v4 =	vld [tilespmem:s15+$0xFFFFFFE0]  }
0x52e: {  	v7 =	vld [tilespmem:s7+$0xFFFFFFE0]  }
0x52f: {  	v10 =	vmul.f32 v2, v1;
	v1 =	vld [tilespmem:s15+$0xFFFFFFF0]  }
0x530: {  	v2 =	vld [tilespmem:s7+$0xFFFFFFF0]  }
0x531: {  	v11 =	vmul.f32 v3, v0;
	v0 =	vld [tilespmem:s15+$0x0]  }
0x532: {  	v3 =	vld [tilespmem:s7+$0x0]  }
0x533: {  	v7 =	vmul.f32 v7, v4;
	v4 =	vld [tilespmem:s15+$0x10]  }
0x534: {  	v12 =	vld [tilespmem:s7+$0x10]  }
0x535: {  	v13 =	vmul.f32 v2, v1;
	v1 =	vld [tilespmem:s15+$0x20]  }
0x536: {  	v2 =	vld [tilespmem:s7+$0x20]  }
0x537: {  	v14 =	vmul.f32 v3, v0;
	v3 =	vld [tilespmem:s15+$0x30]  }
0x538: {  	v15 =	vld [tilespmem:s7+$0x30]  }
0x539: {  	v0 =	vmul.f32 v12, v4;
	v4 =	vld [tilespmem:s15+$0x40]  }
0x53a: {  	v12 =	vld [tilespmem:s7+$0x40]  }
0x53b: {  	v1 =	vmul.f32 v2, v1;
	v16 =	vld [tilespmem:s15+$0x50]  }
0x53c: {  	v17 =	vld [tilespmem:s7+$0x50]  }
0x53d: {  	v18 =	vld [tilespmem:s15+$0xFFFFFF80];
	v3 =	vmul.f32 v15, v3  }
0x53e: {  	v15 =	vld [tilespmem:s8+$0xFFFFFF80]  }
0x53f: {  	v19 =	vld [tilespmem:s8+$0xFFFFFF90];
	v2 =	vmul.f32 v12, v4  }
0x540: {  	v12 =	vld [tilespmem:s8+$0xFFFFFFA0]  }
0x541: {  	v20 =	vld [tilespmem:s8+$0xFFFFFFB0];
	v4 =	vmul.f32 v17, v16  }
0x542: {  	v9 =	vmul.f32 v9, v18;
	v16 =	vld [tilespmem:s8+$0xFFFFFFC0]  }
0x543: {  	v17 =	vld [tilespmem:s8+$0xFFFFFFD0]  }
0x544: {  	v9 =	vmul.f32 v15, v9;
	v8 =	vmul.f32 v19, v8;
	v15 =	vld [tilespmem:s8+$0xFFFFFFE0]  }
0x545: {  	v6 =	vmul.f32 v12, v6;
	v18 =	vld [tilespmem:s8+$0xFFFFFFF0]  }
0x546: {  	v8 =	vadd.f32 v8, v9;
	v9 =	vmul.f32 v20, v5;
	v19 =	vld [tilespmem:s8+$0x0]  }
.Ltmp16:
0x547: {  	v12 =	vmul.f32 v16, v10;
	v5 =	vld [tilespmem:s8+$0x10];
	(pc) =	sbr.rel @p0 .LBB2_34-.Ltmp16, $4  }
0x548: {  	[tilespmem:s12+$0xFFFFFFC0] =	vst v8;
	v8 =	vadd.f32 v9, v6;
	v9 =	vmul.f32 v17, v11;
	v6 =	vld [tilespmem:s8+$0x20]  }
0x549: {  	v10 =	vmul.f32 v15, v7;
	v7 =	vld [tilespmem:s8+$0x30]  }
0x54a: {  	[tilespmem:s12+$0xFFFFFFD0] =	vst v8;
	v12 =	vadd.f32 v9, v12;
	v13 =	vmul.f32 v18, v13;
	v8 =	vld [tilespmem:s8+$0x40]  }
0x54b: {  	s15 =	sadd.s32 $0x100, s15;
	v11 =	vmul.f32 v19, v14;
	v9 =	vld [tilespmem:s8+$0x50]  }
0x54c: {  	_ =	sdelay $0x1  }
0x54d: {  	v0 =	vmul.f32 v5, v0  }
0x54e: {  	v62 =	vadd.f32 v13, v10;
	v1 =	vmul.f32 v6, v1;
	v3 =	vmul.f32 v7, v3  }
0x54f: {  	[tilespmem:s12+$0xFFFFFFE0] =	vst v12;
	v0 =	vadd.f32 v0, v11;
	v2 =	vmul.f32 v8, v2;
	v4 =	vmul.f32 v9, v4  }
0x550: {  	[tilespmem:s12+$0xFFFFFFF0] =	vst v62;
	v1 =	vadd.f32 v3, v1  }
0x551: {  	[tilespmem:s12+$0x0] =	vst v0;
	v63 =	vadd.f32 v4, v2  }
0x552: {  	[tilespmem:s12+$0x10] =	vst v1  }
0x553: {  	[tilespmem:s12+$0x20] =	vst v63  }
0x554: {  	s7 =	rddreg [dreg:$0x9]  }
0x555: {  	[hbm4b:s7+s16] =	stream.linear.scatter [tilespmem:s0], [sflag:$0x8], $0x800, $0x38;
	[tilespmem:$0x1A600] =	vst v63  }
0x556: {  	_ =	swait.ge [sflag:s20], $0x800  }
0x557: {  	[sflag:s20] =	ssyncset.done $0x0  }
0x558: {  	[sflag:s20] =	ssyncadd.s32 $0xFFFFF800  }
0x559: {  	_ =	swait.ge [sflag:s21], $0x800  }
0x55a: {  	[sflag:s21] =	ssyncset.done $0x0  }
0x55b: {  	s15 =	simm.s32 $0x7;
	[sflag:s21] =	ssyncadd.s32 $0xFFFFF800  }
0x55c: {  	_ =	swait.ge [sflag:s15], $0x800  }
0x55d: {  	[sflag:s15] =	ssyncset.done $0x0  }
0x55e: {  	s8 =	simm.s32 $0x8;
	[sflag:s15] =	ssyncadd.s32 $0xFFFFF800  }
0x55f: {  	_ =	swait.ge [sflag:s8], $0x800  }
0x560: {  	s20 =	rddreg [dreg:$0xb]  }
0x561: {  	s21 =	rddreg [dreg:$0xa];
	s12 =	sadd.s32 $0x1, s20  }
0x562: {  	p0 =	sne.s32 s12, s21  }
.Ltmp17:
0x563: {  	_ = 	snop;
	(pc) =	sbr.rel @p0 .LBB2_1-.Ltmp17, $3  }
0x564: {  	_ =	sdelay $0x1  }
0x565: {  	[sflag:s8] =	ssyncset.done $0x0  }
0x566: {  	[sflag:s8] =	ssyncadd.s32 $0xFFFFF800  }
0x567: {  	_ =	sfence.sel $0x180000  }
0x568: {  	[bflag:$0x0] =	sbarrier.arrive $0xFFFF  }
0x569: {  	_ =	strace $0x90000047  }
0x56a: {  	s0 =	stileid.u32;
	[bflag:$0x2] =	sbarrier.arrive $0xFFFF  }
0x56b: {  	p0 =	sne.s32 s0, $0x0;
	s0 =	rddreg [dreg:$0x2]  }
0x56c: {  	s0 =	sadd.s32 @!p0 $0x100000, s0  }
0x56d: {  	[sflag:s0] =	ssyncadd.tile.s32 @!p0 $0x1;
	_ =	shalt  }
.Lfunc_end2:
_tile_overlayer_lowered:
.L_overlay_start_2:
0x56e: {  	(tag) =	ssettag $0x2  }
0x56f: {  	s0 =	rddreg [dreg:$0x0];
	s2 =	stileid.u32  }
0x570: {  	s1 =	rddreg [dreg:$0x1];
	p0 =	sne.s32 s2, $0x0  }
0x571: {  	s3 =	rddreg [dreg:$0x2];
	[bflag:$0x3] =	sbarrier.arrive $0xFFFF;
	s2 =	simm.s32 @!p0 $0x1C09  }
0x572: {  	[timem:s3], [sflag:s2] =	dma.local @!p0 [hbm:s0], s1  }
0x573: {  	s0 =	simm.s32 @!p0 $0x9  }
0x574: {  	_ =	swait.ge @!p0 [sflag:s0], s1  }
0x575: {  	s1 =	ssub.s32 @!p0 $0x0, s1;
	[sflag:s0] =	ssyncset.done @!p0 $0x0  }
0x576: {  	[sflag:s0] =	ssyncadd.s32 @!p0 s1  }
0x577: {  	[bflag:$0x3] =	sbarrier.arrive $0xFFFF  }
0x578: {  	_ =	shalt  }

</sc_bundles>
